<compile_context>
chip_gen: v7x
topology: tpu7x:2x2x1
jax: 0.10.2.dev20260603
libtpu: 0.0.44.dev20260713+nightly
codegen_flags: <defaults>
</compile_context>

<pallas_src>
import jax
import jax.numpy as jnp
from jax import lax
from jax.experimental import pallas as pl
from jax.experimental.pallas import tpu as pltpu
from jax.experimental.pallas import tpu_sc as plsc

BETA = 0.9
K1 = 10.0
A = 0.2
P = 1.5
Q = -50.0
SUP_EPS = 3

B = 16384
C = 1000
M = 1_000_000

_SIZES = (8192, 8192)
_BASES = (0, 8192)


_COLS = 1024


def _ce_body(lt_ref, targets_ref, loss_ref):
    x = lt_ref[...]
    t = targets_ref[0, 0, :]
    m = jnp.max(x, axis=0)
    m = jnp.where(jnp.isfinite(m), m, 0.0)
    s = jnp.sum(jnp.exp(x - m[None, :]), axis=0)
    logz = m + jnp.log(s)
    row = lax.broadcasted_iota(jnp.int32, (C, _COLS), 0)
    picked = jnp.sum(jnp.where(row == t[None, :], x, 0.0), axis=0)
    loss_ref[0, 0, :] = logz - picked


def _ce_loss_chunk(logits_t, t3, base, size):
    grid = size // _COLS
    b0 = base // _COLS
    loss3 = pl.pallas_call(
        _ce_body,
        grid=(grid,),
        in_specs=[
            pl.BlockSpec((C, _COLS), lambda i, b0=b0: (0, b0 + i)),
            pl.BlockSpec((1, 1, _COLS), lambda i, b0=b0: (b0 + i, 0, 0)),
        ],
        out_specs=pl.BlockSpec((1, 1, _COLS), lambda i: (i, 0, 0)),
        out_shape=jax.ShapeDtypeStruct((grid, 1, _COLS), jnp.float32),
        compiler_params=pltpu.CompilerParams(
            dimension_semantics=("parallel",)),
    )(logits_t, t3)
    return loss3.reshape(size)



_NC = 2
_NS = 16
_NT = _NC * _NS
_BPT = B // _NT
_NJ = _BPT // 128
_NSUB = 2
_CHUNK = 31248
_SUB = _CHUNK // _NSUB
_TAIL = M - _NT * _CHUNK


def _tid():
    return lax.axis_index("s") * _NC + lax.axis_index("c")


def _sc_a_body(ea_hbm, idx_hbm, out_ea_hbm, g_hbm,
               idx_v, g_v, buf0_v, buf1_v, sem_i, sem_o, sem_g):
    tid = _tid()

    pltpu.sync_copy(idx_hbm.at[tid], idx_v)
    gathers = []
    for j in range(_NJ):
        gathers.append(pltpu.async_copy(
            ea_hbm.at[idx_v.at[j]], g_v.at[pl.ds(j * 128, 128)], sem_g))

    off = tid * _CHUNK
    bufs = [buf0_v, buf1_v]
    ins = [None] * _NSUB
    outs = [None] * _NSUB
    ins[0] = pltpu.async_copy(ea_hbm.at[pl.ds(off, _SUB)], bufs[0], sem_i)
    for i in range(_NSUB):
        if i + 1 < _NSUB:
            if i >= 1:
                outs[i - 1].wait()
            ins[i + 1] = pltpu.async_copy(
                ea_hbm.at[pl.ds(off + (i + 1) * _SUB, _SUB)],
                bufs[(i + 1) % 2], sem_i)
        ins[i].wait()
        outs[i] = pltpu.async_copy(
            bufs[i % 2], out_ea_hbm.at[pl.ds(off + i * _SUB, _SUB)],
            sem_o)
    for i in range(max(0, _NSUB - 2), _NSUB):
        outs[i].wait()

    @pl.when(tid == 0)
    def _():
        pltpu.sync_copy(ea_hbm.at[pl.ds(_NT * _CHUNK, _TAIL)],
                        buf0_v.at[pl.ds(0, _TAIL)])
        pltpu.sync_copy(buf0_v.at[pl.ds(0, _TAIL)],
                        out_ea_hbm.at[pl.ds(_NT * _CHUNK, _TAIL)])

    for cp in gathers:
        cp.wait()
    pltpu.sync_copy(g_v, g_hbm.at[pl.ds(tid * _BPT, _BPT)])


def _sc_copy_gather(exp_avg, idx3):
    fn = pl.kernel(
        _sc_a_body,
        out_type=(jax.ShapeDtypeStruct((M,), jnp.float32),
                  jax.ShapeDtypeStruct((B,), jnp.float32)),
        mesh=plsc.VectorSubcoreMesh(core_axis_name="c", subcore_axis_name="s"),
        scratch_types=[
            pltpu.VMEM((_NJ, 128), jnp.int32),
            pltpu.VMEM((_BPT,), jnp.float32),
            pltpu.VMEM((_SUB,), jnp.float32),
            pltpu.VMEM((_SUB,), jnp.float32),
            pltpu.SemaphoreType.DMA,
            pltpu.SemaphoreType.DMA,
            pltpu.SemaphoreType.DMA,
        ],
    )
    return fn(exp_avg, idx3)


def _make_sc_b_body(base, size):
    bpt = size // _NT
    nj = bpt // 128

    def _sc_b_body(g_hbm, loss_hbm, dpm_hbm, idx_hbm, s1_hbm, s2_hbm,
                   ea_ref, out_loss_ref,
                   idx_v, g_v, new_v, loss_v, dpm_v, out_v, s1_v, s2_v, sem):
        tid = _tid()
        gbase = base + tid * bpt

        stages = [
            pltpu.async_copy(idx_hbm.at[tid], idx_v, sem),
            pltpu.async_copy(g_hbm.at[pl.ds(gbase, bpt)], g_v, sem),
            pltpu.async_copy(loss_hbm.at[pl.ds(tid * bpt, bpt)], loss_v, sem),
            pltpu.async_copy(dpm_hbm.at[pl.ds(gbase, bpt)], dpm_v, sem),
            pltpu.async_copy(s1_hbm, s1_v, sem),
            pltpu.async_copy(s2_hbm, s2_v, sem),
        ]
        for cp in stages:
            cp.wait()

        s1 = s1_v[...]
        s2 = s2_v[...]
        for i in range(bpt // 16):
            sl = pl.ds(i * 16, 16)
            nw = g_v[sl] * BETA + loss_v[sl] * (1.0 - BETA)
            new_v[sl] = nw
            out_v[sl] = (nw * s1 - s2) / dpm_v[sl]

        scatters = []
        for j in range(nj):
            scatters.append(pltpu.async_copy(
                new_v.at[pl.ds(j * 128, 128)], ea_ref.at[idx_v.at[j]], sem))
        for cp in scatters:
            cp.wait()

        pltpu.sync_copy(out_v, out_loss_ref.at[pl.ds(gbase, bpt)])
    return _sc_b_body


def _sc_scatter_chunk(base, size, g, loss_k, dpm, idx_k, s1v, s2v, ea_ref,
                      out_loss_ref):
    bpt = size // _NT
    nj = bpt // 128
    fn = pl.kernel(
        _make_sc_b_body(base, size),
        out_type=(),
        mesh=plsc.VectorSubcoreMesh(core_axis_name="c", subcore_axis_name="s"),
        scratch_types=[
            pltpu.VMEM((nj, 128), jnp.int32),
            pltpu.VMEM((bpt,), jnp.float32),
            pltpu.VMEM((bpt,), jnp.float32),
            pltpu.VMEM((bpt,), jnp.float32),
            pltpu.VMEM((bpt,), jnp.float32),
            pltpu.VMEM((bpt,), jnp.float32),
            pltpu.VMEM((16,), jnp.float32),
            pltpu.VMEM((16,), jnp.float32),
            pltpu.SemaphoreType.DMA,
        ],
    )
    return fn(g, loss_k, dpm, idx_k, s1v, s2v, ea_ref, out_loss_ref)



def kernel(logits, targets, data_parameter_minibatch, exp_avg, index_dataset,
           epoch):
    idx3 = index_dataset.reshape(_NT, _NJ, 128)
    out_ea0, g = _sc_copy_gather(exp_avg, idx3)

    ep = jnp.asarray(epoch, jnp.float32)
    gamma = A * jnp.tanh(P * ep + Q) + A + 1.0
    es = jnp.where(ep < SUP_EPS, (ep + 1.0) / 10.0, 1.0)
    bias_cor = 1.0 - jnp.float32(BETA) ** (ep + 1.0)
    s1 = es / bias_cor
    s2 = gamma * K1 * es
    s1v = jnp.full((16,), s1, jnp.float32)
    s2v = jnp.full((16,), s2, jnp.float32)

    logits_t = logits.T
    t3 = targets.reshape(B // _COLS, 1, _COLS)
    ea_ref = jax.new_ref(out_ea0)
    out_loss_ref = jax.new_ref(jnp.zeros((B,), jnp.float32))
    for base, size in zip(_BASES, _SIZES):
        loss_k = _ce_loss_chunk(logits_t, t3, base, size)
        idx_k = lax.dynamic_slice_in_dim(index_dataset, base, size).reshape(
            _NT, size // _NT // 128, 128)
        _sc_scatter_chunk(
            base, size, g, loss_k, data_parameter_minibatch, idx_k, s1v, s2v,
            ea_ref, out_loss_ref)
    return jax.freeze(out_loss_ref), jax.freeze(ea_ref)

# --- scband reference (transcript-rebuilt; emitter-appended) ---
"""Pipeline reference for scband-discrim-ea-tanhloss-28630251995788 (READ-ONLY COPY).

The authoritative reference and input builder live on the scoring server;
editing this copy changes nothing except your own understanding.
"""

import jax, jax.numpy as jnp
import numpy as np

beta = 0.9
K1 = 10.0
A = 0.2
P = 1.5
Q = -50.0
SUP_EPS = 3


def ES_linear(ce, suppression_eps):
    return jnp.where(ce < suppression_eps, (ce + 1) / 10.0, 1.0)


def setup_inputs(seed: int = 0) -> dict:
    key = jax.random.key(seed)
    k1, k2, k3, k4, k5 = jax.random.split(key, 5)
    B = 16384
    C = 1000
    M = 1000000
    logits = jax.random.normal(k1, (B, C), dtype=jnp.float32)
    targets = jax.random.randint(k2, (B,), 0, C, dtype=jnp.int32)
    data_parameter_minibatch = jax.random.uniform(k3, (B,), dtype=jnp.float32)
    exp_avg = jax.random.uniform(k4, (M,), dtype=jnp.float32)
    index_dataset = jax.random.randint(k5, (B,), 0, M, dtype=jnp.int32)
    epoch = 5
    return {
        "logits": logits,
        "targets": targets,
        "data_parameter_minibatch": data_parameter_minibatch,
        "exp_avg": exp_avg,
        "index_dataset": index_dataset,
        "epoch": epoch,
    }


def reference(logits, targets, data_parameter_minibatch, exp_avg, index_dataset, epoch):
    # gamma = a * tanh(p * epoch + q) + a + 1.0
    gamma = A * jnp.tanh(P * epoch + Q) + A + 1.0
    es = ES_linear(epoch, SUP_EPS)
    # classification path: per-sample cross entropy, reduction='none'
    logz = jax.nn.logsumexp(logits, axis=-1)
    picked = jnp.take_along_axis(logits, targets[:, None].astype(jnp.int32), axis=1)[:, 0]
    loss = logz - picked
    # EMA gather from large per-example buffer (memory-bound gather)
    gathered = jnp.take(exp_avg, index_dataset, axis=0)
    new_loss = gathered * beta + loss * (1.0 - beta)
    # scatter-overwrite of detached EMA values back into the buffer
    exp_avg_new = exp_avg.at[index_dataset].set(jax.lax.stop_gradient(new_loss))
    bias_cor = 1.0 - beta ** (epoch + 1)
    new_loss = new_loss / bias_cor
    new_loss = new_loss - gamma * K1
    new_loss = new_loss * es
    new_loss = new_loss / data_parameter_minibatch
    return new_loss, exp_avg_new

if __name__ == "__main__":
    import jax
    _d = setup_inputs()
    print(jax.jit(kernel)(*tuple(_d.values())))

</pallas_src>

<mosaic_0001>
#map = affine_map<(d0, d1) -> (0)>
#map1 = affine_map<(d0, d1) -> (0, 0, 0)>
module attributes {stable_mosaic.version = 14 : i64} {
  func.func @_sc_a_body(%arg0: i32, %arg1: i32, %arg2: memref<1000000xf32, #tpu.memory_space<hbm>>, %arg3: memref<32x4x128xi32, #tpu.memory_space<hbm>>, %arg4: memref<1000000xf32, #tpu.memory_space<hbm>>, %arg5: memref<16384xf32, #tpu.memory_space<hbm>>, %arg6: memref<4x128xi32, #tpu.memory_space<vmem>>, %arg7: memref<512xf32, #tpu.memory_space<vmem>>, %arg8: memref<15624xf32, #tpu.memory_space<vmem>>, %arg9: memref<15624xf32, #tpu.memory_space<vmem>>, %arg10: memref<!tpu.dma_semaphore, #tpu.memory_space<semaphore_mem>>, %arg11: memref<!tpu.dma_semaphore, #tpu.memory_space<semaphore_mem>>, %arg12: memref<!tpu.dma_semaphore, #tpu.memory_space<semaphore_mem>>) attributes {dimension_semantics = [#tpu.dimension_semantics<core_parallel>, #tpu.dimension_semantics<subcore_parallel>], iteration_bounds = array<i64: 2, 16>, scalar_prefetch = 0 : i64, scratch_operands = 7 : i64, tpu.core_type = #tpu.core_type<sc_vector_subcore>, window_params = [{transform_indices = #map}, {transform_indices = #map1}, {transform_indices = #map}, {transform_indices = #map}]} {
    %mul3A = arith.constant 2 : i32
    %mul3A_0 = arith.muli %arg1, %mul3A : i32
    %add3A = arith.addi %mul3A_0, %arg0 : i32
    "tpu.region"() ({
      %run_scoped3A = tpu.sem_alloc : memref<!tpu.dma_semaphore, #tpu.memory_space<semaphore_mem>>
      %dma_start3A_91 = arith.constant 0 : i32
      %dma_start3A_92 = arith.constant 0 : i32
      %dma_start3A_93 = tpu.memref_slice %arg3[%add3A, %dma_start3A_91, %dma_start3A_92] : memref<32x4x128xi32, #tpu.memory_space<hbm>> -> memref<1x4x128xi32, #tpu.memory_space<hbm>>
      %dma_start3A_94 = tpu.memref_squeeze %dma_start3A_93 : memref<1x4x128xi32, #tpu.memory_space<hbm>> -> memref<4x128xi32, #tpu.memory_space<hbm>>
      %dma_start3A_95 = arith.constant 0 : i32
      %dma_start3A_96 = arith.constant 0 : i32
      %dma_start3A_97 = tpu.memref_slice %arg3[%add3A, %dma_start3A_95, %dma_start3A_96] : memref<32x4x128xi32, #tpu.memory_space<hbm>> -> memref<1x4x128xi32, #tpu.memory_space<hbm>>
      %dma_start3A_98 = tpu.memref_squeeze %dma_start3A_97 : memref<1x4x128xi32, #tpu.memory_space<hbm>> -> memref<4x128xi32, #tpu.memory_space<hbm>>
      tpu.enqueue_dma source(%dma_start3A_98 : memref<4x128xi32, #tpu.memory_space<hbm>>) target(%arg6 : memref<4x128xi32, #tpu.memory_space<vmem>>) target_semaphore(%run_scoped3A : memref<!tpu.dma_semaphore, #tpu.memory_space<semaphore_mem>>)
      %dma_wait3A_99 = arith.constant 0 : i32
      %dma_wait3A_100 = arith.constant 0 : i32
      %dma_wait3A_101 = tpu.memref_slice %arg3[%add3A, %dma_wait3A_99, %dma_wait3A_100] : memref<32x4x128xi32, #tpu.memory_space<hbm>> -> memref<1x4x128xi32, #tpu.memory_space<hbm>>
      %dma_wait3A_102 = tpu.memref_squeeze %dma_wait3A_101 : memref<1x4x128xi32, #tpu.memory_space<hbm>> -> memref<4x128xi32, #tpu.memory_space<hbm>>
      %dma_wait3A_103 = arith.constant 0 : i32
      %dma_wait3A_104 = arith.constant 0 : i32
      %dma_wait3A_105 = tpu.memref_slice %arg3[%add3A, %dma_wait3A_103, %dma_wait3A_104] : memref<32x4x128xi32, #tpu.memory_space<hbm>> -> memref<1x4x128xi32, #tpu.memory_space<hbm>>
      %dma_wait3A_106 = tpu.memref_squeeze %dma_wait3A_105 : memref<1x4x128xi32, #tpu.memory_space<hbm>> -> memref<4x128xi32, #tpu.memory_space<hbm>>
      tpu.wait_dma2 semaphore(%run_scoped3A : memref<!tpu.dma_semaphore, #tpu.memory_space<semaphore_mem>>) src(%dma_wait3A_106 : memref<4x128xi32, #tpu.memory_space<hbm>>) dst(%arg6 : memref<4x128xi32, #tpu.memory_space<vmem>>)
      tpu.yield
    }) : () -> ()
    %dma_start3A = arith.constant 0 : i32
    %dma_start3A_1 = arith.constant 0 : i32
    %dma_start3A_2 = tpu.memref_slice %arg7[%dma_start3A_1] : memref<512xf32, #tpu.memory_space<vmem>> -> memref<128xf32, #tpu.memory_space<vmem>>
    %dma_start3A_3 = arith.constant 0 : i32
    %dma_start3A_4 = tpu.memref_slice %arg6[%dma_start3A, %dma_start3A_3] : memref<4x128xi32, #tpu.memory_space<vmem>> -> memref<1x128xi32, #tpu.memory_space<vmem>>
    %dma_start3A_5 = tpu.memref_squeeze %dma_start3A_4 : memref<1x128xi32, #tpu.memory_space<vmem>> -> memref<128xi32, #tpu.memory_space<vmem>>
    %dma_start3A_6 = arith.constant 0 : i32
    %dma_start3A_7 = tpu.memref_slice %arg2[%dma_start3A_6] : memref<1000000xf32, #tpu.memory_space<hbm>> -> memref<1000000xf32, #tpu.memory_space<hbm>>
    tpu.enqueue_indirect_dma source(%dma_start3A_7 : memref<1000000xf32, #tpu.memory_space<hbm>>) target(%dma_start3A_2 : memref<128xf32, #tpu.memory_space<vmem>>) offsets(%dma_start3A_5 : memref<128xi32, #tpu.memory_space<vmem>>) semaphore(%arg12 : memref<!tpu.dma_semaphore, #tpu.memory_space<semaphore_mem>>)
    %dma_start3A_8 = arith.constant 1 : i32
    %dma_start3A_9 = arith.constant 128 : i32
    %dma_start3A_10 = tpu.memref_slice %arg7[%dma_start3A_9] : memref<512xf32, #tpu.memory_space<vmem>> -> memref<128xf32, #tpu.memory_space<vmem>>
    %dma_start3A_11 = arith.constant 0 : i32
    %dma_start3A_12 = tpu.memref_slice %arg6[%dma_start3A_8, %dma_start3A_11] : memref<4x128xi32, #tpu.memory_space<vmem>> -> memref<1x128xi32, #tpu.memory_space<vmem>>
    %dma_start3A_13 = tpu.memref_squeeze %dma_start3A_12 : memref<1x128xi32, #tpu.memory_space<vmem>> -> memref<128xi32, #tpu.memory_space<vmem>>
    %dma_start3A_14 = arith.constant 0 : i32
    %dma_start3A_15 = tpu.memref_slice %arg2[%dma_start3A_14] : memref<1000000xf32, #tpu.memory_space<hbm>> -> memref<1000000xf32, #tpu.memory_space<hbm>>
    tpu.enqueue_indirect_dma source(%dma_start3A_15 : memref<1000000xf32, #tpu.memory_space<hbm>>) target(%dma_start3A_10 : memref<128xf32, #tpu.memory_space<vmem>>) offsets(%dma_start3A_13 : memref<128xi32, #tpu.memory_space<vmem>>) semaphore(%arg12 : memref<!tpu.dma_semaphore, #tpu.memory_space<semaphore_mem>>)
    %dma_start3A_16 = arith.constant 2 : i32
    %dma_start3A_17 = arith.constant 256 : i32
    %dma_start3A_18 = tpu.memref_slice %arg7[%dma_start3A_17] : memref<512xf32, #tpu.memory_space<vmem>> -> memref<128xf32, #tpu.memory_space<vmem>>
    %dma_start3A_19 = arith.constant 0 : i32
    %dma_start3A_20 = tpu.memref_slice %arg6[%dma_start3A_16, %dma_start3A_19] : memref<4x128xi32, #tpu.memory_space<vmem>> -> memref<1x128xi32, #tpu.memory_space<vmem>>
    %dma_start3A_21 = tpu.memref_squeeze %dma_start3A_20 : memref<1x128xi32, #tpu.memory_space<vmem>> -> memref<128xi32, #tpu.memory_space<vmem>>
    %dma_start3A_22 = arith.constant 0 : i32
    %dma_start3A_23 = tpu.memref_slice %arg2[%dma_start3A_22] : memref<1000000xf32, #tpu.memory_space<hbm>> -> memref<1000000xf32, #tpu.memory_space<hbm>>
    tpu.enqueue_indirect_dma source(%dma_start3A_23 : memref<1000000xf32, #tpu.memory_space<hbm>>) target(%dma_start3A_18 : memref<128xf32, #tpu.memory_space<vmem>>) offsets(%dma_start3A_21 : memref<128xi32, #tpu.memory_space<vmem>>) semaphore(%arg12 : memref<!tpu.dma_semaphore, #tpu.memory_space<semaphore_mem>>)
    %dma_start3A_24 = arith.constant 3 : i32
    %dma_start3A_25 = arith.constant 384 : i32
    %dma_start3A_26 = tpu.memref_slice %arg7[%dma_start3A_25] : memref<512xf32, #tpu.memory_space<vmem>> -> memref<128xf32, #tpu.memory_space<vmem>>
    %dma_start3A_27 = arith.constant 0 : i32
    %dma_start3A_28 = tpu.memref_slice %arg6[%dma_start3A_24, %dma_start3A_27] : memref<4x128xi32, #tpu.memory_space<vmem>> -> memref<1x128xi32, #tpu.memory_space<vmem>>
    %dma_start3A_29 = tpu.memref_squeeze %dma_start3A_28 : memref<1x128xi32, #tpu.memory_space<vmem>> -> memref<128xi32, #tpu.memory_space<vmem>>
    %dma_start3A_30 = arith.constant 0 : i32
    %dma_start3A_31 = tpu.memref_slice %arg2[%dma_start3A_30] : memref<1000000xf32, #tpu.memory_space<hbm>> -> memref<1000000xf32, #tpu.memory_space<hbm>>
    tpu.enqueue_indirect_dma source(%dma_start3A_31 : memref<1000000xf32, #tpu.memory_space<hbm>>) target(%dma_start3A_26 : memref<128xf32, #tpu.memory_space<vmem>>) offsets(%dma_start3A_29 : memref<128xi32, #tpu.memory_space<vmem>>) semaphore(%arg12 : memref<!tpu.dma_semaphore, #tpu.memory_space<semaphore_mem>>)
    %mul3A_32 = arith.constant 31248 : i32
    %mul3A_33 = arith.muli %add3A, %mul3A_32 : i32
    %dma_start3A_34 = tpu.memref_slice %arg2[%mul3A_33] : memref<1000000xf32, #tpu.memory_space<hbm>> -> memref<15624xf32, #tpu.memory_space<hbm>>
    %dma_start3A_35 = tpu.memref_slice %arg2[%mul3A_33] : memref<1000000xf32, #tpu.memory_space<hbm>> -> memref<15624xf32, #tpu.memory_space<hbm>>
    tpu.enqueue_dma source(%dma_start3A_35 : memref<15624xf32, #tpu.memory_space<hbm>>) target(%arg8 : memref<15624xf32, #tpu.memory_space<vmem>>) target_semaphore(%arg10 : memref<!tpu.dma_semaphore, #tpu.memory_space<semaphore_mem>>)
    %add3A_36 = arith.constant 15624 : i32
    %add3A_37 = arith.addi %mul3A_33, %add3A_36 : i32
    %dma_start3A_38 = tpu.memref_slice %arg2[%add3A_37] : memref<1000000xf32, #tpu.memory_space<hbm>> -> memref<15624xf32, #tpu.memory_space<hbm>>
    %dma_start3A_39 = tpu.memref_slice %arg2[%add3A_37] : memref<1000000xf32, #tpu.memory_space<hbm>> -> memref<15624xf32, #tpu.memory_space<hbm>>
    tpu.enqueue_dma source(%dma_start3A_39 : memref<15624xf32, #tpu.memory_space<hbm>>) target(%arg9 : memref<15624xf32, #tpu.memory_space<vmem>>) target_semaphore(%arg10 : memref<!tpu.dma_semaphore, #tpu.memory_space<semaphore_mem>>)
    %dma_wait3A = tpu.memref_slice %arg2[%mul3A_33] : memref<1000000xf32, #tpu.memory_space<hbm>> -> memref<15624xf32, #tpu.memory_space<hbm>>
    %dma_wait3A_40 = tpu.memref_slice %arg2[%mul3A_33] : memref<1000000xf32, #tpu.memory_space<hbm>> -> memref<15624xf32, #tpu.memory_space<hbm>>
    tpu.wait_dma2 semaphore(%arg10 : memref<!tpu.dma_semaphore, #tpu.memory_space<semaphore_mem>>) src(%dma_wait3A_40 : memref<15624xf32, #tpu.memory_space<hbm>>) dst(%arg8 : memref<15624xf32, #tpu.memory_space<vmem>>)
    %add3A_41 = arith.constant 0 : i32
    %add3A_42 = arith.addi %mul3A_33, %add3A_41 : i32
    %dma_start3A_43 = tpu.memref_slice %arg4[%add3A_42] : memref<1000000xf32, #tpu.memory_space<hbm>> -> memref<15624xf32, #tpu.memory_space<hbm>>
    %dma_start3A_44 = tpu.memref_slice %arg4[%add3A_42] : memref<1000000xf32, #tpu.memory_space<hbm>> -> memref<15624xf32, #tpu.memory_space<hbm>>
    tpu.enqueue_dma source(%arg8 : memref<15624xf32, #tpu.memory_space<vmem>>) target(%dma_start3A_44 : memref<15624xf32, #tpu.memory_space<hbm>>) target_semaphore(%arg11 : memref<!tpu.dma_semaphore, #tpu.memory_space<semaphore_mem>>)
    %dma_wait3A_45 = tpu.memref_slice %arg2[%add3A_37] : memref<1000000xf32, #tpu.memory_space<hbm>> -> memref<15624xf32, #tpu.memory_space<hbm>>
    %dma_wait3A_46 = tpu.memref_slice %arg2[%add3A_37] : memref<1000000xf32, #tpu.memory_space<hbm>> -> memref<15624xf32, #tpu.memory_space<hbm>>
    tpu.wait_dma2 semaphore(%arg10 : memref<!tpu.dma_semaphore, #tpu.memory_space<semaphore_mem>>) src(%dma_wait3A_46 : memref<15624xf32, #tpu.memory_space<hbm>>) dst(%arg9 : memref<15624xf32, #tpu.memory_space<vmem>>)
    %add3A_47 = arith.constant 15624 : i32
    %add3A_48 = arith.addi %mul3A_33, %add3A_47 : i32
    %dma_start3A_49 = tpu.memref_slice %arg4[%add3A_48] : memref<1000000xf32, #tpu.memory_space<hbm>> -> memref<15624xf32, #tpu.memory_space<hbm>>
    %dma_start3A_50 = tpu.memref_slice %arg4[%add3A_48] : memref<1000000xf32, #tpu.memory_space<hbm>> -> memref<15624xf32, #tpu.memory_space<hbm>>
    tpu.enqueue_dma source(%arg9 : memref<15624xf32, #tpu.memory_space<vmem>>) target(%dma_start3A_50 : memref<15624xf32, #tpu.memory_space<hbm>>) target_semaphore(%arg11 : memref<!tpu.dma_semaphore, #tpu.memory_space<semaphore_mem>>)
    %dma_wait3A_51 = tpu.memref_slice %arg4[%add3A_42] : memref<1000000xf32, #tpu.memory_space<hbm>> -> memref<15624xf32, #tpu.memory_space<hbm>>
    %dma_wait3A_52 = tpu.memref_slice %arg4[%add3A_42] : memref<1000000xf32, #tpu.memory_space<hbm>> -> memref<15624xf32, #tpu.memory_space<hbm>>
    tpu.wait_dma2 semaphore(%arg11 : memref<!tpu.dma_semaphore, #tpu.memory_space<semaphore_mem>>) src(%arg8 : memref<15624xf32, #tpu.memory_space<vmem>>) dst(%dma_wait3A_52 : memref<15624xf32, #tpu.memory_space<hbm>>)
    %dma_wait3A_53 = tpu.memref_slice %arg4[%add3A_48] : memref<1000000xf32, #tpu.memory_space<hbm>> -> memref<15624xf32, #tpu.memory_space<hbm>>
    %dma_wait3A_54 = tpu.memref_slice %arg4[%add3A_48] : memref<1000000xf32, #tpu.memory_space<hbm>> -> memref<15624xf32, #tpu.memory_space<hbm>>
    tpu.wait_dma2 semaphore(%arg11 : memref<!tpu.dma_semaphore, #tpu.memory_space<semaphore_mem>>) src(%arg9 : memref<15624xf32, #tpu.memory_space<vmem>>) dst(%dma_wait3A_54 : memref<15624xf32, #tpu.memory_space<hbm>>)
    %eq3A = arith.constant 0 : i32
    %eq3A_55 = arith.cmpi eq, %add3A, %eq3A : i32
    %convert_element_type3A = arith.extui %eq3A_55 : i1 to i32
    %cond3A = arith.constant 0 : i32
    %cond3A_56 = arith.cmpi ne, %convert_element_type3A, %cond3A : i32
    scf.if %cond3A_56 {
      "tpu.region"() ({
        %run_scoped3A = tpu.sem_alloc : memref<!tpu.dma_semaphore, #tpu.memory_space<semaphore_mem>>
        %dma_start3A_91 = arith.constant 0 : i32
        %dma_start3A_92 = tpu.memref_slice %arg8[%dma_start3A_91] : memref<15624xf32, #tpu.memory_space<vmem>> -> memref<64xf32, #tpu.memory_space<vmem>>
        %dma_start3A_93 = arith.constant 999936 : i32
        %dma_start3A_94 = tpu.memref_slice %arg2[%dma_start3A_93] : memref<1000000xf32, #tpu.memory_space<hbm>> -> memref<64xf32, #tpu.memory_space<hbm>>
        %dma_start3A_95 = arith.constant 0 : i32
        %dma_start3A_96 = tpu.memref_slice %arg8[%dma_start3A_95] : memref<15624xf32, #tpu.memory_space<vmem>> -> memref<64xf32, #tpu.memory_space<vmem>>
        %dma_start3A_97 = arith.constant 999936 : i32
        %dma_start3A_98 = tpu.memref_slice %arg2[%dma_start3A_97] : memref<1000000xf32, #tpu.memory_space<hbm>> -> memref<64xf32, #tpu.memory_space<hbm>>
        tpu.enqueue_dma source(%dma_start3A_98 : memref<64xf32, #tpu.memory_space<hbm>>) target(%dma_start3A_96 : memref<64xf32, #tpu.memory_space<vmem>>) target_semaphore(%run_scoped3A : memref<!tpu.dma_semaphore, #tpu.memory_space<semaphore_mem>>)
        %dma_wait3A_99 = arith.constant 0 : i32
        %dma_wait3A_100 = tpu.memref_slice %arg8[%dma_wait3A_99] : memref<15624xf32, #tpu.memory_space<vmem>> -> memref<64xf32, #tpu.memory_space<vmem>>
        %dma_wait3A_101 = arith.constant 999936 : i32
        %dma_wait3A_102 = tpu.memref_slice %arg2[%dma_wait3A_101] : memref<1000000xf32, #tpu.memory_space<hbm>> -> memref<64xf32, #tpu.memory_space<hbm>>
        %dma_wait3A_103 = arith.constant 0 : i32
        %dma_wait3A_104 = tpu.memref_slice %arg8[%dma_wait3A_103] : memref<15624xf32, #tpu.memory_space<vmem>> -> memref<64xf32, #tpu.memory_space<vmem>>
        %dma_wait3A_105 = arith.constant 999936 : i32
        %dma_wait3A_106 = tpu.memref_slice %arg2[%dma_wait3A_105] : memref<1000000xf32, #tpu.memory_space<hbm>> -> memref<64xf32, #tpu.memory_space<hbm>>
        tpu.wait_dma2 semaphore(%run_scoped3A : memref<!tpu.dma_semaphore, #tpu.memory_space<semaphore_mem>>) src(%dma_wait3A_106 : memref<64xf32, #tpu.memory_space<hbm>>) dst(%dma_wait3A_104 : memref<64xf32, #tpu.memory_space<vmem>>)
        tpu.yield
      }) : () -> ()
      "tpu.region"() ({
        %run_scoped3A = tpu.sem_alloc : memref<!tpu.dma_semaphore, #tpu.memory_space<semaphore_mem>>
        %dma_start3A_91 = arith.constant 0 : i32
        %dma_start3A_92 = tpu.memref_slice %arg8[%dma_start3A_91] : memref<15624xf32, #tpu.memory_space<vmem>> -> memref<64xf32, #tpu.memory_space<vmem>>
        %dma_start3A_93 = arith.constant 999936 : i32
        %dma_start3A_94 = tpu.memref_slice %arg4[%dma_start3A_93] : memref<1000000xf32, #tpu.memory_space<hbm>> -> memref<64xf32, #tpu.memory_space<hbm>>
        %dma_start3A_95 = arith.constant 999936 : i32
        %dma_start3A_96 = tpu.memref_slice %arg4[%dma_start3A_95] : memref<1000000xf32, #tpu.memory_space<hbm>> -> memref<64xf32, #tpu.memory_space<hbm>>
        %dma_start3A_97 = arith.constant 0 : i32
        %dma_start3A_98 = tpu.memref_slice %arg8[%dma_start3A_97] : memref<15624xf32, #tpu.memory_space<vmem>> -> memref<64xf32, #tpu.memory_space<vmem>>
        tpu.enqueue_dma source(%dma_start3A_98 : memref<64xf32, #tpu.memory_space<vmem>>) target(%dma_start3A_96 : memref<64xf32, #tpu.memory_space<hbm>>) target_semaphore(%run_scoped3A : memref<!tpu.dma_semaphore, #tpu.memory_space<semaphore_mem>>)
        %dma_wait3A_99 = arith.constant 0 : i32
        %dma_wait3A_100 = tpu.memref_slice %arg8[%dma_wait3A_99] : memref<15624xf32, #tpu.memory_space<vmem>> -> memref<64xf32, #tpu.memory_space<vmem>>
        %dma_wait3A_101 = arith.constant 999936 : i32
        %dma_wait3A_102 = tpu.memref_slice %arg4[%dma_wait3A_101] : memref<1000000xf32, #tpu.memory_space<hbm>> -> memref<64xf32, #tpu.memory_space<hbm>>
        %dma_wait3A_103 = arith.constant 999936 : i32
        %dma_wait3A_104 = tpu.memref_slice %arg4[%dma_wait3A_103] : memref<1000000xf32, #tpu.memory_space<hbm>> -> memref<64xf32, #tpu.memory_space<hbm>>
        %dma_wait3A_105 = arith.constant 0 : i32
        %dma_wait3A_106 = tpu.memref_slice %arg8[%dma_wait3A_105] : memref<15624xf32, #tpu.memory_space<vmem>> -> memref<64xf32, #tpu.memory_space<vmem>>
        tpu.wait_dma2 semaphore(%run_scoped3A : memref<!tpu.dma_semaphore, #tpu.memory_space<semaphore_mem>>) src(%dma_wait3A_106 : memref<64xf32, #tpu.memory_space<vmem>>) dst(%dma_wait3A_104 : memref<64xf32, #tpu.memory_space<hbm>>)
        tpu.yield
      }) : () -> ()
    } else {
    }
    %dma_wait3A_57 = arith.constant 0 : i32
    %dma_wait3A_58 = arith.constant 0 : i32
    %dma_wait3A_59 = tpu.memref_slice %arg7[%dma_wait3A_58] : memref<512xf32, #tpu.memory_space<vmem>> -> memref<128xf32, #tpu.memory_space<vmem>>
    %dma_wait3A_60 = arith.constant 0 : i32
    %dma_wait3A_61 = tpu.memref_slice %arg6[%dma_wait3A_57, %dma_wait3A_60] : memref<4x128xi32, #tpu.memory_space<vmem>> -> memref<1x128xi32, #tpu.memory_space<vmem>>
    %dma_wait3A_62 = tpu.memref_squeeze %dma_wait3A_61 : memref<1x128xi32, #tpu.memory_space<vmem>> -> memref<128xi32, #tpu.memory_space<vmem>>
    %dma_wait3A_63 = arith.constant 0 : i32
    %dma_wait3A_64 = tpu.memref_slice %arg2[%dma_wait3A_63] : memref<1000000xf32, #tpu.memory_space<hbm>> -> memref<1000000xf32, #tpu.memory_space<hbm>>
    tpu.wait_indirect_dma semaphore(%arg12 : memref<!tpu.dma_semaphore, #tpu.memory_space<semaphore_mem>>) src(%dma_wait3A_64 : memref<1000000xf32, #tpu.memory_space<hbm>>) dst(%dma_wait3A_59 : memref<128xf32, #tpu.memory_space<vmem>>)
    %dma_wait3A_65 = arith.constant 1 : i32
    %dma_wait3A_66 = arith.constant 128 : i32
    %dma_wait3A_67 = tpu.memref_slice %arg7[%dma_wait3A_66] : memref<512xf32, #tpu.memory_space<vmem>> -> memref<128xf32, #tpu.memory_space<vmem>>
    %dma_wait3A_68 = arith.constant 0 : i32
    %dma_wait3A_69 = tpu.memref_slice %arg6[%dma_wait3A_65, %dma_wait3A_68] : memref<4x128xi32, #tpu.memory_space<vmem>> -> memref<1x128xi32, #tpu.memory_space<vmem>>
    %dma_wait3A_70 = tpu.memref_squeeze %dma_wait3A_69 : memref<1x128xi32, #tpu.memory_space<vmem>> -> memref<128xi32, #tpu.memory_space<vmem>>
    %dma_wait3A_71 = arith.constant 0 : i32
    %dma_wait3A_72 = tpu.memref_slice %arg2[%dma_wait3A_71] : memref<1000000xf32, #tpu.memory_space<hbm>> -> memref<1000000xf32, #tpu.memory_space<hbm>>
    tpu.wait_indirect_dma semaphore(%arg12 : memref<!tpu.dma_semaphore, #tpu.memory_space<semaphore_mem>>) src(%dma_wait3A_72 : memref<1000000xf32, #tpu.memory_space<hbm>>) dst(%dma_wait3A_67 : memref<128xf32, #tpu.memory_space<vmem>>)
    %dma_wait3A_73 = arith.constant 2 : i32
    %dma_wait3A_74 = arith.constant 256 : i32
    %dma_wait3A_75 = tpu.memref_slice %arg7[%dma_wait3A_74] : memref<512xf32, #tpu.memory_space<vmem>> -> memref<128xf32, #tpu.memory_space<vmem>>
    %dma_wait3A_76 = arith.constant 0 : i32
    %dma_wait3A_77 = tpu.memref_slice %arg6[%dma_wait3A_73, %dma_wait3A_76] : memref<4x128xi32, #tpu.memory_space<vmem>> -> memref<1x128xi32, #tpu.memory_space<vmem>>
    %dma_wait3A_78 = tpu.memref_squeeze %dma_wait3A_77 : memref<1x128xi32, #tpu.memory_space<vmem>> -> memref<128xi32, #tpu.memory_space<vmem>>
    %dma_wait3A_79 = arith.constant 0 : i32
    %dma_wait3A_80 = tpu.memref_slice %arg2[%dma_wait3A_79] : memref<1000000xf32, #tpu.memory_space<hbm>> -> memref<1000000xf32, #tpu.memory_space<hbm>>
    tpu.wait_indirect_dma semaphore(%arg12 : memref<!tpu.dma_semaphore, #tpu.memory_space<semaphore_mem>>) src(%dma_wait3A_80 : memref<1000000xf32, #tpu.memory_space<hbm>>) dst(%dma_wait3A_75 : memref<128xf32, #tpu.memory_space<vmem>>)
    %dma_wait3A_81 = arith.constant 3 : i32
    %dma_wait3A_82 = arith.constant 384 : i32
    %dma_wait3A_83 = tpu.memref_slice %arg7[%dma_wait3A_82] : memref<512xf32, #tpu.memory_space<vmem>> -> memref<128xf32, #tpu.memory_space<vmem>>
    %dma_wait3A_84 = arith.constant 0 : i32
    %dma_wait3A_85 = tpu.memref_slice %arg6[%dma_wait3A_81, %dma_wait3A_84] : memref<4x128xi32, #tpu.memory_space<vmem>> -> memref<1x128xi32, #tpu.memory_space<vmem>>
    %dma_wait3A_86 = tpu.memref_squeeze %dma_wait3A_85 : memref<1x128xi32, #tpu.memory_space<vmem>> -> memref<128xi32, #tpu.memory_space<vmem>>
    %dma_wait3A_87 = arith.constant 0 : i32
    %dma_wait3A_88 = tpu.memref_slice %arg2[%dma_wait3A_87] : memref<1000000xf32, #tpu.memory_space<hbm>> -> memref<1000000xf32, #tpu.memory_space<hbm>>
    tpu.wait_indirect_dma semaphore(%arg12 : memref<!tpu.dma_semaphore, #tpu.memory_space<semaphore_mem>>) src(%dma_wait3A_88 : memref<1000000xf32, #tpu.memory_space<hbm>>) dst(%dma_wait3A_83 : memref<128xf32, #tpu.memory_space<vmem>>)
    %mul3A_89 = arith.constant 512 : i32
    %mul3A_90 = arith.muli %add3A, %mul3A_89 : i32
    "tpu.region"() ({
      %run_scoped3A = tpu.sem_alloc : memref<!tpu.dma_semaphore, #tpu.memory_space<semaphore_mem>>
      %dma_start3A_91 = tpu.memref_slice %arg5[%mul3A_90] : memref<16384xf32, #tpu.memory_space<hbm>> -> memref<512xf32, #tpu.memory_space<hbm>>
      %dma_start3A_92 = tpu.memref_slice %arg5[%mul3A_90] : memref<16384xf32, #tpu.memory_space<hbm>> -> memref<512xf32, #tpu.memory_space<hbm>>
      tpu.enqueue_dma source(%arg7 : memref<512xf32, #tpu.memory_space<vmem>>) target(%dma_start3A_92 : memref<512xf32, #tpu.memory_space<hbm>>) target_semaphore(%run_scoped3A : memref<!tpu.dma_semaphore, #tpu.memory_space<semaphore_mem>>)
      %dma_wait3A_93 = tpu.memref_slice %arg5[%mul3A_90] : memref<16384xf32, #tpu.memory_space<hbm>> -> memref<512xf32, #tpu.memory_space<hbm>>
      %dma_wait3A_94 = tpu.memref_slice %arg5[%mul3A_90] : memref<16384xf32, #tpu.memory_space<hbm>> -> memref<512xf32, #tpu.memory_space<hbm>>
      tpu.wait_dma2 semaphore(%run_scoped3A : memref<!tpu.dma_semaphore, #tpu.memory_space<semaphore_mem>>) src(%arg7 : memref<512xf32, #tpu.memory_space<vmem>>) dst(%dma_wait3A_94 : memref<512xf32, #tpu.memory_space<hbm>>)
      tpu.yield
    }) : () -> ()
    return
  }
}

#map = affine_map<(d0, d1) -> (0)>
#map1 = affine_map<(d0, d1) -> (0, 0, 0)>
module attributes {stable_mosaic.version = 14 : i64} {
  func.func @new_body(%arg0: i32, %arg1: i32, %arg2: memref<16384xf32, #tpu.memory_space<hbm>>, %arg3: memref<8192xf32, #tpu.memory_space<hbm>>, %arg4: memref<16384xf32, #tpu.memory_space<hbm>>, %arg5: memref<32x2x128xi32, #tpu.memory_space<hbm>>, %arg6: memref<16xf32, #tpu.memory_space<hbm>>, %arg7: memref<16xf32, #tpu.memory_space<hbm>>, %arg8: memref<1000000xf32, #tpu.memory_space<hbm>>, %arg9: memref<16384xf32, #tpu.memory_space<hbm>>, %arg10: memref<1000000xf32, #tpu.memory_space<hbm>>, %arg11: memref<16384xf32, #tpu.memory_space<hbm>>, %arg12: memref<2x128xi32, #tpu.memory_space<vmem>>, %arg13: memref<256xf32, #tpu.memory_space<vmem>>, %arg14: memref<256xf32, #tpu.memory_space<vmem>>, %arg15: memref<256xf32, #tpu.memory_space<vmem>>, %arg16: memref<256xf32, #tpu.memory_space<vmem>>, %arg17: memref<256xf32, #tpu.memory_space<vmem>>, %arg18: memref<16xf32, #tpu.memory_space<vmem>>, %arg19: memref<16xf32, #tpu.memory_space<vmem>>, %arg20: memref<!tpu.dma_semaphore, #tpu.memory_space<semaphore_mem>>) attributes {dimension_semantics = [#tpu.dimension_semantics<core_parallel>, #tpu.dimension_semantics<subcore_parallel>], iteration_bounds = array<i64: 2, 16>, scalar_prefetch = 0 : i64, scratch_operands = 9 : i64, tpu.core_type = #tpu.core_type<sc_vector_subcore>, window_params = [{transform_indices = #map}, {transform_indices = #map}, {transform_indices = #map}, {transform_indices = #map1}, {transform_indices = #map}, {transform_indices = #map}, {transform_indices = #map}, {transform_indices = #map}, {transform_indices = #map}, {transform_indices = #map}]} {
    %mul3A = arith.constant 2 : i32
    %mul3A_0 = arith.muli %arg1, %mul3A : i32
    %add3A = arith.addi %mul3A_0, %arg0 : i32
    %mul3A_1 = arith.constant 256 : i32
    %mul3A_2 = arith.muli %add3A, %mul3A_1 : i32
    %add3A_3 = arith.constant 8192 : i32
    %add3A_4 = arith.addi %add3A_3, %mul3A_2 : i32
    %dma_start3A = arith.constant 0 : i32
    %dma_start3A_5 = arith.constant 0 : i32
    %dma_start3A_6 = tpu.memref_slice %arg5[%add3A, %dma_start3A, %dma_start3A_5] : memref<32x2x128xi32, #tpu.memory_space<hbm>> -> memref<1x2x128xi32, #tpu.memory_space<hbm>>
    %dma_start3A_7 = tpu.memref_squeeze %dma_start3A_6 : memref<1x2x128xi32, #tpu.memory_space<hbm>> -> memref<2x128xi32, #tpu.memory_space<hbm>>
    %dma_start3A_8 = arith.constant 0 : i32
    %dma_start3A_9 = arith.constant 0 : i32
    %dma_start3A_10 = tpu.memref_slice %arg5[%add3A, %dma_start3A_8, %dma_start3A_9] : memref<32x2x128xi32, #tpu.memory_space<hbm>> -> memref<1x2x128xi32, #tpu.memory_space<hbm>>
    %dma_start3A_11 = tpu.memref_squeeze %dma_start3A_10 : memref<1x2x128xi32, #tpu.memory_space<hbm>> -> memref<2x128xi32, #tpu.memory_space<hbm>>
    tpu.enqueue_dma source(%dma_start3A_11 : memref<2x128xi32, #tpu.memory_space<hbm>>) target(%arg12 : memref<2x128xi32, #tpu.memory_space<vmem>>) target_semaphore(%arg20 : memref<!tpu.dma_semaphore, #tpu.memory_space<semaphore_mem>>)
    %dma_start3A_12 = tpu.memref_slice %arg2[%add3A_4] : memref<16384xf32, #tpu.memory_space<hbm>> -> memref<256xf32, #tpu.memory_space<hbm>>
    %dma_start3A_13 = tpu.memref_slice %arg2[%add3A_4] : memref<16384xf32, #tpu.memory_space<hbm>> -> memref<256xf32, #tpu.memory_space<hbm>>
    tpu.enqueue_dma source(%dma_start3A_13 : memref<256xf32, #tpu.memory_space<hbm>>) target(%arg13 : memref<256xf32, #tpu.memory_space<vmem>>) target_semaphore(%arg20 : memref<!tpu.dma_semaphore, #tpu.memory_space<semaphore_mem>>)
    %mul3A_14 = arith.constant 256 : i32
    %mul3A_15 = arith.muli %add3A, %mul3A_14 : i32
    %dma_start3A_16 = tpu.memref_slice %arg3[%mul3A_15] : memref<8192xf32, #tpu.memory_space<hbm>> -> memref<256xf32, #tpu.memory_space<hbm>>
    %dma_start3A_17 = tpu.memref_slice %arg3[%mul3A_15] : memref<8192xf32, #tpu.memory_space<hbm>> -> memref<256xf32, #tpu.memory_space<hbm>>
    tpu.enqueue_dma source(%dma_start3A_17 : memref<256xf32, #tpu.memory_space<hbm>>) target(%arg15 : memref<256xf32, #tpu.memory_space<vmem>>) target_semaphore(%arg20 : memref<!tpu.dma_semaphore, #tpu.memory_space<semaphore_mem>>)
    %dma_start3A_18 = tpu.memref_slice %arg4[%add3A_4] : memref<16384xf32, #tpu.memory_space<hbm>> -> memref<256xf32, #tpu.memory_space<hbm>>
    %dma_start3A_19 = tpu.memref_slice %arg4[%add3A_4] : memref<16384xf32, #tpu.memory_space<hbm>> -> memref<256xf32, #tpu.memory_space<hbm>>
    tpu.enqueue_dma source(%dma_start3A_19 : memref<256xf32, #tpu.memory_space<hbm>>) target(%arg16 : memref<256xf32, #tpu.memory_space<vmem>>) target_semaphore(%arg20 : memref<!tpu.dma_semaphore, #tpu.memory_space<semaphore_mem>>)
    tpu.enqueue_dma source(%arg6 : memref<16xf32, #tpu.memory_space<hbm>>) target(%arg18 : memref<16xf32, #tpu.memory_space<vmem>>) target_semaphore(%arg20 : memref<!tpu.dma_semaphore, #tpu.memory_space<semaphore_mem>>)
    tpu.enqueue_dma source(%arg7 : memref<16xf32, #tpu.memory_space<hbm>>) target(%arg19 : memref<16xf32, #tpu.memory_space<vmem>>) target_semaphore(%arg20 : memref<!tpu.dma_semaphore, #tpu.memory_space<semaphore_mem>>)
    %dma_wait3A = arith.constant 0 : i32
    %dma_wait3A_20 = arith.constant 0 : i32
    %dma_wait3A_21 = tpu.memref_slice %arg5[%add3A, %dma_wait3A, %dma_wait3A_20] : memref<32x2x128xi32, #tpu.memory_space<hbm>> -> memref<1x2x128xi32, #tpu.memory_space<hbm>>
    %dma_wait3A_22 = tpu.memref_squeeze %dma_wait3A_21 : memref<1x2x128xi32, #tpu.memory_space<hbm>> -> memref<2x128xi32, #tpu.memory_space<hbm>>
    %dma_wait3A_23 = arith.constant 0 : i32
    %dma_wait3A_24 = arith.constant 0 : i32
    %dma_wait3A_25 = tpu.memref_slice %arg5[%add3A, %dma_wait3A_23, %dma_wait3A_24] : memref<32x2x128xi32, #tpu.memory_space<hbm>> -> memref<1x2x128xi32, #tpu.memory_space<hbm>>
    %dma_wait3A_26 = tpu.memref_squeeze %dma_wait3A_25 : memref<1x2x128xi32, #tpu.memory_space<hbm>> -> memref<2x128xi32, #tpu.memory_space<hbm>>
    tpu.wait_dma2 semaphore(%arg20 : memref<!tpu.dma_semaphore, #tpu.memory_space<semaphore_mem>>) src(%dma_wait3A_26 : memref<2x128xi32, #tpu.memory_space<hbm>>) dst(%arg12 : memref<2x128xi32, #tpu.memory_space<vmem>>)
    %dma_wait3A_27 = tpu.memref_slice %arg2[%add3A_4] : memref<16384xf32, #tpu.memory_space<hbm>> -> memref<256xf32, #tpu.memory_space<hbm>>
    %dma_wait3A_28 = tpu.memref_slice %arg2[%add3A_4] : memref<16384xf32, #tpu.memory_space<hbm>> -> memref<256xf32, #tpu.memory_space<hbm>>
    tpu.wait_dma2 semaphore(%arg20 : memref<!tpu.dma_semaphore, #tpu.memory_space<semaphore_mem>>) src(%dma_wait3A_28 : memref<256xf32, #tpu.memory_space<hbm>>) dst(%arg13 : memref<256xf32, #tpu.memory_space<vmem>>)
    %dma_wait3A_29 = tpu.memref_slice %arg3[%mul3A_15] : memref<8192xf32, #tpu.memory_space<hbm>> -> memref<256xf32, #tpu.memory_space<hbm>>
    %dma_wait3A_30 = tpu.memref_slice %arg3[%mul3A_15] : memref<8192xf32, #tpu.memory_space<hbm>> -> memref<256xf32, #tpu.memory_space<hbm>>
    tpu.wait_dma2 semaphore(%arg20 : memref<!tpu.dma_semaphore, #tpu.memory_space<semaphore_mem>>) src(%dma_wait3A_30 : memref<256xf32, #tpu.memory_space<hbm>>) dst(%arg15 : memref<256xf32, #tpu.memory_space<vmem>>)
    %dma_wait3A_31 = tpu.memref_slice %arg4[%add3A_4] : memref<16384xf32, #tpu.memory_space<hbm>> -> memref<256xf32, #tpu.memory_space<hbm>>
    %dma_wait3A_32 = tpu.memref_slice %arg4[%add3A_4] : memref<16384xf32, #tpu.memory_space<hbm>> -> memref<256xf32, #tpu.memory_space<hbm>>
    tpu.wait_dma2 semaphore(%arg20 : memref<!tpu.dma_semaphore, #tpu.memory_space<semaphore_mem>>) src(%dma_wait3A_32 : memref<256xf32, #tpu.memory_space<hbm>>) dst(%arg16 : memref<256xf32, #tpu.memory_space<vmem>>)
    tpu.wait_dma2 semaphore(%arg20 : memref<!tpu.dma_semaphore, #tpu.memory_space<semaphore_mem>>) src(%arg6 : memref<16xf32, #tpu.memory_space<hbm>>) dst(%arg18 : memref<16xf32, #tpu.memory_space<vmem>>)
    tpu.wait_dma2 semaphore(%arg20 : memref<!tpu.dma_semaphore, #tpu.memory_space<semaphore_mem>>) src(%arg7 : memref<16xf32, #tpu.memory_space<hbm>>) dst(%arg19 : memref<16xf32, #tpu.memory_space<vmem>>)
    %get3A = arith.constant 0 : index
    %get3A_33 = tpu.vector_load %arg18[%get3A] {strides = array<i32>} : memref<16xf32, #tpu.memory_space<vmem>>, vector<16xf32>,
    %get3A_34 = vector.shape_cast %get3A_33 : vector<16xf32> to vector<16xf32>
    %get3A_35 = arith.constant 0 : index
    %get3A_36 = tpu.vector_load %arg19[%get3A_35] {strides = array<i32>} : memref<16xf32, #tpu.memory_space<vmem>>, vector<16xf32>,
    %get3A_37 = vector.shape_cast %get3A_36 : vector<16xf32> to vector<16xf32>
    %get3A_38 = arith.constant 0 : index
    %get3A_39 = tpu.vector_load %arg13[%get3A_38] {strides = array<i32>} : memref<256xf32, #tpu.memory_space<vmem>>, vector<16xf32>,
    %get3A_40 = vector.shape_cast %get3A_39 : vector<16xf32> to vector<16xf32>
    %mul3A_41 = arith.constant 0.899999976 : f32
    %mul3A_42 = vector.broadcast %mul3A_41 : f32 to vector<16xf32>
    %mul3A_43 = arith.mulf %get3A_40, %mul3A_42 : vector<16xf32>
    %get3A_44 = arith.constant 0 : index
    %get3A_45 = tpu.vector_load %arg15[%get3A_44] {strides = array<i32>} : memref<256xf32, #tpu.memory_space<vmem>>, vector<16xf32>,
    %get3A_46 = vector.shape_cast %get3A_45 : vector<16xf32> to vector<16xf32>
    %mul3A_47 = arith.constant 1.000000e-01 : f32
    %mul3A_48 = vector.broadcast %mul3A_47 : f32 to vector<16xf32>
    %mul3A_49 = arith.mulf %get3A_46, %mul3A_48 : vector<16xf32>
    %add3A_50 = arith.addf %mul3A_43, %mul3A_49 : vector<16xf32>
    %swap3A = arith.constant 0 : index
    %swap3A_51 = tpu.vector_load %arg14[%swap3A] {strides = array<i32>} : memref<256xf32, #tpu.memory_space<vmem>>, vector<16xf32>,
    %swap3A_52 = vector.shape_cast %swap3A_51 : vector<16xf32> to vector<16xf32>
    %swap3A_53 = vector.shape_cast %add3A_50 : vector<16xf32> to vector<16xf32>
    tpu.vector_store %arg14[%swap3A], %swap3A_53 {strides = array<i32>} : memref<256xf32, #tpu.memory_space<vmem>>, vector<16xf32>,
    %mul3A_54 = arith.mulf %add3A_50, %get3A_34 : vector<16xf32>
    %sub3A = arith.subf %mul3A_54, %get3A_37 : vector<16xf32>
    %get3A_55 = arith.constant 0 : index
    %get3A_56 = tpu.vector_load %arg16[%get3A_55] {strides = array<i32>} : memref<256xf32, #tpu.memory_space<vmem>>, vector<16xf32>,
    %get3A_57 = vector.shape_cast %get3A_56 : vector<16xf32> to vector<16xf32>
    %div3A = arith.divf %sub3A, %get3A_57 : vector<16xf32>
    %swap3A_58 = arith.constant 0 : index
    %swap3A_59 = tpu.vector_load %arg17[%swap3A_58] {strides = array<i32>} : memref<256xf32, #tpu.memory_space<vmem>>, vector<16xf32>,
    %swap3A_60 = vector.shape_cast %swap3A_59 : vector<16xf32> to vector<16xf32>
    %swap3A_61 = vector.shape_cast %div3A : vector<16xf32> to vector<16xf32>
    tpu.vector_store %arg17[%swap3A_58], %swap3A_61 {strides = array<i32>} : memref<256xf32, #tpu.memory_space<vmem>>, vector<16xf32>,
    %get3A_62 = arith.constant 16 : index
    %get3A_63 = tpu.vector_load %arg13[%get3A_62] {strides = array<i32>} : memref<256xf32, #tpu.memory_space<vmem>>, vector<16xf32>,
    %get3A_64 = vector.shape_cast %get3A_63 : vector<16xf32> to vector<16xf32>
    %mul3A_65 = arith.constant 0.899999976 : f32
    %mul3A_66 = vector.broadcast %mul3A_65 : f32 to vector<16xf32>
    %mul3A_67 = arith.mulf %get3A_64, %mul3A_66 : vector<16xf32>
    %get3A_68 = arith.constant 16 : index
    %get3A_69 = tpu.vector_load %arg15[%get3A_68] {strides = array<i32>} : memref<256xf32, #tpu.memory_space<vmem>>, vector<16xf32>,
    %get3A_70 = vector.shape_cast %get3A_69 : vector<16xf32> to vector<16xf32>
    %mul3A_71 = arith.constant 1.000000e-01 : f32
    %mul3A_72 = vector.broadcast %mul3A_71 : f32 to vector<16xf32>
    %mul3A_73 = arith.mulf %get3A_70, %mul3A_72 : vector<16xf32>
    %add3A_74 = arith.addf %mul3A_67, %mul3A_73 : vector<16xf32>
    %swap3A_75 = arith.constant 16 : index
    %swap3A_76 = tpu.vector_load %arg14[%swap3A_75] {strides = array<i32>} : memref<256xf32, #tpu.memory_space<vmem>>, vector<16xf32>,
    %swap3A_77 = vector.shape_cast %swap3A_76 : vector<16xf32> to vector<16xf32>
    %swap3A_78 = vector.shape_cast %add3A_74 : vector<16xf32> to vector<16xf32>
    tpu.vector_store %arg14[%swap3A_75], %swap3A_78 {strides = array<i32>} : memref<256xf32, #tpu.memory_space<vmem>>, vector<16xf32>,
    %mul3A_79 = arith.mulf %add3A_74, %get3A_34 : vector<16xf32>
    %sub3A_80 = arith.subf %mul3A_79, %get3A_37 : vector<16xf32>
    %get3A_81 = arith.constant 16 : index
    %get3A_82 = tpu.vector_load %arg16[%get3A_81] {strides = array<i32>} : memref<256xf32, #tpu.memory_space<vmem>>, vector<16xf32>,
    %get3A_83 = vector.shape_cast %get3A_82 : vector<16xf32> to vector<16xf32>
    %div3A_84 = arith.divf %sub3A_80, %get3A_83 : vector<16xf32>
    %swap3A_85 = arith.constant 16 : index
    %swap3A_86 = tpu.vector_load %arg17[%swap3A_85] {strides = array<i32>} : memref<256xf32, #tpu.memory_space<vmem>>, vector<16xf32>,
    %swap3A_87 = vector.shape_cast %swap3A_86 : vector<16xf32> to vector<16xf32>
    %swap3A_88 = vector.shape_cast %div3A_84 : vector<16xf32> to vector<16xf32>
    tpu.vector_store %arg17[%swap3A_85], %swap3A_88 {strides = array<i32>} : memref<256xf32, #tpu.memory_space<vmem>>, vector<16xf32>,
    %get3A_89 = arith.constant 32 : index
    %get3A_90 = tpu.vector_load %arg13[%get3A_89] {strides = array<i32>} : memref<256xf32, #tpu.memory_space<vmem>>, vector<16xf32>,
    %get3A_91 = vector.shape_cast %get3A_90 : vector<16xf32> to vector<16xf32>
    %mul3A_92 = arith.constant 0.899999976 : f32
    %mul3A_93 = vector.broadcast %mul3A_92 : f32 to vector<16xf32>
    %mul3A_94 = arith.mulf %get3A_91, %mul3A_93 : vector<16xf32>
    %get3A_95 = arith.constant 32 : index
    %get3A_96 = tpu.vector_load %arg15[%get3A_95] {strides = array<i32>} : memref<256xf32, #tpu.memory_space<vmem>>, vector<16xf32>,
    %get3A_97 = vector.shape_cast %get3A_96 : vector<16xf32> to vector<16xf32>
    %mul3A_98 = arith.constant 1.000000e-01 : f32
    %mul3A_99 = vector.broadcast %mul3A_98 : f32 to vector<16xf32>
    %mul3A_100 = arith.mulf %get3A_97, %mul3A_99 : vector<16xf32>
    %add3A_101 = arith.addf %mul3A_94, %mul3A_100 : vector<16xf32>
    %swap3A_102 = arith.constant 32 : index
    %swap3A_103 = tpu.vector_load %arg14[%swap3A_102] {strides = array<i32>} : memref<256xf32, #tpu.memory_space<vmem>>, vector<16xf32>,
    %swap3A_104 = vector.shape_cast %swap3A_103 : vector<16xf32> to vector<16xf32>
    %swap3A_105 = vector.shape_cast %add3A_101 : vector<16xf32> to vector<16xf32>
    tpu.vector_store %arg14[%swap3A_102], %swap3A_105 {strides = array<i32>} : memref<256xf32, #tpu.memory_space<vmem>>, vector<16xf32>,
    %mul3A_106 = arith.mulf %add3A_101, %get3A_34 : vector<16xf32>
    %sub3A_107 = arith.subf %mul3A_106, %get3A_37 : vector<16xf32>
    %get3A_108 = arith.constant 32 : index
    %get3A_109 = tpu.vector_load %arg16[%get3A_108] {strides = array<i32>} : memref<256xf32, #tpu.memory_space<vmem>>, vector<16xf32>,
    %get3A_110 = vector.shape_cast %get3A_109 : vector<16xf32> to vector<16xf32>
    %div3A_111 = arith.divf %sub3A_107, %get3A_110 : vector<16xf32>
    %swap3A_112 = arith.constant 32 : index
    %swap3A_113 = tpu.vector_load %arg17[%swap3A_112] {strides = array<i32>} : memref<256xf32, #tpu.memory_space<vmem>>, vector<16xf32>,
    %swap3A_114 = vector.shape_cast %swap3A_113 : vector<16xf32> to vector<16xf32>
    %swap3A_115 = vector.shape_cast %div3A_111 : vector<16xf32> to vector<16xf32>
    tpu.vector_store %arg17[%swap3A_112], %swap3A_115 {strides = array<i32>} : memref<256xf32, #tpu.memory_space<vmem>>, vector<16xf32>,
    %get3A_116 = arith.constant 48 : index
    %get3A_117 = tpu.vector_load %arg13[%get3A_116] {strides = array<i32>} : memref<256xf32, #tpu.memory_space<vmem>>, vector<16xf32>,
    %get3A_118 = vector.shape_cast %get3A_117 : vector<16xf32> to vector<16xf32>
    %mul3A_119 = arith.constant 0.899999976 : f32
    %mul3A_120 = vector.broadcast %mul3A_119 : f32 to vector<16xf32>
    %mul3A_121 = arith.mulf %get3A_118, %mul3A_120 : vector<16xf32>
    %get3A_122 = arith.constant 48 : index
    %get3A_123 = tpu.vector_load %arg15[%get3A_122] {strides = array<i32>} : memref<256xf32, #tpu.memory_space<vmem>>, vector<16xf32>,
    %get3A_124 = vector.shape_cast %get3A_123 : vector<16xf32> to vector<16xf32>
    %mul3A_125 = arith.constant 1.000000e-01 : f32
    %mul3A_126 = vector.broadcast %mul3A_125 : f32 to vector<16xf32>
    %mul3A_127 = arith.mulf %get3A_124, %mul3A_126 : vector<16xf32>
    %add3A_128 = arith.addf %mul3A_121, %mul3A_127 : vector<16xf32>
    %swap3A_129 = arith.constant 48 : index
    %swap3A_130 = tpu.vector_load %arg14[%swap3A_129] {strides = array<i32>} : memref<256xf32, #tpu.memory_space<vmem>>, vector<16xf32>,
    %swap3A_131 = vector.shape_cast %swap3A_130 : vector<16xf32> to vector<16xf32>
    %swap3A_132 = vector.shape_cast %add3A_128 : vector<16xf32> to vector<16xf32>
    tpu.vector_store %arg14[%swap3A_129], %swap3A_132 {strides = array<i32>} : memref<256xf32, #tpu.memory_space<vmem>>, vector<16xf32>,
    %mul3A_133 = arith.mulf %add3A_128, %get3A_34 : vector<16xf32>
    %sub3A_134 = arith.subf %mul3A_133, %get3A_37 : vector<16xf32>
    %get3A_135 = arith.constant 48 : index
    %get3A_136 = tpu.vector_load %arg16[%get3A_135] {strides = array<i32>} : memref<256xf32, #tpu.memory_space<vmem>>, vector<16xf32>,
    %get3A_137 = vector.shape_cast %get3A_136 : vector<16xf32> to vector<16xf32>
    %div3A_138 = arith.divf %sub3A_134, %get3A_137 : vector<16xf32>
    %swap3A_139 = arith.constant 48 : index
    %swap3A_140 = tpu.vector_load %arg17[%swap3A_139] {strides = array<i32>} : memref<256xf32, #tpu.memory_space<vmem>>, vector<16xf32>,
    %swap3A_141 = vector.shape_cast %swap3A_140 : vector<16xf32> to vector<16xf32>
    %swap3A_142 = vector.shape_cast %div3A_138 : vector<16xf32> to vector<16xf32>
    tpu.vector_store %arg17[%swap3A_139], %swap3A_142 {strides = array<i32>} : memref<256xf32, #tpu.memory_space<vmem>>, vector<16xf32>,
    %get3A_143 = arith.constant 64 : index
    %get3A_144 = tpu.vector_load %arg13[%get3A_143] {strides = array<i32>} : memref<256xf32, #tpu.memory_space<vmem>>, vector<16xf32>,
    %get3A_145 = vector.shape_cast %get3A_144 : vector<16xf32> to vector<16xf32>
    %mul3A_146 = arith.constant 0.899999976 : f32
    %mul3A_147 = vector.broadcast %mul3A_146 : f32 to vector<16xf32>
    %mul3A_148 = arith.mulf %get3A_145, %mul3A_147 : vector<16xf32>
    %get3A_149 = arith.constant 64 : index
    %get3A_150 = tpu.vector_load %arg15[%get3A_149] {strides = array<i32>} : memref<256xf32, #tpu.memory_space<vmem>>, vector<16xf32>,
    %get3A_151 = vector.shape_cast %get3A_150 : vector<16xf32> to vector<16xf32>
    %mul3A_152 = arith.constant 1.000000e-01 : f32
    %mul3A_153 = vector.broadcast %mul3A_152 : f32 to vector<16xf32>
    %mul3A_154 = arith.mulf %get3A_151, %mul3A_153 : vector<16xf32>
    %add3A_155 = arith.addf %mul3A_148, %mul3A_154 : vector<16xf32>
    %swap3A_156 = arith.constant 64 : index
    %swap3A_157 = tpu.vector_load %arg14[%swap3A_156] {strides = array<i32>} : memref<256xf32, #tpu.memory_space<vmem>>, vector<16xf32>,
    %swap3A_158 = vector.shape_cast %swap3A_157 : vector<16xf32> to vector<16xf32>
    %swap3A_159 = vector.shape_cast %add3A_155 : vector<16xf32> to vector<16xf32>
    tpu.vector_store %arg14[%swap3A_156], %swap3A_159 {strides = array<i32>} : memref<256xf32, #tpu.memory_space<vmem>>, vector<16xf32>,
    %mul3A_160 = arith.mulf %add3A_155, %get3A_34 : vector<16xf32>
    %sub3A_161 = arith.subf %mul3A_160, %get3A_37 : vector<16xf32>
    %get3A_162 = arith.constant 64 : index
    %get3A_163 = tpu.vector_load %arg16[%get3A_162] {strides = array<i32>} : memref<256xf32, #tpu.memory_space<vmem>>, vector<16xf32>,
    %get3A_164 = vector.shape_cast %get3A_163 : vector<16xf32> to vector<16xf32>
    %div3A_165 = arith.divf %sub3A_161, %get3A_164 : vector<16xf32>
    %swap3A_166 = arith.constant 64 : index
    %swap3A_167 = tpu.vector_load %arg17[%swap3A_166] {strides = array<i32>} : memref<256xf32, #tpu.memory_space<vmem>>, vector<16xf32>,
    %swap3A_168 = vector.shape_cast %swap3A_167 : vector<16xf32> to vector<16xf32>
    %swap3A_169 = vector.shape_cast %div3A_165 : vector<16xf32> to vector<16xf32>
    tpu.vector_store %arg17[%swap3A_166], %swap3A_169 {strides = array<i32>} : memref<256xf32, #tpu.memory_space<vmem>>, vector<16xf32>,
    %get3A_170 = arith.constant 80 : index
    %get3A_171 = tpu.vector_load %arg13[%get3A_170] {strides = array<i32>} : memref<256xf32, #tpu.memory_space<vmem>>, vector<16xf32>,
    %get3A_172 = vector.shape_cast %get3A_171 : vector<16xf32> to vector<16xf32>
    %mul3A_173 = arith.constant 0.899999976 : f32
    %mul3A_174 = vector.broadcast %mul3A_173 : f32 to vector<16xf32>
    %mul3A_175 = arith.mulf %get3A_172, %mul3A_174 : vector<16xf32>
    %get3A_176 = arith.constant 80 : index
    %get3A_177 = tpu.vector_load %arg15[%get3A_176] {strides = array<i32>} : memref<256xf32, #tpu.memory_space<vmem>>, vector<16xf32>,
    %get3A_178 = vector.shape_cast %get3A_177 : vector<16xf32> to vector<16xf32>
    %mul3A_179 = arith.constant 1.000000e-01 : f32
    %mul3A_180 = vector.broadcast %mul3A_179 : f32 to vector<16xf32>
    %mul3A_181 = arith.mulf %get3A_178, %mul3A_180 : vector<16xf32>
    %add3A_182 = arith.addf %mul3A_175, %mul3A_181 : vector<16xf32>
    %swap3A_183 = arith.constant 80 : index
    %swap3A_184 = tpu.vector_load %arg14[%swap3A_183] {strides = array<i32>} : memref<256xf32, #tpu.memory_space<vmem>>, vector<16xf32>,
    %swap3A_185 = vector.shape_cast %swap3A_184 : vector<16xf32> to vector<16xf32>
    %swap3A_186 = vector.shape_cast %add3A_182 : vector<16xf32> to vector<16xf32>
    tpu.vector_store %arg14[%swap3A_183], %swap3A_186 {strides = array<i32>} : memref<256xf32, #tpu.memory_space<vmem>>, vector<16xf32>,
    %mul3A_187 = arith.mulf %add3A_182, %get3A_34 : vector<16xf32>
    %sub3A_188 = arith.subf %mul3A_187, %get3A_37 : vector<16xf32>
    %get3A_189 = arith.constant 80 : index
    %get3A_190 = tpu.vector_load %arg16[%get3A_189] {strides = array<i32>} : memref<256xf32, #tpu.memory_space<vmem>>, vector<16xf32>,
    %get3A_191 = vector.shape_cast %get3A_190 : vector<16xf32> to vector<16xf32>
    %div3A_192 = arith.divf %sub3A_188, %get3A_191 : vector<16xf32>
    %swap3A_193 = arith.constant 80 : index
    %swap3A_194 = tpu.vector_load %arg17[%swap3A_193] {strides = array<i32>} : memref<256xf32, #tpu.memory_space<vmem>>, vector<16xf32>,
    %swap3A_195 = vector.shape_cast %swap3A_194 : vector<16xf32> to vector<16xf32>
    %swap3A_196 = vector.shape_cast %div3A_192 : vector<16xf32> to vector<16xf32>
    tpu.vector_store %arg17[%swap3A_193], %swap3A_196 {strides = array<i32>} : memref<256xf32, #tpu.memory_space<vmem>>, vector<16xf32>,
    %get3A_197 = arith.constant 96 : index
    %get3A_198 = tpu.vector_load %arg13[%get3A_197] {strides = array<i32>} : memref<256xf32, #tpu.memory_space<vmem>>, vector<16xf32>,
    %get3A_199 = vector.shape_cast %get3A_198 : vector<16xf32> to vector<16xf32>
    %mul3A_200 = arith.constant 0.899999976 : f32
    %mul3A_201 = vector.broadcast %mul3A_200 : f32 to vector<16xf32>
    %mul3A_202 = arith.mulf %get3A_199, %mul3A_201 : vector<16xf32>
    %get3A_203 = arith.constant 96 : index
    %get3A_204 = tpu.vector_load %arg15[%get3A_203] {strides = array<i32>} : memref<256xf32, #tpu.memory_space<vmem>>, vector<16xf32>,
    %get3A_205 = vector.shape_cast %get3A_204 : vector<16xf32> to vector<16xf32>
    %mul3A_206 = arith.constant 1.000000e-01 : f32
    %mul3A_207 = vector.broadcast %mul3A_206 : f32 to vector<16xf32>
    %mul3A_208 = arith.mulf %get3A_205, %mul3A_207 : vector<16xf32>
    %add3A_209 = arith.addf %mul3A_202, %mul3A_208 : vector<16xf32>
    %swap3A_210 = arith.constant 96 : index
    %swap3A_211 = tpu.vector_load %arg14[%swap3A_210] {strides = array<i32>} : memref<256xf32, #tpu.memory_space<vmem>>, vector<16xf32>,
    %swap3A_212 = vector.shape_cast %swap3A_211 : vector<16xf32> to vector<16xf32>
    %swap3A_213 = vector.shape_cast %add3A_209 : vector<16xf32> to vector<16xf32>
    tpu.vector_store %arg14[%swap3A_210], %swap3A_213 {strides = array<i32>} : memref<256xf32, #tpu.memory_space<vmem>>, vector<16xf32>,
    %mul3A_214 = arith.mulf %add3A_209, %get3A_34 : vector<16xf32>
    %sub3A_215 = arith.subf %mul3A_214, %get3A_37 : vector<16xf32>
    %get3A_216 = arith.constant 96 : index
    %get3A_217 = tpu.vector_load %arg16[%get3A_216] {strides = array<i32>} : memref<256xf32, #tpu.memory_space<vmem>>, vector<16xf32>,
    %get3A_218 = vector.shape_cast %get3A_217 : vector<16xf32> to vector<16xf32>
    %div3A_219 = arith.divf %sub3A_215, %get3A_218 : vector<16xf32>
    %swap3A_220 = arith.constant 96 : index
    %swap3A_221 = tpu.vector_load %arg17[%swap3A_220] {strides = array<i32>} : memref<256xf32, #tpu.memory_space<vmem>>, vector<16xf32>,
    %swap3A_222 = vector.shape_cast %swap3A_221 : vector<16xf32> to vector<16xf32>
    %swap3A_223 = vector.shape_cast %div3A_219 : vector<16xf32> to vector<16xf32>
    tpu.vector_store %arg17[%swap3A_220], %swap3A_223 {strides = array<i32>} : memref<256xf32, #tpu.memory_space<vmem>>, vector<16xf32>,
    %get3A_224 = arith.constant 112 : index
    %get3A_225 = tpu.vector_load %arg13[%get3A_224] {strides = array<i32>} : memref<256xf32, #tpu.memory_space<vmem>>, vector<16xf32>,
    %get3A_226 = vector.shape_cast %get3A_225 : vector<16xf32> to vector<16xf32>
    %mul3A_227 = arith.constant 0.899999976 : f32
    %mul3A_228 = vector.broadcast %mul3A_227 : f32 to vector<16xf32>
    %mul3A_229 = arith.mulf %get3A_226, %mul3A_228 : vector<16xf32>
    %get3A_230 = arith.constant 112 : index
    %get3A_231 = tpu.vector_load %arg15[%get3A_230] {strides = array<i32>} : memref<256xf32, #tpu.memory_space<vmem>>, vector<16xf32>,
    %get3A_232 = vector.shape_cast %get3A_231 : vector<16xf32> to vector<16xf32>
    %mul3A_233 = arith.constant 1.000000e-01 : f32
    %mul3A_234 = vector.broadcast %mul3A_233 : f32 to vector<16xf32>
    %mul3A_235 = arith.mulf %get3A_232, %mul3A_234 : vector<16xf32>
    %add3A_236 = arith.addf %mul3A_229, %mul3A_235 : vector<16xf32>
    %swap3A_237 = arith.constant 112 : index
    %swap3A_238 = tpu.vector_load %arg14[%swap3A_237] {strides = array<i32>} : memref<256xf32, #tpu.memory_space<vmem>>, vector<16xf32>,
    %swap3A_239 = vector.shape_cast %swap3A_238 : vector<16xf32> to vector<16xf32>
    %swap3A_240 = vector.shape_cast %add3A_236 : vector<16xf32> to vector<16xf32>
    tpu.vector_store %arg14[%swap3A_237], %swap3A_240 {strides = array<i32>} : memref<256xf32, #tpu.memory_space<vmem>>, vector<16xf32>,
    %mul3A_241 = arith.mulf %add3A_236, %get3A_34 : vector<16xf32>
    %sub3A_242 = arith.subf %mul3A_241, %get3A_37 : vector<16xf32>
    %get3A_243 = arith.constant 112 : index
    %get3A_244 = tpu.vector_load %arg16[%get3A_243] {strides = array<i32>} : memref<256xf32, #tpu.memory_space<vmem>>, vector<16xf32>,
    %get3A_245 = vector.shape_cast %get3A_244 : vector<16xf32> to vector<16xf32>
    %div3A_246 = arith.divf %sub3A_242, %get3A_245 : vector<16xf32>
    %swap3A_247 = arith.constant 112 : index
    %swap3A_248 = tpu.vector_load %arg17[%swap3A_247] {strides = array<i32>} : memref<256xf32, #tpu.memory_space<vmem>>, vector<16xf32>,
    %swap3A_249 = vector.shape_cast %swap3A_248 : vector<16xf32> to vector<16xf32>
    %swap3A_250 = vector.shape_cast %div3A_246 : vector<16xf32> to vector<16xf32>
    tpu.vector_store %arg17[%swap3A_247], %swap3A_250 {strides = array<i32>} : memref<256xf32, #tpu.memory_space<vmem>>, vector<16xf32>,
    %get3A_251 = arith.constant 128 : index
    %get3A_252 = tpu.vector_load %arg13[%get3A_251] {strides = array<i32>} : memref<256xf32, #tpu.memory_space<vmem>>, vector<16xf32>,
    %get3A_253 = vector.shape_cast %get3A_252 : vector<16xf32> to vector<16xf32>
    %mul3A_254 = arith.constant 0.899999976 : f32
    %mul3A_255 = vector.broadcast %mul3A_254 : f32 to vector<16xf32>
    %mul3A_256 = arith.mulf %get3A_253, %mul3A_255 : vector<16xf32>
    %get3A_257 = arith.constant 128 : index
    %get3A_258 = tpu.vector_load %arg15[%get3A_257] {strides = array<i32>} : memref<256xf32, #tpu.memory_space<vmem>>, vector<16xf32>,
    %get3A_259 = vector.shape_cast %get3A_258 : vector<16xf32> to vector<16xf32>
    %mul3A_260 = arith.constant 1.000000e-01 : f32
    %mul3A_261 = vector.broadcast %mul3A_260 : f32 to vector<16xf32>
    %mul3A_262 = arith.mulf %get3A_259, %mul3A_261 : vector<16xf32>
    %add3A_263 = arith.addf %mul3A_256, %mul3A_262 : vector<16xf32>
    %swap3A_264 = arith.constant 128 : index
    %swap3A_265 = tpu.vector_load %arg14[%swap3A_264] {strides = array<i32>} : memref<256xf32, #tpu.memory_space<vmem>>, vector<16xf32>,
    %swap3A_266 = vector.shape_cast %swap3A_265 : vector<16xf32> to vector<16xf32>
    %swap3A_267 = vector.shape_cast %add3A_263 : vector<16xf32> to vector<16xf32>
    tpu.vector_store %arg14[%swap3A_264], %swap3A_267 {strides = array<i32>} : memref<256xf32, #tpu.memory_space<vmem>>, vector<16xf32>,
    %mul3A_268 = arith.mulf %add3A_263, %get3A_34 : vector<16xf32>
    %sub3A_269 = arith.subf %mul3A_268, %get3A_37 : vector<16xf32>
    %get3A_270 = arith.constant 128 : index
    %get3A_271 = tpu.vector_load %arg16[%get3A_270] {strides = array<i32>} : memref<256xf32, #tpu.memory_space<vmem>>, vector<16xf32>,
    %get3A_272 = vector.shape_cast %get3A_271 : vector<16xf32> to vector<16xf32>
    %div3A_273 = arith.divf %sub3A_269, %get3A_272 : vector<16xf32>
    %swap3A_274 = arith.constant 128 : index
    %swap3A_275 = tpu.vector_load %arg17[%swap3A_274] {strides = array<i32>} : memref<256xf32, #tpu.memory_space<vmem>>, vector<16xf32>,
    %swap3A_276 = vector.shape_cast %swap3A_275 : vector<16xf32> to vector<16xf32>
    %swap3A_277 = vector.shape_cast %div3A_273 : vector<16xf32> to vector<16xf32>
    tpu.vector_store %arg17[%swap3A_274], %swap3A_277 {strides = array<i32>} : memref<256xf32, #tpu.memory_space<vmem>>, vector<16xf32>,
    %get3A_278 = arith.constant 144 : index
    %get3A_279 = tpu.vector_load %arg13[%get3A_278] {strides = array<i32>} : memref<256xf32, #tpu.memory_space<vmem>>, vector<16xf32>,
    %get3A_280 = vector.shape_cast %get3A_279 : vector<16xf32> to vector<16xf32>
    %mul3A_281 = arith.constant 0.899999976 : f32
    %mul3A_282 = vector.broadcast %mul3A_281 : f32 to vector<16xf32>
    %mul3A_283 = arith.mulf %get3A_280, %mul3A_282 : vector<16xf32>
    %get3A_284 = arith.constant 144 : index
    %get3A_285 = tpu.vector_load %arg15[%get3A_284] {strides = array<i32>} : memref<256xf32, #tpu.memory_space<vmem>>, vector<16xf32>,
    %get3A_286 = vector.shape_cast %get3A_285 : vector<16xf32> to vector<16xf32>
    %mul3A_287 = arith.constant 1.000000e-01 : f32
    %mul3A_288 = vector.broadcast %mul3A_287 : f32 to vector<16xf32>
    %mul3A_289 = arith.mulf %get3A_286, %mul3A_288 : vector<16xf32>
    %add3A_290 = arith.addf %mul3A_283, %mul3A_289 : vector<16xf32>
    %swap3A_291 = arith.constant 144 : index
    %swap3A_292 = tpu.vector_load %arg14[%swap3A_291] {strides = array<i32>} : memref<256xf32, #tpu.memory_space<vmem>>, vector<16xf32>,
    %swap3A_293 = vector.shape_cast %swap3A_292 : vector<16xf32> to vector<16xf32>
    %swap3A_294 = vector.shape_cast %add3A_290 : vector<16xf32> to vector<16xf32>
    tpu.vector_store %arg14[%swap3A_291], %swap3A_294 {strides = array<i32>} : memref<256xf32, #tpu.memory_space<vmem>>, vector<16xf32>,
    %mul3A_295 = arith.mulf %add3A_290, %get3A_34 : vector<16xf32>
    %sub3A_296 = arith.subf %mul3A_295, %get3A_37 : vector<16xf32>
    %get3A_297 = arith.constant 144 : index
    %get3A_298 = tpu.vector_load %arg16[%get3A_297] {strides = array<i32>} : memref<256xf32, #tpu.memory_space<vmem>>, vector<16xf32>,
    %get3A_299 = vector.shape_cast %get3A_298 : vector<16xf32> to vector<16xf32>
    %div3A_300 = arith.divf %sub3A_296, %get3A_299 : vector<16xf32>
    %swap3A_301 = arith.constant 144 : index
    %swap3A_302 = tpu.vector_load %arg17[%swap3A_301] {strides = array<i32>} : memref<256xf32, #tpu.memory_space<vmem>>, vector<16xf32>,
    %swap3A_303 = vector.shape_cast %swap3A_302 : vector<16xf32> to vector<16xf32>
    %swap3A_304 = vector.shape_cast %div3A_300 : vector<16xf32> to vector<16xf32>
    tpu.vector_store %arg17[%swap3A_301], %swap3A_304 {strides = array<i32>} : memref<256xf32, #tpu.memory_space<vmem>>, vector<16xf32>,
    %get3A_305 = arith.constant 160 : index
    %get3A_306 = tpu.vector_load %arg13[%get3A_305] {strides = array<i32>} : memref<256xf32, #tpu.memory_space<vmem>>, vector<16xf32>,
    %get3A_307 = vector.shape_cast %get3A_306 : vector<16xf32> to vector<16xf32>
    %mul3A_308 = arith.constant 0.899999976 : f32
    %mul3A_309 = vector.broadcast %mul3A_308 : f32 to vector<16xf32>
    %mul3A_310 = arith.mulf %get3A_307, %mul3A_309 : vector<16xf32>
    %get3A_311 = arith.constant 160 : index
    %get3A_312 = tpu.vector_load %arg15[%get3A_311] {strides = array<i32>} : memref<256xf32, #tpu.memory_space<vmem>>, vector<16xf32>,
    %get3A_313 = vector.shape_cast %get3A_312 : vector<16xf32> to vector<16xf32>
    %mul3A_314 = arith.constant 1.000000e-01 : f32
    %mul3A_315 = vector.broadcast %mul3A_314 : f32 to vector<16xf32>
    %mul3A_316 = arith.mulf %get3A_313, %mul3A_315 : vector<16xf32>
    %add3A_317 = arith.addf %mul3A_310, %mul3A_316 : vector<16xf32>
    %swap3A_318 = arith.constant 160 : index
    %swap3A_319 = tpu.vector_load %arg14[%swap3A_318] {strides = array<i32>} : memref<256xf32, #tpu.memory_space<vmem>>, vector<16xf32>,
    %swap3A_320 = vector.shape_cast %swap3A_319 : vector<16xf32> to vector<16xf32>
    %swap3A_321 = vector.shape_cast %add3A_317 : vector<16xf32> to vector<16xf32>
    tpu.vector_store %arg14[%swap3A_318], %swap3A_321 {strides = array<i32>} : memref<256xf32, #tpu.memory_space<vmem>>, vector<16xf32>,
    %mul3A_322 = arith.mulf %add3A_317, %get3A_34 : vector<16xf32>
    %sub3A_323 = arith.subf %mul3A_322, %get3A_37 : vector<16xf32>
    %get3A_324 = arith.constant 160 : index
    %get3A_325 = tpu.vector_load %arg16[%get3A_324] {strides = array<i32>} : memref<256xf32, #tpu.memory_space<vmem>>, vector<16xf32>,
    %get3A_326 = vector.shape_cast %get3A_325 : vector<16xf32> to vector<16xf32>
    %div3A_327 = arith.divf %sub3A_323, %get3A_326 : vector<16xf32>
    %swap3A_328 = arith.constant 160 : index
    %swap3A_329 = tpu.vector_load %arg17[%swap3A_328] {strides = array<i32>} : memref<256xf32, #tpu.memory_space<vmem>>, vector<16xf32>,
    %swap3A_330 = vector.shape_cast %swap3A_329 : vector<16xf32> to vector<16xf32>
    %swap3A_331 = vector.shape_cast %div3A_327 : vector<16xf32> to vector<16xf32>
    tpu.vector_store %arg17[%swap3A_328], %swap3A_331 {strides = array<i32>} : memref<256xf32, #tpu.memory_space<vmem>>, vector<16xf32>,
    %get3A_332 = arith.constant 176 : index
    %get3A_333 = tpu.vector_load %arg13[%get3A_332] {strides = array<i32>} : memref<256xf32, #tpu.memory_space<vmem>>, vector<16xf32>,
    %get3A_334 = vector.shape_cast %get3A_333 : vector<16xf32> to vector<16xf32>
    %mul3A_335 = arith.constant 0.899999976 : f32
    %mul3A_336 = vector.broadcast %mul3A_335 : f32 to vector<16xf32>
    %mul3A_337 = arith.mulf %get3A_334, %mul3A_336 : vector<16xf32>
    %get3A_338 = arith.constant 176 : index
    %get3A_339 = tpu.vector_load %arg15[%get3A_338] {strides = array<i32>} : memref<256xf32, #tpu.memory_space<vmem>>, vector<16xf32>,
    %get3A_340 = vector.shape_cast %get3A_339 : vector<16xf32> to vector<16xf32>
    %mul3A_341 = arith.constant 1.000000e-01 : f32
    %mul3A_342 = vector.broadcast %mul3A_341 : f32 to vector<16xf32>
    %mul3A_343 = arith.mulf %get3A_340, %mul3A_342 : vector<16xf32>
    %add3A_344 = arith.addf %mul3A_337, %mul3A_343 : vector<16xf32>
    %swap3A_345 = arith.constant 176 : index
    %swap3A_346 = tpu.vector_load %arg14[%swap3A_345] {strides = array<i32>} : memref<256xf32, #tpu.memory_space<vmem>>, vector<16xf32>,
    %swap3A_347 = vector.shape_cast %swap3A_346 : vector<16xf32> to vector<16xf32>
    %swap3A_348 = vector.shape_cast %add3A_344 : vector<16xf32> to vector<16xf32>
    tpu.vector_store %arg14[%swap3A_345], %swap3A_348 {strides = array<i32>} : memref<256xf32, #tpu.memory_space<vmem>>, vector<16xf32>,
    %mul3A_349 = arith.mulf %add3A_344, %get3A_34 : vector<16xf32>
    %sub3A_350 = arith.subf %mul3A_349, %get3A_37 : vector<16xf32>
    %get3A_351 = arith.constant 176 : index
    %get3A_352 = tpu.vector_load %arg16[%get3A_351] {strides = array<i32>} : memref<256xf32, #tpu.memory_space<vmem>>, vector<16xf32>,
    %get3A_353 = vector.shape_cast %get3A_352 : vector<16xf32> to vector<16xf32>
    %div3A_354 = arith.divf %sub3A_350, %get3A_353 : vector<16xf32>
    %swap3A_355 = arith.constant 176 : index
    %swap3A_356 = tpu.vector_load %arg17[%swap3A_355] {strides = array<i32>} : memref<256xf32, #tpu.memory_space<vmem>>, vector<16xf32>,
    %swap3A_357 = vector.shape_cast %swap3A_356 : vector<16xf32> to vector<16xf32>
    %swap3A_358 = vector.shape_cast %div3A_354 : vector<16xf32> to vector<16xf32>
    tpu.vector_store %arg17[%swap3A_355], %swap3A_358 {strides = array<i32>} : memref<256xf32, #tpu.memory_space<vmem>>, vector<16xf32>,
    %get3A_359 = arith.constant 192 : index
    %get3A_360 = tpu.vector_load %arg13[%get3A_359] {strides = array<i32>} : memref<256xf32, #tpu.memory_space<vmem>>, vector<16xf32>,
    %get3A_361 = vector.shape_cast %get3A_360 : vector<16xf32> to vector<16xf32>
    %mul3A_362 = arith.constant 0.899999976 : f32
    %mul3A_363 = vector.broadcast %mul3A_362 : f32 to vector<16xf32>
    %mul3A_364 = arith.mulf %get3A_361, %mul3A_363 : vector<16xf32>
    %get3A_365 = arith.constant 192 : index
    %get3A_366 = tpu.vector_load %arg15[%get3A_365] {strides = array<i32>} : memref<256xf32, #tpu.memory_space<vmem>>, vector<16xf32>,
    %get3A_367 = vector.shape_cast %get3A_366 : vector<16xf32> to vector<16xf32>
    %mul3A_368 = arith.constant 1.000000e-01 : f32
    %mul3A_369 = vector.broadcast %mul3A_368 : f32 to vector<16xf32>
    %mul3A_370 = arith.mulf %get3A_367, %mul3A_369 : vector<16xf32>
    %add3A_371 = arith.addf %mul3A_364, %mul3A_370 : vector<16xf32>
    %swap3A_372 = arith.constant 192 : index
    %swap3A_373 = tpu.vector_load %arg14[%swap3A_372] {strides = array<i32>} : memref<256xf32, #tpu.memory_space<vmem>>, vector<16xf32>,
    %swap3A_374 = vector.shape_cast %swap3A_373 : vector<16xf32> to vector<16xf32>
    %swap3A_375 = vector.shape_cast %add3A_371 : vector<16xf32> to vector<16xf32>
    tpu.vector_store %arg14[%swap3A_372], %swap3A_375 {strides = array<i32>} : memref<256xf32, #tpu.memory_space<vmem>>, vector<16xf32>,
    %mul3A_376 = arith.mulf %add3A_371, %get3A_34 : vector<16xf32>
    %sub3A_377 = arith.subf %mul3A_376, %get3A_37 : vector<16xf32>
    %get3A_378 = arith.constant 192 : index
    %get3A_379 = tpu.vector_load %arg16[%get3A_378] {strides = array<i32>} : memref<256xf32, #tpu.memory_space<vmem>>, vector<16xf32>,
    %get3A_380 = vector.shape_cast %get3A_379 : vector<16xf32> to vector<16xf32>
    %div3A_381 = arith.divf %sub3A_377, %get3A_380 : vector<16xf32>
    %swap3A_382 = arith.constant 192 : index
    %swap3A_383 = tpu.vector_load %arg17[%swap3A_382] {strides = array<i32>} : memref<256xf32, #tpu.memory_space<vmem>>, vector<16xf32>,
    %swap3A_384 = vector.shape_cast %swap3A_383 : vector<16xf32> to vector<16xf32>
    %swap3A_385 = vector.shape_cast %div3A_381 : vector<16xf32> to vector<16xf32>
    tpu.vector_store %arg17[%swap3A_382], %swap3A_385 {strides = array<i32>} : memref<256xf32, #tpu.memory_space<vmem>>, vector<16xf32>,
    %get3A_386 = arith.constant 208 : index
    %get3A_387 = tpu.vector_load %arg13[%get3A_386] {strides = array<i32>} : memref<256xf32, #tpu.memory_space<vmem>>, vector<16xf32>,
    %get3A_388 = vector.shape_cast %get3A_387 : vector<16xf32> to vector<16xf32>
    %mul3A_389 = arith.constant 0.899999976 : f32
    %mul3A_390 = vector.broadcast %mul3A_389 : f32 to vector<16xf32>
    %mul3A_391 = arith.mulf %get3A_388, %mul3A_390 : vector<16xf32>
    %get3A_392 = arith.constant 208 : index
    %get3A_393 = tpu.vector_load %arg15[%get3A_392] {strides = array<i32>} : memref<256xf32, #tpu.memory_space<vmem>>, vector<16xf32>,
    %get3A_394 = vector.shape_cast %get3A_393 : vector<16xf32> to vector<16xf32>
    %mul3A_395 = arith.constant 1.000000e-01 : f32
    %mul3A_396 = vector.broadcast %mul3A_395 : f32 to vector<16xf32>
    %mul3A_397 = arith.mulf %get3A_394, %mul3A_396 : vector<16xf32>
    %add3A_398 = arith.addf %mul3A_391, %mul3A_397 : vector<16xf32>
    %swap3A_399 = arith.constant 208 : index
    %swap3A_400 = tpu.vector_load %arg14[%swap3A_399] {strides = array<i32>} : memref<256xf32, #tpu.memory_space<vmem>>, vector<16xf32>,
    %swap3A_401 = vector.shape_cast %swap3A_400 : vector<16xf32> to vector<16xf32>
    %swap3A_402 = vector.shape_cast %add3A_398 : vector<16xf32> to vector<16xf32>
    tpu.vector_store %arg14[%swap3A_399], %swap3A_402 {strides = array<i32>} : memref<256xf32, #tpu.memory_space<vmem>>, vector<16xf32>,
    %mul3A_403 = arith.mulf %add3A_398, %get3A_34 : vector<16xf32>
    %sub3A_404 = arith.subf %mul3A_403, %get3A_37 : vector<16xf32>
    %get3A_405 = arith.constant 208 : index
    %get3A_406 = tpu.vector_load %arg16[%get3A_405] {strides = array<i32>} : memref<256xf32, #tpu.memory_space<vmem>>, vector<16xf32>,
    %get3A_407 = vector.shape_cast %get3A_406 : vector<16xf32> to vector<16xf32>
    %div3A_408 = arith.divf %sub3A_404, %get3A_407 : vector<16xf32>
    %swap3A_409 = arith.constant 208 : index
    %swap3A_410 = tpu.vector_load %arg17[%swap3A_409] {strides = array<i32>} : memref<256xf32, #tpu.memory_space<vmem>>, vector<16xf32>,
    %swap3A_411 = vector.shape_cast %swap3A_410 : vector<16xf32> to vector<16xf32>
    %swap3A_412 = vector.shape_cast %div3A_408 : vector<16xf32> to vector<16xf32>
    tpu.vector_store %arg17[%swap3A_409], %swap3A_412 {strides = array<i32>} : memref<256xf32, #tpu.memory_space<vmem>>, vector<16xf32>,
    %get3A_413 = arith.constant 224 : index
    %get3A_414 = tpu.vector_load %arg13[%get3A_413] {strides = array<i32>} : memref<256xf32, #tpu.memory_space<vmem>>, vector<16xf32>,
    %get3A_415 = vector.shape_cast %get3A_414 : vector<16xf32> to vector<16xf32>
    %mul3A_416 = arith.constant 0.899999976 : f32
    %mul3A_417 = vector.broadcast %mul3A_416 : f32 to vector<16xf32>
    %mul3A_418 = arith.mulf %get3A_415, %mul3A_417 : vector<16xf32>
    %get3A_419 = arith.constant 224 : index
    %get3A_420 = tpu.vector_load %arg15[%get3A_419] {strides = array<i32>} : memref<256xf32, #tpu.memory_space<vmem>>, vector<16xf32>,
    %get3A_421 = vector.shape_cast %get3A_420 : vector<16xf32> to vector<16xf32>
    %mul3A_422 = arith.constant 1.000000e-01 : f32
    %mul3A_423 = vector.broadcast %mul3A_422 : f32 to vector<16xf32>
    %mul3A_424 = arith.mulf %get3A_421, %mul3A_423 : vector<16xf32>
    %add3A_425 = arith.addf %mul3A_418, %mul3A_424 : vector<16xf32>
    %swap3A_426 = arith.constant 224 : index
    %swap3A_427 = tpu.vector_load %arg14[%swap3A_426] {strides = array<i32>} : memref<256xf32, #tpu.memory_space<vmem>>, vector<16xf32>,
    %swap3A_428 = vector.shape_cast %swap3A_427 : vector<16xf32> to vector<16xf32>
    %swap3A_429 = vector.shape_cast %add3A_425 : vector<16xf32> to vector<16xf32>
    tpu.vector_store %arg14[%swap3A_426], %swap3A_429 {strides = array<i32>} : memref<256xf32, #tpu.memory_space<vmem>>, vector<16xf32>,
    %mul3A_430 = arith.mulf %add3A_425, %get3A_34 : vector<16xf32>
    %sub3A_431 = arith.subf %mul3A_430, %get3A_37 : vector<16xf32>
    %get3A_432 = arith.constant 224 : index
    %get3A_433 = tpu.vector_load %arg16[%get3A_432] {strides = array<i32>} : memref<256xf32, #tpu.memory_space<vmem>>, vector<16xf32>,
    %get3A_434 = vector.shape_cast %get3A_433 : vector<16xf32> to vector<16xf32>
    %div3A_435 = arith.divf %sub3A_431, %get3A_434 : vector<16xf32>
    %swap3A_436 = arith.constant 224 : index
    %swap3A_437 = tpu.vector_load %arg17[%swap3A_436] {strides = array<i32>} : memref<256xf32, #tpu.memory_space<vmem>>, vector<16xf32>,
    %swap3A_438 = vector.shape_cast %swap3A_437 : vector<16xf32> to vector<16xf32>
    %swap3A_439 = vector.shape_cast %div3A_435 : vector<16xf32> to vector<16xf32>
    tpu.vector_store %arg17[%swap3A_436], %swap3A_439 {strides = array<i32>} : memref<256xf32, #tpu.memory_space<vmem>>, vector<16xf32>,
    %get3A_440 = arith.constant 240 : index
    %get3A_441 = tpu.vector_load %arg13[%get3A_440] {strides = array<i32>} : memref<256xf32, #tpu.memory_space<vmem>>, vector<16xf32>,
    %get3A_442 = vector.shape_cast %get3A_441 : vector<16xf32> to vector<16xf32>
    %mul3A_443 = arith.constant 0.899999976 : f32
    %mul3A_444 = vector.broadcast %mul3A_443 : f32 to vector<16xf32>
    %mul3A_445 = arith.mulf %get3A_442, %mul3A_444 : vector<16xf32>
    %get3A_446 = arith.constant 240 : index
    %get3A_447 = tpu.vector_load %arg15[%get3A_446] {strides = array<i32>} : memref<256xf32, #tpu.memory_space<vmem>>, vector<16xf32>,
    %get3A_448 = vector.shape_cast %get3A_447 : vector<16xf32> to vector<16xf32>
    %mul3A_449 = arith.constant 1.000000e-01 : f32
    %mul3A_450 = vector.broadcast %mul3A_449 : f32 to vector<16xf32>
    %mul3A_451 = arith.mulf %get3A_448, %mul3A_450 : vector<16xf32>
    %add3A_452 = arith.addf %mul3A_445, %mul3A_451 : vector<16xf32>
    %swap3A_453 = arith.constant 240 : index
    %swap3A_454 = tpu.vector_load %arg14[%swap3A_453] {strides = array<i32>} : memref<256xf32, #tpu.memory_space<vmem>>, vector<16xf32>,
    %swap3A_455 = vector.shape_cast %swap3A_454 : vector<16xf32> to vector<16xf32>
    %swap3A_456 = vector.shape_cast %add3A_452 : vector<16xf32> to vector<16xf32>
    tpu.vector_store %arg14[%swap3A_453], %swap3A_456 {strides = array<i32>} : memref<256xf32, #tpu.memory_space<vmem>>, vector<16xf32>,
    %mul3A_457 = arith.mulf %add3A_452, %get3A_34 : vector<16xf32>
    %sub3A_458 = arith.subf %mul3A_457, %get3A_37 : vector<16xf32>
    %get3A_459 = arith.constant 240 : index
    %get3A_460 = tpu.vector_load %arg16[%get3A_459] {strides = array<i32>} : memref<256xf32, #tpu.memory_space<vmem>>, vector<16xf32>,
    %get3A_461 = vector.shape_cast %get3A_460 : vector<16xf32> to vector<16xf32>
    %div3A_462 = arith.divf %sub3A_458, %get3A_461 : vector<16xf32>
    %swap3A_463 = arith.constant 240 : index
    %swap3A_464 = tpu.vector_load %arg17[%swap3A_463] {strides = array<i32>} : memref<256xf32, #tpu.memory_space<vmem>>, vector<16xf32>,
    %swap3A_465 = vector.shape_cast %swap3A_464 : vector<16xf32> to vector<16xf32>
    %swap3A_466 = vector.shape_cast %div3A_462 : vector<16xf32> to vector<16xf32>
    tpu.vector_store %arg17[%swap3A_463], %swap3A_466 {strides = array<i32>} : memref<256xf32, #tpu.memory_space<vmem>>, vector<16xf32>,
    %dma_start3A_467 = arith.constant 0 : i32
    %dma_start3A_468 = arith.constant 0 : i32
    %dma_start3A_469 = tpu.memref_slice %arg14[%dma_start3A_468] : memref<256xf32, #tpu.memory_space<vmem>> -> memref<128xf32, #tpu.memory_space<vmem>>
    %dma_start3A_470 = arith.constant 0 : i32
    %dma_start3A_471 = tpu.memref_slice %arg12[%dma_start3A_467, %dma_start3A_470] : memref<2x128xi32, #tpu.memory_space<vmem>> -> memref<1x128xi32, #tpu.memory_space<vmem>>
    %dma_start3A_472 = tpu.memref_squeeze %dma_start3A_471 : memref<1x128xi32, #tpu.memory_space<vmem>> -> memref<128xi32, #tpu.memory_space<vmem>>
    %dma_start3A_473 = arith.constant 0 : i32
    %dma_start3A_474 = tpu.memref_slice %arg8[%dma_start3A_473] : memref<1000000xf32, #tpu.memory_space<hbm>> -> memref<1000000xf32, #tpu.memory_space<hbm>>
    tpu.enqueue_indirect_dma source(%dma_start3A_469 : memref<128xf32, #tpu.memory_space<vmem>>) target(%dma_start3A_474 : memref<1000000xf32, #tpu.memory_space<hbm>>) offsets(%dma_start3A_472 : memref<128xi32, #tpu.memory_space<vmem>>) semaphore(%arg20 : memref<!tpu.dma_semaphore, #tpu.memory_space<semaphore_mem>>)
    %dma_start3A_475 = arith.constant 1 : i32
    %dma_start3A_476 = arith.constant 128 : i32
    %dma_start3A_477 = tpu.memref_slice %arg14[%dma_start3A_476] : memref<256xf32, #tpu.memory_space<vmem>> -> memref<128xf32, #tpu.memory_space<vmem>>
    %dma_start3A_478 = arith.constant 0 : i32
    %dma_start3A_479 = tpu.memref_slice %arg12[%dma_start3A_475, %dma_start3A_478] : memref<2x128xi32, #tpu.memory_space<vmem>> -> memref<1x128xi32, #tpu.memory_space<vmem>>
    %dma_start3A_480 = tpu.memref_squeeze %dma_start3A_479 : memref<1x128xi32, #tpu.memory_space<vmem>> -> memref<128xi32, #tpu.memory_space<vmem>>
    %dma_start3A_481 = arith.constant 0 : i32
    %dma_start3A_482 = tpu.memref_slice %arg8[%dma_start3A_481] : memref<1000000xf32, #tpu.memory_space<hbm>> -> memref<1000000xf32, #tpu.memory_space<hbm>>
    tpu.enqueue_indirect_dma source(%dma_start3A_477 : memref<128xf32, #tpu.memory_space<vmem>>) target(%dma_start3A_482 : memref<1000000xf32, #tpu.memory_space<hbm>>) offsets(%dma_start3A_480 : memref<128xi32, #tpu.memory_space<vmem>>) semaphore(%arg20 : memref<!tpu.dma_semaphore, #tpu.memory_space<semaphore_mem>>)
    %dma_wait3A_483 = arith.constant 0 : i32
    %dma_wait3A_484 = arith.constant 0 : i32
    %dma_wait3A_485 = tpu.memref_slice %arg14[%dma_wait3A_484] : memref<256xf32, #tpu.memory_space<vmem>> -> memref<128xf32, #tpu.memory_space<vmem>>
    %dma_wait3A_486 = arith.constant 0 : i32
    %dma_wait3A_487 = tpu.memref_slice %arg12[%dma_wait3A_483, %dma_wait3A_486] : memref<2x128xi32, #tpu.memory_space<vmem>> -> memref<1x128xi32, #tpu.memory_space<vmem>>
    %dma_wait3A_488 = tpu.memref_squeeze %dma_wait3A_487 : memref<1x128xi32, #tpu.memory_space<vmem>> -> memref<128xi32, #tpu.memory_space<vmem>>
    %dma_wait3A_489 = arith.constant 0 : i32
    %dma_wait3A_490 = tpu.memref_slice %arg8[%dma_wait3A_489] : memref<1000000xf32, #tpu.memory_space<hbm>> -> memref<1000000xf32, #tpu.memory_space<hbm>>
    tpu.wait_indirect_dma semaphore(%arg20 : memref<!tpu.dma_semaphore, #tpu.memory_space<semaphore_mem>>) src(%dma_wait3A_485 : memref<128xf32, #tpu.memory_space<vmem>>) dst(%dma_wait3A_490 : memref<1000000xf32, #tpu.memory_space<hbm>>)
    %dma_wait3A_491 = arith.constant 1 : i32
    %dma_wait3A_492 = arith.constant 128 : i32
    %dma_wait3A_493 = tpu.memref_slice %arg14[%dma_wait3A_492] : memref<256xf32, #tpu.memory_space<vmem>> -> memref<128xf32, #tpu.memory_space<vmem>>
    %dma_wait3A_494 = arith.constant 0 : i32
    %dma_wait3A_495 = tpu.memref_slice %arg12[%dma_wait3A_491, %dma_wait3A_494] : memref<2x128xi32, #tpu.memory_space<vmem>> -> memref<1x128xi32, #tpu.memory_space<vmem>>
    %dma_wait3A_496 = tpu.memref_squeeze %dma_wait3A_495 : memref<1x128xi32, #tpu.memory_space<vmem>> -> memref<128xi32, #tpu.memory_space<vmem>>
    %dma_wait3A_497 = arith.constant 0 : i32
    %dma_wait3A_498 = tpu.memref_slice %arg8[%dma_wait3A_497] : memref<1000000xf32, #tpu.memory_space<hbm>> -> memref<1000000xf32, #tpu.memory_space<hbm>>
    tpu.wait_indirect_dma semaphore(%arg20 : memref<!tpu.dma_semaphore, #tpu.memory_space<semaphore_mem>>) src(%dma_wait3A_493 : memref<128xf32, #tpu.memory_space<vmem>>) dst(%dma_wait3A_498 : memref<1000000xf32, #tpu.memory_space<hbm>>)
    "tpu.region"() ({
      %run_scoped3A = tpu.sem_alloc : memref<!tpu.dma_semaphore, #tpu.memory_space<semaphore_mem>>
      %dma_start3A_499 = tpu.memref_slice %arg9[%add3A_4] : memref<16384xf32, #tpu.memory_space<hbm>> -> memref<256xf32, #tpu.memory_space<hbm>>
      %dma_start3A_500 = tpu.memref_slice %arg9[%add3A_4] : memref<16384xf32, #tpu.memory_space<hbm>> -> memref<256xf32, #tpu.memory_space<hbm>>
      tpu.enqueue_dma source(%arg17 : memref<256xf32, #tpu.memory_space<vmem>>) target(%dma_start3A_500 : memref<256xf32, #tpu.memory_space<hbm>>) target_semaphore(%run_scoped3A : memref<!tpu.dma_semaphore, #tpu.memory_space<semaphore_mem>>)
      %dma_wait3A_501 = tpu.memref_slice %arg9[%add3A_4] : memref<16384xf32, #tpu.memory_space<hbm>> -> memref<256xf32, #tpu.memory_space<hbm>>
      %dma_wait3A_502 = tpu.memref_slice %arg9[%add3A_4] : memref<16384xf32, #tpu.memory_space<hbm>> -> memref<256xf32, #tpu.memory_space<hbm>>
      tpu.wait_dma2 semaphore(%run_scoped3A : memref<!tpu.dma_semaphore, #tpu.memory_space<semaphore_mem>>) src(%arg17 : memref<256xf32, #tpu.memory_space<vmem>>) dst(%dma_wait3A_502 : memref<256xf32, #tpu.memory_space<hbm>>)
      tpu.yield
    }) : () -> ()
    return
  }
}

#map = affine_map<(d0, d1) -> (0)>
#map1 = affine_map<(d0, d1) -> (0, 0, 0)>
module attributes {stable_mosaic.version = 14 : i64} {
  func.func @new_body(%arg0: i32, %arg1: i32, %arg2: memref<16384xf32, #tpu.memory_space<hbm>>, %arg3: memref<8192xf32, #tpu.memory_space<hbm>>, %arg4: memref<16384xf32, #tpu.memory_space<hbm>>, %arg5: memref<32x2x128xi32, #tpu.memory_space<hbm>>, %arg6: memref<16xf32, #tpu.memory_space<hbm>>, %arg7: memref<16xf32, #tpu.memory_space<hbm>>, %arg8: memref<1000000xf32, #tpu.memory_space<hbm>>, %arg9: memref<16384xf32, #tpu.memory_space<hbm>>, %arg10: memref<1000000xf32, #tpu.memory_space<hbm>>, %arg11: memref<16384xf32, #tpu.memory_space<hbm>>, %arg12: memref<2x128xi32, #tpu.memory_space<vmem>>, %arg13: memref<256xf32, #tpu.memory_space<vmem>>, %arg14: memref<256xf32, #tpu.memory_space<vmem>>, %arg15: memref<256xf32, #tpu.memory_space<vmem>>, %arg16: memref<256xf32, #tpu.memory_space<vmem>>, %arg17: memref<256xf32, #tpu.memory_space<vmem>>, %arg18: memref<16xf32, #tpu.memory_space<vmem>>, %arg19: memref<16xf32, #tpu.memory_space<vmem>>, %arg20: memref<!tpu.dma_semaphore, #tpu.memory_space<semaphore_mem>>) attributes {dimension_semantics = [#tpu.dimension_semantics<core_parallel>, #tpu.dimension_semantics<subcore_parallel>], iteration_bounds = array<i64: 2, 16>, scalar_prefetch = 0 : i64, scratch_operands = 9 : i64, tpu.core_type = #tpu.core_type<sc_vector_subcore>, window_params = [{transform_indices = #map}, {transform_indices = #map}, {transform_indices = #map}, {transform_indices = #map1}, {transform_indices = #map}, {transform_indices = #map}, {transform_indices = #map}, {transform_indices = #map}, {transform_indices = #map}, {transform_indices = #map}]} {
    %mul3A = arith.constant 2 : i32
    %mul3A_0 = arith.muli %arg1, %mul3A : i32
    %add3A = arith.addi %mul3A_0, %arg0 : i32
    %mul3A_1 = arith.constant 256 : i32
    %mul3A_2 = arith.muli %add3A, %mul3A_1 : i32
    %add3A_3 = arith.constant 0 : i32
    %add3A_4 = arith.addi %add3A_3, %mul3A_2 : i32
    %dma_start3A = arith.constant 0 : i32
    %dma_start3A_5 = arith.constant 0 : i32
    %dma_start3A_6 = tpu.memref_slice %arg5[%add3A, %dma_start3A, %dma_start3A_5] : memref<32x2x128xi32, #tpu.memory_space<hbm>> -> memref<1x2x128xi32, #tpu.memory_space<hbm>>
    %dma_start3A_7 = tpu.memref_squeeze %dma_start3A_6 : memref<1x2x128xi32, #tpu.memory_space<hbm>> -> memref<2x128xi32, #tpu.memory_space<hbm>>
    %dma_start3A_8 = arith.constant 0 : i32
    %dma_start3A_9 = arith.constant 0 : i32
    %dma_start3A_10 = tpu.memref_slice %arg5[%add3A, %dma_start3A_8, %dma_start3A_9] : memref<32x2x128xi32, #tpu.memory_space<hbm>> -> memref<1x2x128xi32, #tpu.memory_space<hbm>>
    %dma_start3A_11 = tpu.memref_squeeze %dma_start3A_10 : memref<1x2x128xi32, #tpu.memory_space<hbm>> -> memref<2x128xi32, #tpu.memory_space<hbm>>
    tpu.enqueue_dma source(%dma_start3A_11 : memref<2x128xi32, #tpu.memory_space<hbm>>) target(%arg12 : memref<2x128xi32, #tpu.memory_space<vmem>>) target_semaphore(%arg20 : memref<!tpu.dma_semaphore, #tpu.memory_space<semaphore_mem>>)
    %dma_start3A_12 = tpu.memref_slice %arg2[%add3A_4] : memref<16384xf32, #tpu.memory_space<hbm>> -> memref<256xf32, #tpu.memory_space<hbm>>
    %dma_start3A_13 = tpu.memref_slice %arg2[%add3A_4] : memref<16384xf32, #tpu.memory_space<hbm>> -> memref<256xf32, #tpu.memory_space<hbm>>
    tpu.enqueue_dma source(%dma_start3A_13 : memref<256xf32, #tpu.memory_space<hbm>>) target(%arg13 : memref<256xf32, #tpu.memory_space<vmem>>) target_semaphore(%arg20 : memref<!tpu.dma_semaphore, #tpu.memory_space<semaphore_mem>>)
    %mul3A_14 = arith.constant 256 : i32
    %mul3A_15 = arith.muli %add3A, %mul3A_14 : i32
    %dma_start3A_16 = tpu.memref_slice %arg3[%mul3A_15] : memref<8192xf32, #tpu.memory_space<hbm>> -> memref<256xf32, #tpu.memory_space<hbm>>
    %dma_start3A_17 = tpu.memref_slice %arg3[%mul3A_15] : memref<8192xf32, #tpu.memory_space<hbm>> -> memref<256xf32, #tpu.memory_space<hbm>>
    tpu.enqueue_dma source(%dma_start3A_17 : memref<256xf32, #tpu.memory_space<hbm>>) target(%arg15 : memref<256xf32, #tpu.memory_space<vmem>>) target_semaphore(%arg20 : memref<!tpu.dma_semaphore, #tpu.memory_space<semaphore_mem>>)
    %dma_start3A_18 = tpu.memref_slice %arg4[%add3A_4] : memref<16384xf32, #tpu.memory_space<hbm>> -> memref<256xf32, #tpu.memory_space<hbm>>
    %dma_start3A_19 = tpu.memref_slice %arg4[%add3A_4] : memref<16384xf32, #tpu.memory_space<hbm>> -> memref<256xf32, #tpu.memory_space<hbm>>
    tpu.enqueue_dma source(%dma_start3A_19 : memref<256xf32, #tpu.memory_space<hbm>>) target(%arg16 : memref<256xf32, #tpu.memory_space<vmem>>) target_semaphore(%arg20 : memref<!tpu.dma_semaphore, #tpu.memory_space<semaphore_mem>>)
    tpu.enqueue_dma source(%arg6 : memref<16xf32, #tpu.memory_space<hbm>>) target(%arg18 : memref<16xf32, #tpu.memory_space<vmem>>) target_semaphore(%arg20 : memref<!tpu.dma_semaphore, #tpu.memory_space<semaphore_mem>>)
    tpu.enqueue_dma source(%arg7 : memref<16xf32, #tpu.memory_space<hbm>>) target(%arg19 : memref<16xf32, #tpu.memory_space<vmem>>) target_semaphore(%arg20 : memref<!tpu.dma_semaphore, #tpu.memory_space<semaphore_mem>>)
    %dma_wait3A = arith.constant 0 : i32
    %dma_wait3A_20 = arith.constant 0 : i32
    %dma_wait3A_21 = tpu.memref_slice %arg5[%add3A, %dma_wait3A, %dma_wait3A_20] : memref<32x2x128xi32, #tpu.memory_space<hbm>> -> memref<1x2x128xi32, #tpu.memory_space<hbm>>
    %dma_wait3A_22 = tpu.memref_squeeze %dma_wait3A_21 : memref<1x2x128xi32, #tpu.memory_space<hbm>> -> memref<2x128xi32, #tpu.memory_space<hbm>>
    %dma_wait3A_23 = arith.constant 0 : i32
    %dma_wait3A_24 = arith.constant 0 : i32
    %dma_wait3A_25 = tpu.memref_slice %arg5[%add3A, %dma_wait3A_23, %dma_wait3A_24] : memref<32x2x128xi32, #tpu.memory_space<hbm>> -> memref<1x2x128xi32, #tpu.memory_space<hbm>>
    %dma_wait3A_26 = tpu.memref_squeeze %dma_wait3A_25 : memref<1x2x128xi32, #tpu.memory_space<hbm>> -> memref<2x128xi32, #tpu.memory_space<hbm>>
    tpu.wait_dma2 semaphore(%arg20 : memref<!tpu.dma_semaphore, #tpu.memory_space<semaphore_mem>>) src(%dma_wait3A_26 : memref<2x128xi32, #tpu.memory_space<hbm>>) dst(%arg12 : memref<2x128xi32, #tpu.memory_space<vmem>>)
    %dma_wait3A_27 = tpu.memref_slice %arg2[%add3A_4] : memref<16384xf32, #tpu.memory_space<hbm>> -> memref<256xf32, #tpu.memory_space<hbm>>
    %dma_wait3A_28 = tpu.memref_slice %arg2[%add3A_4] : memref<16384xf32, #tpu.memory_space<hbm>> -> memref<256xf32, #tpu.memory_space<hbm>>
    tpu.wait_dma2 semaphore(%arg20 : memref<!tpu.dma_semaphore, #tpu.memory_space<semaphore_mem>>) src(%dma_wait3A_28 : memref<256xf32, #tpu.memory_space<hbm>>) dst(%arg13 : memref<256xf32, #tpu.memory_space<vmem>>)
    %dma_wait3A_29 = tpu.memref_slice %arg3[%mul3A_15] : memref<8192xf32, #tpu.memory_space<hbm>> -> memref<256xf32, #tpu.memory_space<hbm>>
    %dma_wait3A_30 = tpu.memref_slice %arg3[%mul3A_15] : memref<8192xf32, #tpu.memory_space<hbm>> -> memref<256xf32, #tpu.memory_space<hbm>>
    tpu.wait_dma2 semaphore(%arg20 : memref<!tpu.dma_semaphore, #tpu.memory_space<semaphore_mem>>) src(%dma_wait3A_30 : memref<256xf32, #tpu.memory_space<hbm>>) dst(%arg15 : memref<256xf32, #tpu.memory_space<vmem>>)
    %dma_wait3A_31 = tpu.memref_slice %arg4[%add3A_4] : memref<16384xf32, #tpu.memory_space<hbm>> -> memref<256xf32, #tpu.memory_space<hbm>>
    %dma_wait3A_32 = tpu.memref_slice %arg4[%add3A_4] : memref<16384xf32, #tpu.memory_space<hbm>> -> memref<256xf32, #tpu.memory_space<hbm>>
    tpu.wait_dma2 semaphore(%arg20 : memref<!tpu.dma_semaphore, #tpu.memory_space<semaphore_mem>>) src(%dma_wait3A_32 : memref<256xf32, #tpu.memory_space<hbm>>) dst(%arg16 : memref<256xf32, #tpu.memory_space<vmem>>)
    tpu.wait_dma2 semaphore(%arg20 : memref<!tpu.dma_semaphore, #tpu.memory_space<semaphore_mem>>) src(%arg6 : memref<16xf32, #tpu.memory_space<hbm>>) dst(%arg18 : memref<16xf32, #tpu.memory_space<vmem>>)
    tpu.wait_dma2 semaphore(%arg20 : memref<!tpu.dma_semaphore, #tpu.memory_space<semaphore_mem>>) src(%arg7 : memref<16xf32, #tpu.memory_space<hbm>>) dst(%arg19 : memref<16xf32, #tpu.memory_space<vmem>>)
    %get3A = arith.constant 0 : index
    %get3A_33 = tpu.vector_load %arg18[%get3A] {strides = array<i32>} : memref<16xf32, #tpu.memory_space<vmem>>, vector<16xf32>,
    %get3A_34 = vector.shape_cast %get3A_33 : vector<16xf32> to vector<16xf32>
    %get3A_35 = arith.constant 0 : index
    %get3A_36 = tpu.vector_load %arg19[%get3A_35] {strides = array<i32>} : memref<16xf32, #tpu.memory_space<vmem>>, vector<16xf32>,
    %get3A_37 = vector.shape_cast %get3A_36 : vector<16xf32> to vector<16xf32>
    %get3A_38 = arith.constant 0 : index
    %get3A_39 = tpu.vector_load %arg13[%get3A_38] {strides = array<i32>} : memref<256xf32, #tpu.memory_space<vmem>>, vector<16xf32>,
    %get3A_40 = vector.shape_cast %get3A_39 : vector<16xf32> to vector<16xf32>
    %mul3A_41 = arith.constant 0.899999976 : f32
    %mul3A_42 = vector.broadcast %mul3A_41 : f32 to vector<16xf32>
    %mul3A_43 = arith.mulf %get3A_40, %mul3A_42 : vector<16xf32>
    %get3A_44 = arith.constant 0 : index
    %get3A_45 = tpu.vector_load %arg15[%get3A_44] {strides = array<i32>} : memref<256xf32, #tpu.memory_space<vmem>>, vector<16xf32>,
    %get3A_46 = vector.shape_cast %get3A_45 : vector<16xf32> to vector<16xf32>
    %mul3A_47 = arith.constant 1.000000e-01 : f32
    %mul3A_48 = vector.broadcast %mul3A_47 : f32 to vector<16xf32>
    %mul3A_49 = arith.mulf %get3A_46, %mul3A_48 : vector<16xf32>
    %add3A_50 = arith.addf %mul3A_43, %mul3A_49 : vector<16xf32>
    %swap3A = arith.constant 0 : index
    %swap3A_51 = tpu.vector_load %arg14[%swap3A] {strides = array<i32>} : memref<256xf32, #tpu.memory_space<vmem>>, vector<16xf32>,
    %swap3A_52 = vector.shape_cast %swap3A_51 : vector<16xf32> to vector<16xf32>
    %swap3A_53 = vector.shape_cast %add3A_50 : vector<16xf32> to vector<16xf32>
    tpu.vector_store %arg14[%swap3A], %swap3A_53 {strides = array<i32>} : memref<256xf32, #tpu.memory_space<vmem>>, vector<16xf32>,
    %mul3A_54 = arith.mulf %add3A_50, %get3A_34 : vector<16xf32>
    %sub3A = arith.subf %mul3A_54, %get3A_37 : vector<16xf32>
    %get3A_55 = arith.constant 0 : index
    %get3A_56 = tpu.vector_load %arg16[%get3A_55] {strides = array<i32>} : memref<256xf32, #tpu.memory_space<vmem>>, vector<16xf32>,
    %get3A_57 = vector.shape_cast %get3A_56 : vector<16xf32> to vector<16xf32>
    %div3A = arith.divf %sub3A, %get3A_57 : vector<16xf32>
    %swap3A_58 = arith.constant 0 : index
    %swap3A_59 = tpu.vector_load %arg17[%swap3A_58] {strides = array<i32>} : memref<256xf32, #tpu.memory_space<vmem>>, vector<16xf32>,
    %swap3A_60 = vector.shape_cast %swap3A_59 : vector<16xf32> to vector<16xf32>
    %swap3A_61 = vector.shape_cast %div3A : vector<16xf32> to vector<16xf32>
    tpu.vector_store %arg17[%swap3A_58], %swap3A_61 {strides = array<i32>} : memref<256xf32, #tpu.memory_space<vmem>>, vector<16xf32>,
    %get3A_62 = arith.constant 16 : index
    %get3A_63 = tpu.vector_load %arg13[%get3A_62] {strides = array<i32>} : memref<256xf32, #tpu.memory_space<vmem>>, vector<16xf32>,
    %get3A_64 = vector.shape_cast %get3A_63 : vector<16xf32> to vector<16xf32>
    %mul3A_65 = arith.constant 0.899999976 : f32
    %mul3A_66 = vector.broadcast %mul3A_65 : f32 to vector<16xf32>
    %mul3A_67 = arith.mulf %get3A_64, %mul3A_66 : vector<16xf32>
    %get3A_68 = arith.constant 16 : index
    %get3A_69 = tpu.vector_load %arg15[%get3A_68] {strides = array<i32>} : memref<256xf32, #tpu.memory_space<vmem>>, vector<16xf32>,
    %get3A_70 = vector.shape_cast %get3A_69 : vector<16xf32> to vector<16xf32>
    %mul3A_71 = arith.constant 1.000000e-01 : f32
    %mul3A_72 = vector.broadcast %mul3A_71 : f32 to vector<16xf32>
    %mul3A_73 = arith.mulf %get3A_70, %mul3A_72 : vector<16xf32>
    %add3A_74 = arith.addf %mul3A_67, %mul3A_73 : vector<16xf32>
    %swap3A_75 = arith.constant 16 : index
    %swap3A_76 = tpu.vector_load %arg14[%swap3A_75] {strides = array<i32>} : memref<256xf32, #tpu.memory_space<vmem>>, vector<16xf32>,
    %swap3A_77 = vector.shape_cast %swap3A_76 : vector<16xf32> to vector<16xf32>
    %swap3A_78 = vector.shape_cast %add3A_74 : vector<16xf32> to vector<16xf32>
    tpu.vector_store %arg14[%swap3A_75], %swap3A_78 {strides = array<i32>} : memref<256xf32, #tpu.memory_space<vmem>>, vector<16xf32>,
    %mul3A_79 = arith.mulf %add3A_74, %get3A_34 : vector<16xf32>
    %sub3A_80 = arith.subf %mul3A_79, %get3A_37 : vector<16xf32>
    %get3A_81 = arith.constant 16 : index
    %get3A_82 = tpu.vector_load %arg16[%get3A_81] {strides = array<i32>} : memref<256xf32, #tpu.memory_space<vmem>>, vector<16xf32>,
    %get3A_83 = vector.shape_cast %get3A_82 : vector<16xf32> to vector<16xf32>
    %div3A_84 = arith.divf %sub3A_80, %get3A_83 : vector<16xf32>
    %swap3A_85 = arith.constant 16 : index
    %swap3A_86 = tpu.vector_load %arg17[%swap3A_85] {strides = array<i32>} : memref<256xf32, #tpu.memory_space<vmem>>, vector<16xf32>,
    %swap3A_87 = vector.shape_cast %swap3A_86 : vector<16xf32> to vector<16xf32>
    %swap3A_88 = vector.shape_cast %div3A_84 : vector<16xf32> to vector<16xf32>
    tpu.vector_store %arg17[%swap3A_85], %swap3A_88 {strides = array<i32>} : memref<256xf32, #tpu.memory_space<vmem>>, vector<16xf32>,
    %get3A_89 = arith.constant 32 : index
    %get3A_90 = tpu.vector_load %arg13[%get3A_89] {strides = array<i32>} : memref<256xf32, #tpu.memory_space<vmem>>, vector<16xf32>,
    %get3A_91 = vector.shape_cast %get3A_90 : vector<16xf32> to vector<16xf32>
    %mul3A_92 = arith.constant 0.899999976 : f32
    %mul3A_93 = vector.broadcast %mul3A_92 : f32 to vector<16xf32>
    %mul3A_94 = arith.mulf %get3A_91, %mul3A_93 : vector<16xf32>
    %get3A_95 = arith.constant 32 : index
    %get3A_96 = tpu.vector_load %arg15[%get3A_95] {strides = array<i32>} : memref<256xf32, #tpu.memory_space<vmem>>, vector<16xf32>,
    %get3A_97 = vector.shape_cast %get3A_96 : vector<16xf32> to vector<16xf32>
    %mul3A_98 = arith.constant 1.000000e-01 : f32
    %mul3A_99 = vector.broadcast %mul3A_98 : f32 to vector<16xf32>
    %mul3A_100 = arith.mulf %get3A_97, %mul3A_99 : vector<16xf32>
    %add3A_101 = arith.addf %mul3A_94, %mul3A_100 : vector<16xf32>
    %swap3A_102 = arith.constant 32 : index
    %swap3A_103 = tpu.vector_load %arg14[%swap3A_102] {strides = array<i32>} : memref<256xf32, #tpu.memory_space<vmem>>, vector<16xf32>,
    %swap3A_104 = vector.shape_cast %swap3A_103 : vector<16xf32> to vector<16xf32>
    %swap3A_105 = vector.shape_cast %add3A_101 : vector<16xf32> to vector<16xf32>
    tpu.vector_store %arg14[%swap3A_102], %swap3A_105 {strides = array<i32>} : memref<256xf32, #tpu.memory_space<vmem>>, vector<16xf32>,
    %mul3A_106 = arith.mulf %add3A_101, %get3A_34 : vector<16xf32>
    %sub3A_107 = arith.subf %mul3A_106, %get3A_37 : vector<16xf32>
    %get3A_108 = arith.constant 32 : index
    %get3A_109 = tpu.vector_load %arg16[%get3A_108] {strides = array<i32>} : memref<256xf32, #tpu.memory_space<vmem>>, vector<16xf32>,
    %get3A_110 = vector.shape_cast %get3A_109 : vector<16xf32> to vector<16xf32>
    %div3A_111 = arith.divf %sub3A_107, %get3A_110 : vector<16xf32>
    %swap3A_112 = arith.constant 32 : index
    %swap3A_113 = tpu.vector_load %arg17[%swap3A_112] {strides = array<i32>} : memref<256xf32, #tpu.memory_space<vmem>>, vector<16xf32>,
    %swap3A_114 = vector.shape_cast %swap3A_113 : vector<16xf32> to vector<16xf32>
    %swap3A_115 = vector.shape_cast %div3A_111 : vector<16xf32> to vector<16xf32>
    tpu.vector_store %arg17[%swap3A_112], %swap3A_115 {strides = array<i32>} : memref<256xf32, #tpu.memory_space<vmem>>, vector<16xf32>,
    %get3A_116 = arith.constant 48 : index
    %get3A_117 = tpu.vector_load %arg13[%get3A_116] {strides = array<i32>} : memref<256xf32, #tpu.memory_space<vmem>>, vector<16xf32>,
    %get3A_118 = vector.shape_cast %get3A_117 : vector<16xf32> to vector<16xf32>
    %mul3A_119 = arith.constant 0.899999976 : f32
    %mul3A_120 = vector.broadcast %mul3A_119 : f32 to vector<16xf32>
    %mul3A_121 = arith.mulf %get3A_118, %mul3A_120 : vector<16xf32>
    %get3A_122 = arith.constant 48 : index
    %get3A_123 = tpu.vector_load %arg15[%get3A_122] {strides = array<i32>} : memref<256xf32, #tpu.memory_space<vmem>>, vector<16xf32>,
    %get3A_124 = vector.shape_cast %get3A_123 : vector<16xf32> to vector<16xf32>
    %mul3A_125 = arith.constant 1.000000e-01 : f32
    %mul3A_126 = vector.broadcast %mul3A_125 : f32 to vector<16xf32>
    %mul3A_127 = arith.mulf %get3A_124, %mul3A_126 : vector<16xf32>
    %add3A_128 = arith.addf %mul3A_121, %mul3A_127 : vector<16xf32>
    %swap3A_129 = arith.constant 48 : index
    %swap3A_130 = tpu.vector_load %arg14[%swap3A_129] {strides = array<i32>} : memref<256xf32, #tpu.memory_space<vmem>>, vector<16xf32>,
    %swap3A_131 = vector.shape_cast %swap3A_130 : vector<16xf32> to vector<16xf32>
    %swap3A_132 = vector.shape_cast %add3A_128 : vector<16xf32> to vector<16xf32>
    tpu.vector_store %arg14[%swap3A_129], %swap3A_132 {strides = array<i32>} : memref<256xf32, #tpu.memory_space<vmem>>, vector<16xf32>,
    %mul3A_133 = arith.mulf %add3A_128, %get3A_34 : vector<16xf32>
    %sub3A_134 = arith.subf %mul3A_133, %get3A_37 : vector<16xf32>
    %get3A_135 = arith.constant 48 : index
    %get3A_136 = tpu.vector_load %arg16[%get3A_135] {strides = array<i32>} : memref<256xf32, #tpu.memory_space<vmem>>, vector<16xf32>,
    %get3A_137 = vector.shape_cast %get3A_136 : vector<16xf32> to vector<16xf32>
    %div3A_138 = arith.divf %sub3A_134, %get3A_137 : vector<16xf32>
    %swap3A_139 = arith.constant 48 : index
    %swap3A_140 = tpu.vector_load %arg17[%swap3A_139] {strides = array<i32>} : memref<256xf32, #tpu.memory_space<vmem>>, vector<16xf32>,
    %swap3A_141 = vector.shape_cast %swap3A_140 : vector<16xf32> to vector<16xf32>
    %swap3A_142 = vector.shape_cast %div3A_138 : vector<16xf32> to vector<16xf32>
    tpu.vector_store %arg17[%swap3A_139], %swap3A_142 {strides = array<i32>} : memref<256xf32, #tpu.memory_space<vmem>>, vector<16xf32>,
    %get3A_143 = arith.constant 64 : index
    %get3A_144 = tpu.vector_load %arg13[%get3A_143] {strides = array<i32>} : memref<256xf32, #tpu.memory_space<vmem>>, vector<16xf32>,
    %get3A_145 = vector.shape_cast %get3A_144 : vector<16xf32> to vector<16xf32>
    %mul3A_146 = arith.constant 0.899999976 : f32
    %mul3A_147 = vector.broadcast %mul3A_146 : f32 to vector<16xf32>
    %mul3A_148 = arith.mulf %get3A_145, %mul3A_147 : vector<16xf32>
    %get3A_149 = arith.constant 64 : index
    %get3A_150 = tpu.vector_load %arg15[%get3A_149] {strides = array<i32>} : memref<256xf32, #tpu.memory_space<vmem>>, vector<16xf32>,
    %get3A_151 = vector.shape_cast %get3A_150 : vector<16xf32> to vector<16xf32>
    %mul3A_152 = arith.constant 1.000000e-01 : f32
    %mul3A_153 = vector.broadcast %mul3A_152 : f32 to vector<16xf32>
    %mul3A_154 = arith.mulf %get3A_151, %mul3A_153 : vector<16xf32>
    %add3A_155 = arith.addf %mul3A_148, %mul3A_154 : vector<16xf32>
    %swap3A_156 = arith.constant 64 : index
    %swap3A_157 = tpu.vector_load %arg14[%swap3A_156] {strides = array<i32>} : memref<256xf32, #tpu.memory_space<vmem>>, vector<16xf32>,
    %swap3A_158 = vector.shape_cast %swap3A_157 : vector<16xf32> to vector<16xf32>
    %swap3A_159 = vector.shape_cast %add3A_155 : vector<16xf32> to vector<16xf32>
    tpu.vector_store %arg14[%swap3A_156], %swap3A_159 {strides = array<i32>} : memref<256xf32, #tpu.memory_space<vmem>>, vector<16xf32>,
    %mul3A_160 = arith.mulf %add3A_155, %get3A_34 : vector<16xf32>
    %sub3A_161 = arith.subf %mul3A_160, %get3A_37 : vector<16xf32>
    %get3A_162 = arith.constant 64 : index
    %get3A_163 = tpu.vector_load %arg16[%get3A_162] {strides = array<i32>} : memref<256xf32, #tpu.memory_space<vmem>>, vector<16xf32>,
    %get3A_164 = vector.shape_cast %get3A_163 : vector<16xf32> to vector<16xf32>
    %div3A_165 = arith.divf %sub3A_161, %get3A_164 : vector<16xf32>
    %swap3A_166 = arith.constant 64 : index
    %swap3A_167 = tpu.vector_load %arg17[%swap3A_166] {strides = array<i32>} : memref<256xf32, #tpu.memory_space<vmem>>, vector<16xf32>,
    %swap3A_168 = vector.shape_cast %swap3A_167 : vector<16xf32> to vector<16xf32>
    %swap3A_169 = vector.shape_cast %div3A_165 : vector<16xf32> to vector<16xf32>
    tpu.vector_store %arg17[%swap3A_166], %swap3A_169 {strides = array<i32>} : memref<256xf32, #tpu.memory_space<vmem>>, vector<16xf32>,
    %get3A_170 = arith.constant 80 : index
    %get3A_171 = tpu.vector_load %arg13[%get3A_170] {strides = array<i32>} : memref<256xf32, #tpu.memory_space<vmem>>, vector<16xf32>,
    %get3A_172 = vector.shape_cast %get3A_171 : vector<16xf32> to vector<16xf32>
    %mul3A_173 = arith.constant 0.899999976 : f32
    %mul3A_174 = vector.broadcast %mul3A_173 : f32 to vector<16xf32>
    %mul3A_175 = arith.mulf %get3A_172, %mul3A_174 : vector<16xf32>
    %get3A_176 = arith.constant 80 : index
    %get3A_177 = tpu.vector_load %arg15[%get3A_176] {strides = array<i32>} : memref<256xf32, #tpu.memory_space<vmem>>, vector<16xf32>,
    %get3A_178 = vector.shape_cast %get3A_177 : vector<16xf32> to vector<16xf32>
    %mul3A_179 = arith.constant 1.000000e-01 : f32
    %mul3A_180 = vector.broadcast %mul3A_179 : f32 to vector<16xf32>
    %mul3A_181 = arith.mulf %get3A_178, %mul3A_180 : vector<16xf32>
    %add3A_182 = arith.addf %mul3A_175, %mul3A_181 : vector<16xf32>
    %swap3A_183 = arith.constant 80 : index
    %swap3A_184 = tpu.vector_load %arg14[%swap3A_183] {strides = array<i32>} : memref<256xf32, #tpu.memory_space<vmem>>, vector<16xf32>,
    %swap3A_185 = vector.shape_cast %swap3A_184 : vector<16xf32> to vector<16xf32>
    %swap3A_186 = vector.shape_cast %add3A_182 : vector<16xf32> to vector<16xf32>
    tpu.vector_store %arg14[%swap3A_183], %swap3A_186 {strides = array<i32>} : memref<256xf32, #tpu.memory_space<vmem>>, vector<16xf32>,
    %mul3A_187 = arith.mulf %add3A_182, %get3A_34 : vector<16xf32>
    %sub3A_188 = arith.subf %mul3A_187, %get3A_37 : vector<16xf32>
    %get3A_189 = arith.constant 80 : index
    %get3A_190 = tpu.vector_load %arg16[%get3A_189] {strides = array<i32>} : memref<256xf32, #tpu.memory_space<vmem>>, vector<16xf32>,
    %get3A_191 = vector.shape_cast %get3A_190 : vector<16xf32> to vector<16xf32>
    %div3A_192 = arith.divf %sub3A_188, %get3A_191 : vector<16xf32>
    %swap3A_193 = arith.constant 80 : index
    %swap3A_194 = tpu.vector_load %arg17[%swap3A_193] {strides = array<i32>} : memref<256xf32, #tpu.memory_space<vmem>>, vector<16xf32>,
    %swap3A_195 = vector.shape_cast %swap3A_194 : vector<16xf32> to vector<16xf32>
    %swap3A_196 = vector.shape_cast %div3A_192 : vector<16xf32> to vector<16xf32>
    tpu.vector_store %arg17[%swap3A_193], %swap3A_196 {strides = array<i32>} : memref<256xf32, #tpu.memory_space<vmem>>, vector<16xf32>,
    %get3A_197 = arith.constant 96 : index
    %get3A_198 = tpu.vector_load %arg13[%get3A_197] {strides = array<i32>} : memref<256xf32, #tpu.memory_space<vmem>>, vector<16xf32>,
    %get3A_199 = vector.shape_cast %get3A_198 : vector<16xf32> to vector<16xf32>
    %mul3A_200 = arith.constant 0.899999976 : f32
    %mul3A_201 = vector.broadcast %mul3A_200 : f32 to vector<16xf32>
    %mul3A_202 = arith.mulf %get3A_199, %mul3A_201 : vector<16xf32>
    %get3A_203 = arith.constant 96 : index
    %get3A_204 = tpu.vector_load %arg15[%get3A_203] {strides = array<i32>} : memref<256xf32, #tpu.memory_space<vmem>>, vector<16xf32>,
    %get3A_205 = vector.shape_cast %get3A_204 : vector<16xf32> to vector<16xf32>
    %mul3A_206 = arith.constant 1.000000e-01 : f32
    %mul3A_207 = vector.broadcast %mul3A_206 : f32 to vector<16xf32>
    %mul3A_208 = arith.mulf %get3A_205, %mul3A_207 : vector<16xf32>
    %add3A_209 = arith.addf %mul3A_202, %mul3A_208 : vector<16xf32>
    %swap3A_210 = arith.constant 96 : index
    %swap3A_211 = tpu.vector_load %arg14[%swap3A_210] {strides = array<i32>} : memref<256xf32, #tpu.memory_space<vmem>>, vector<16xf32>,
    %swap3A_212 = vector.shape_cast %swap3A_211 : vector<16xf32> to vector<16xf32>
    %swap3A_213 = vector.shape_cast %add3A_209 : vector<16xf32> to vector<16xf32>
    tpu.vector_store %arg14[%swap3A_210], %swap3A_213 {strides = array<i32>} : memref<256xf32, #tpu.memory_space<vmem>>, vector<16xf32>,
    %mul3A_214 = arith.mulf %add3A_209, %get3A_34 : vector<16xf32>
    %sub3A_215 = arith.subf %mul3A_214, %get3A_37 : vector<16xf32>
    %get3A_216 = arith.constant 96 : index
    %get3A_217 = tpu.vector_load %arg16[%get3A_216] {strides = array<i32>} : memref<256xf32, #tpu.memory_space<vmem>>, vector<16xf32>,
    %get3A_218 = vector.shape_cast %get3A_217 : vector<16xf32> to vector<16xf32>
    %div3A_219 = arith.divf %sub3A_215, %get3A_218 : vector<16xf32>
    %swap3A_220 = arith.constant 96 : index
    %swap3A_221 = tpu.vector_load %arg17[%swap3A_220] {strides = array<i32>} : memref<256xf32, #tpu.memory_space<vmem>>, vector<16xf32>,
    %swap3A_222 = vector.shape_cast %swap3A_221 : vector<16xf32> to vector<16xf32>
    %swap3A_223 = vector.shape_cast %div3A_219 : vector<16xf32> to vector<16xf32>
    tpu.vector_store %arg17[%swap3A_220], %swap3A_223 {strides = array<i32>} : memref<256xf32, #tpu.memory_space<vmem>>, vector<16xf32>,
    %get3A_224 = arith.constant 112 : index
    %get3A_225 = tpu.vector_load %arg13[%get3A_224] {strides = array<i32>} : memref<256xf32, #tpu.memory_space<vmem>>, vector<16xf32>,
    %get3A_226 = vector.shape_cast %get3A_225 : vector<16xf32> to vector<16xf32>
    %mul3A_227 = arith.constant 0.899999976 : f32
    %mul3A_228 = vector.broadcast %mul3A_227 : f32 to vector<16xf32>
    %mul3A_229 = arith.mulf %get3A_226, %mul3A_228 : vector<16xf32>
    %get3A_230 = arith.constant 112 : index
    %get3A_231 = tpu.vector_load %arg15[%get3A_230] {strides = array<i32>} : memref<256xf32, #tpu.memory_space<vmem>>, vector<16xf32>,
    %get3A_232 = vector.shape_cast %get3A_231 : vector<16xf32> to vector<16xf32>
    %mul3A_233 = arith.constant 1.000000e-01 : f32
    %mul3A_234 = vector.broadcast %mul3A_233 : f32 to vector<16xf32>
    %mul3A_235 = arith.mulf %get3A_232, %mul3A_234 : vector<16xf32>
    %add3A_236 = arith.addf %mul3A_229, %mul3A_235 : vector<16xf32>
    %swap3A_237 = arith.constant 112 : index
    %swap3A_238 = tpu.vector_load %arg14[%swap3A_237] {strides = array<i32>} : memref<256xf32, #tpu.memory_space<vmem>>, vector<16xf32>,
    %swap3A_239 = vector.shape_cast %swap3A_238 : vector<16xf32> to vector<16xf32>
    %swap3A_240 = vector.shape_cast %add3A_236 : vector<16xf32> to vector<16xf32>
    tpu.vector_store %arg14[%swap3A_237], %swap3A_240 {strides = array<i32>} : memref<256xf32, #tpu.memory_space<vmem>>, vector<16xf32>,
    %mul3A_241 = arith.mulf %add3A_236, %get3A_34 : vector<16xf32>
    %sub3A_242 = arith.subf %mul3A_241, %get3A_37 : vector<16xf32>
    %get3A_243 = arith.constant 112 : index
    %get3A_244 = tpu.vector_load %arg16[%get3A_243] {strides = array<i32>} : memref<256xf32, #tpu.memory_space<vmem>>, vector<16xf32>,
    %get3A_245 = vector.shape_cast %get3A_244 : vector<16xf32> to vector<16xf32>
    %div3A_246 = arith.divf %sub3A_242, %get3A_245 : vector<16xf32>
    %swap3A_247 = arith.constant 112 : index
    %swap3A_248 = tpu.vector_load %arg17[%swap3A_247] {strides = array<i32>} : memref<256xf32, #tpu.memory_space<vmem>>, vector<16xf32>,
    %swap3A_249 = vector.shape_cast %swap3A_248 : vector<16xf32> to vector<16xf32>
    %swap3A_250 = vector.shape_cast %div3A_246 : vector<16xf32> to vector<16xf32>
    tpu.vector_store %arg17[%swap3A_247], %swap3A_250 {strides = array<i32>} : memref<256xf32, #tpu.memory_space<vmem>>, vector<16xf32>,
    %get3A_251 = arith.constant 128 : index
    %get3A_252 = tpu.vector_load %arg13[%get3A_251] {strides = array<i32>} : memref<256xf32, #tpu.memory_space<vmem>>, vector<16xf32>,
    %get3A_253 = vector.shape_cast %get3A_252 : vector<16xf32> to vector<16xf32>
    %mul3A_254 = arith.constant 0.899999976 : f32
    %mul3A_255 = vector.broadcast %mul3A_254 : f32 to vector<16xf32>
    %mul3A_256 = arith.mulf %get3A_253, %mul3A_255 : vector<16xf32>
    %get3A_257 = arith.constant 128 : index
    %get3A_258 = tpu.vector_load %arg15[%get3A_257] {strides = array<i32>} : memref<256xf32, #tpu.memory_space<vmem>>, vector<16xf32>,
    %get3A_259 = vector.shape_cast %get3A_258 : vector<16xf32> to vector<16xf32>
    %mul3A_260 = arith.constant 1.000000e-01 : f32
    %mul3A_261 = vector.broadcast %mul3A_260 : f32 to vector<16xf32>
    %mul3A_262 = arith.mulf %get3A_259, %mul3A_261 : vector<16xf32>
    %add3A_263 = arith.addf %mul3A_256, %mul3A_262 : vector<16xf32>
    %swap3A_264 = arith.constant 128 : index
    %swap3A_265 = tpu.vector_load %arg14[%swap3A_264] {strides = array<i32>} : memref<256xf32, #tpu.memory_space<vmem>>, vector<16xf32>,
    %swap3A_266 = vector.shape_cast %swap3A_265 : vector<16xf32> to vector<16xf32>
    %swap3A_267 = vector.shape_cast %add3A_263 : vector<16xf32> to vector<16xf32>
    tpu.vector_store %arg14[%swap3A_264], %swap3A_267 {strides = array<i32>} : memref<256xf32, #tpu.memory_space<vmem>>, vector<16xf32>,
    %mul3A_268 = arith.mulf %add3A_263, %get3A_34 : vector<16xf32>
    %sub3A_269 = arith.subf %mul3A_268, %get3A_37 : vector<16xf32>
    %get3A_270 = arith.constant 128 : index
    %get3A_271 = tpu.vector_load %arg16[%get3A_270] {strides = array<i32>} : memref<256xf32, #tpu.memory_space<vmem>>, vector<16xf32>,
    %get3A_272 = vector.shape_cast %get3A_271 : vector<16xf32> to vector<16xf32>
    %div3A_273 = arith.divf %sub3A_269, %get3A_272 : vector<16xf32>
    %swap3A_274 = arith.constant 128 : index
    %swap3A_275 = tpu.vector_load %arg17[%swap3A_274] {strides = array<i32>} : memref<256xf32, #tpu.memory_space<vmem>>, vector<16xf32>,
    %swap3A_276 = vector.shape_cast %swap3A_275 : vector<16xf32> to vector<16xf32>
    %swap3A_277 = vector.shape_cast %div3A_273 : vector<16xf32> to vector<16xf32>
    tpu.vector_store %arg17[%swap3A_274], %swap3A_277 {strides = array<i32>} : memref<256xf32, #tpu.memory_space<vmem>>, vector<16xf32>,
    %get3A_278 = arith.constant 144 : index
    %get3A_279 = tpu.vector_load %arg13[%get3A_278] {strides = array<i32>} : memref<256xf32, #tpu.memory_space<vmem>>, vector<16xf32>,
    %get3A_280 = vector.shape_cast %get3A_279 : vector<16xf32> to vector<16xf32>
    %mul3A_281 = arith.constant 0.899999976 : f32
    %mul3A_282 = vector.broadcast %mul3A_281 : f32 to vector<16xf32>
    %mul3A_283 = arith.mulf %get3A_280, %mul3A_282 : vector<16xf32>
    %get3A_284 = arith.constant 144 : index
    %get3A_285 = tpu.vector_load %arg15[%get3A_284] {strides = array<i32>} : memref<256xf32, #tpu.memory_space<vmem>>, vector<16xf32>,
    %get3A_286 = vector.shape_cast %get3A_285 : vector<16xf32> to vector<16xf32>
    %mul3A_287 = arith.constant 1.000000e-01 : f32
    %mul3A_288 = vector.broadcast %mul3A_287 : f32 to vector<16xf32>
    %mul3A_289 = arith.mulf %get3A_286, %mul3A_288 : vector<16xf32>
    %add3A_290 = arith.addf %mul3A_283, %mul3A_289 : vector<16xf32>
    %swap3A_291 = arith.constant 144 : index
    %swap3A_292 = tpu.vector_load %arg14[%swap3A_291] {strides = array<i32>} : memref<256xf32, #tpu.memory_space<vmem>>, vector<16xf32>,
    %swap3A_293 = vector.shape_cast %swap3A_292 : vector<16xf32> to vector<16xf32>
    %swap3A_294 = vector.shape_cast %add3A_290 : vector<16xf32> to vector<16xf32>
    tpu.vector_store %arg14[%swap3A_291], %swap3A_294 {strides = array<i32>} : memref<256xf32, #tpu.memory_space<vmem>>, vector<16xf32>,
    %mul3A_295 = arith.mulf %add3A_290, %get3A_34 : vector<16xf32>
    %sub3A_296 = arith.subf %mul3A_295, %get3A_37 : vector<16xf32>
    %get3A_297 = arith.constant 144 : index
    %get3A_298 = tpu.vector_load %arg16[%get3A_297] {strides = array<i32>} : memref<256xf32, #tpu.memory_space<vmem>>, vector<16xf32>,
    %get3A_299 = vector.shape_cast %get3A_298 : vector<16xf32> to vector<16xf32>
    %div3A_300 = arith.divf %sub3A_296, %get3A_299 : vector<16xf32>
    %swap3A_301 = arith.constant 144 : index
    %swap3A_302 = tpu.vector_load %arg17[%swap3A_301] {strides = array<i32>} : memref<256xf32, #tpu.memory_space<vmem>>, vector<16xf32>,
    %swap3A_303 = vector.shape_cast %swap3A_302 : vector<16xf32> to vector<16xf32>
    %swap3A_304 = vector.shape_cast %div3A_300 : vector<16xf32> to vector<16xf32>
    tpu.vector_store %arg17[%swap3A_301], %swap3A_304 {strides = array<i32>} : memref<256xf32, #tpu.memory_space<vmem>>, vector<16xf32>,
    %get3A_305 = arith.constant 160 : index
    %get3A_306 = tpu.vector_load %arg13[%get3A_305] {strides = array<i32>} : memref<256xf32, #tpu.memory_space<vmem>>, vector<16xf32>,
    %get3A_307 = vector.shape_cast %get3A_306 : vector<16xf32> to vector<16xf32>
    %mul3A_308 = arith.constant 0.899999976 : f32
    %mul3A_309 = vector.broadcast %mul3A_308 : f32 to vector<16xf32>
    %mul3A_310 = arith.mulf %get3A_307, %mul3A_309 : vector<16xf32>
    %get3A_311 = arith.constant 160 : index
    %get3A_312 = tpu.vector_load %arg15[%get3A_311] {strides = array<i32>} : memref<256xf32, #tpu.memory_space<vmem>>, vector<16xf32>,
    %get3A_313 = vector.shape_cast %get3A_312 : vector<16xf32> to vector<16xf32>
    %mul3A_314 = arith.constant 1.000000e-01 : f32
    %mul3A_315 = vector.broadcast %mul3A_314 : f32 to vector<16xf32>
    %mul3A_316 = arith.mulf %get3A_313, %mul3A_315 : vector<16xf32>
    %add3A_317 = arith.addf %mul3A_310, %mul3A_316 : vector<16xf32>
    %swap3A_318 = arith.constant 160 : index
    %swap3A_319 = tpu.vector_load %arg14[%swap3A_318] {strides = array<i32>} : memref<256xf32, #tpu.memory_space<vmem>>, vector<16xf32>,
    %swap3A_320 = vector.shape_cast %swap3A_319 : vector<16xf32> to vector<16xf32>
    %swap3A_321 = vector.shape_cast %add3A_317 : vector<16xf32> to vector<16xf32>
    tpu.vector_store %arg14[%swap3A_318], %swap3A_321 {strides = array<i32>} : memref<256xf32, #tpu.memory_space<vmem>>, vector<16xf32>,
    %mul3A_322 = arith.mulf %add3A_317, %get3A_34 : vector<16xf32>
    %sub3A_323 = arith.subf %mul3A_322, %get3A_37 : vector<16xf32>
    %get3A_324 = arith.constant 160 : index
    %get3A_325 = tpu.vector_load %arg16[%get3A_324] {strides = array<i32>} : memref<256xf32, #tpu.memory_space<vmem>>, vector<16xf32>,
    %get3A_326 = vector.shape_cast %get3A_325 : vector<16xf32> to vector<16xf32>
    %div3A_327 = arith.divf %sub3A_323, %get3A_326 : vector<16xf32>
    %swap3A_328 = arith.constant 160 : index
    %swap3A_329 = tpu.vector_load %arg17[%swap3A_328] {strides = array<i32>} : memref<256xf32, #tpu.memory_space<vmem>>, vector<16xf32>,
    %swap3A_330 = vector.shape_cast %swap3A_329 : vector<16xf32> to vector<16xf32>
    %swap3A_331 = vector.shape_cast %div3A_327 : vector<16xf32> to vector<16xf32>
    tpu.vector_store %arg17[%swap3A_328], %swap3A_331 {strides = array<i32>} : memref<256xf32, #tpu.memory_space<vmem>>, vector<16xf32>,
    %get3A_332 = arith.constant 176 : index
    %get3A_333 = tpu.vector_load %arg13[%get3A_332] {strides = array<i32>} : memref<256xf32, #tpu.memory_space<vmem>>, vector<16xf32>,
    %get3A_334 = vector.shape_cast %get3A_333 : vector<16xf32> to vector<16xf32>
    %mul3A_335 = arith.constant 0.899999976 : f32
    %mul3A_336 = vector.broadcast %mul3A_335 : f32 to vector<16xf32>
    %mul3A_337 = arith.mulf %get3A_334, %mul3A_336 : vector<16xf32>
    %get3A_338 = arith.constant 176 : index
    %get3A_339 = tpu.vector_load %arg15[%get3A_338] {strides = array<i32>} : memref<256xf32, #tpu.memory_space<vmem>>, vector<16xf32>,
    %get3A_340 = vector.shape_cast %get3A_339 : vector<16xf32> to vector<16xf32>
    %mul3A_341 = arith.constant 1.000000e-01 : f32
    %mul3A_342 = vector.broadcast %mul3A_341 : f32 to vector<16xf32>
    %mul3A_343 = arith.mulf %get3A_340, %mul3A_342 : vector<16xf32>
    %add3A_344 = arith.addf %mul3A_337, %mul3A_343 : vector<16xf32>
    %swap3A_345 = arith.constant 176 : index
    %swap3A_346 = tpu.vector_load %arg14[%swap3A_345] {strides = array<i32>} : memref<256xf32, #tpu.memory_space<vmem>>, vector<16xf32>,
    %swap3A_347 = vector.shape_cast %swap3A_346 : vector<16xf32> to vector<16xf32>
    %swap3A_348 = vector.shape_cast %add3A_344 : vector<16xf32> to vector<16xf32>
    tpu.vector_store %arg14[%swap3A_345], %swap3A_348 {strides = array<i32>} : memref<256xf32, #tpu.memory_space<vmem>>, vector<16xf32>,
    %mul3A_349 = arith.mulf %add3A_344, %get3A_34 : vector<16xf32>
    %sub3A_350 = arith.subf %mul3A_349, %get3A_37 : vector<16xf32>
    %get3A_351 = arith.constant 176 : index
    %get3A_352 = tpu.vector_load %arg16[%get3A_351] {strides = array<i32>} : memref<256xf32, #tpu.memory_space<vmem>>, vector<16xf32>,
    %get3A_353 = vector.shape_cast %get3A_352 : vector<16xf32> to vector<16xf32>
    %div3A_354 = arith.divf %sub3A_350, %get3A_353 : vector<16xf32>
    %swap3A_355 = arith.constant 176 : index
    %swap3A_356 = tpu.vector_load %arg17[%swap3A_355] {strides = array<i32>} : memref<256xf32, #tpu.memory_space<vmem>>, vector<16xf32>,
    %swap3A_357 = vector.shape_cast %swap3A_356 : vector<16xf32> to vector<16xf32>
    %swap3A_358 = vector.shape_cast %div3A_354 : vector<16xf32> to vector<16xf32>
    tpu.vector_store %arg17[%swap3A_355], %swap3A_358 {strides = array<i32>} : memref<256xf32, #tpu.memory_space<vmem>>, vector<16xf32>,
    %get3A_359 = arith.constant 192 : index
    %get3A_360 = tpu.vector_load %arg13[%get3A_359] {strides = array<i32>} : memref<256xf32, #tpu.memory_space<vmem>>, vector<16xf32>,
    %get3A_361 = vector.shape_cast %get3A_360 : vector<16xf32> to vector<16xf32>
    %mul3A_362 = arith.constant 0.899999976 : f32
    %mul3A_363 = vector.broadcast %mul3A_362 : f32 to vector<16xf32>
    %mul3A_364 = arith.mulf %get3A_361, %mul3A_363 : vector<16xf32>
    %get3A_365 = arith.constant 192 : index
    %get3A_366 = tpu.vector_load %arg15[%get3A_365] {strides = array<i32>} : memref<256xf32, #tpu.memory_space<vmem>>, vector<16xf32>,
    %get3A_367 = vector.shape_cast %get3A_366 : vector<16xf32> to vector<16xf32>
    %mul3A_368 = arith.constant 1.000000e-01 : f32
    %mul3A_369 = vector.broadcast %mul3A_368 : f32 to vector<16xf32>
    %mul3A_370 = arith.mulf %get3A_367, %mul3A_369 : vector<16xf32>
    %add3A_371 = arith.addf %mul3A_364, %mul3A_370 : vector<16xf32>
    %swap3A_372 = arith.constant 192 : index
    %swap3A_373 = tpu.vector_load %arg14[%swap3A_372] {strides = array<i32>} : memref<256xf32, #tpu.memory_space<vmem>>, vector<16xf32>,
    %swap3A_374 = vector.shape_cast %swap3A_373 : vector<16xf32> to vector<16xf32>
    %swap3A_375 = vector.shape_cast %add3A_371 : vector<16xf32> to vector<16xf32>
    tpu.vector_store %arg14[%swap3A_372], %swap3A_375 {strides = array<i32>} : memref<256xf32, #tpu.memory_space<vmem>>, vector<16xf32>,
    %mul3A_376 = arith.mulf %add3A_371, %get3A_34 : vector<16xf32>
    %sub3A_377 = arith.subf %mul3A_376, %get3A_37 : vector<16xf32>
    %get3A_378 = arith.constant 192 : index
    %get3A_379 = tpu.vector_load %arg16[%get3A_378] {strides = array<i32>} : memref<256xf32, #tpu.memory_space<vmem>>, vector<16xf32>,
    %get3A_380 = vector.shape_cast %get3A_379 : vector<16xf32> to vector<16xf32>
    %div3A_381 = arith.divf %sub3A_377, %get3A_380 : vector<16xf32>
    %swap3A_382 = arith.constant 192 : index
    %swap3A_383 = tpu.vector_load %arg17[%swap3A_382] {strides = array<i32>} : memref<256xf32, #tpu.memory_space<vmem>>, vector<16xf32>,
    %swap3A_384 = vector.shape_cast %swap3A_383 : vector<16xf32> to vector<16xf32>
    %swap3A_385 = vector.shape_cast %div3A_381 : vector<16xf32> to vector<16xf32>
    tpu.vector_store %arg17[%swap3A_382], %swap3A_385 {strides = array<i32>} : memref<256xf32, #tpu.memory_space<vmem>>, vector<16xf32>,
    %get3A_386 = arith.constant 208 : index
    %get3A_387 = tpu.vector_load %arg13[%get3A_386] {strides = array<i32>} : memref<256xf32, #tpu.memory_space<vmem>>, vector<16xf32>,
    %get3A_388 = vector.shape_cast %get3A_387 : vector<16xf32> to vector<16xf32>
    %mul3A_389 = arith.constant 0.899999976 : f32
    %mul3A_390 = vector.broadcast %mul3A_389 : f32 to vector<16xf32>
    %mul3A_391 = arith.mulf %get3A_388, %mul3A_390 : vector<16xf32>
    %get3A_392 = arith.constant 208 : index
    %get3A_393 = tpu.vector_load %arg15[%get3A_392] {strides = array<i32>} : memref<256xf32, #tpu.memory_space<vmem>>, vector<16xf32>,
    %get3A_394 = vector.shape_cast %get3A_393 : vector<16xf32> to vector<16xf32>
    %mul3A_395 = arith.constant 1.000000e-01 : f32
    %mul3A_396 = vector.broadcast %mul3A_395 : f32 to vector<16xf32>
    %mul3A_397 = arith.mulf %get3A_394, %mul3A_396 : vector<16xf32>
    %add3A_398 = arith.addf %mul3A_391, %mul3A_397 : vector<16xf32>
    %swap3A_399 = arith.constant 208 : index
    %swap3A_400 = tpu.vector_load %arg14[%swap3A_399] {strides = array<i32>} : memref<256xf32, #tpu.memory_space<vmem>>, vector<16xf32>,
    %swap3A_401 = vector.shape_cast %swap3A_400 : vector<16xf32> to vector<16xf32>
    %swap3A_402 = vector.shape_cast %add3A_398 : vector<16xf32> to vector<16xf32>
    tpu.vector_store %arg14[%swap3A_399], %swap3A_402 {strides = array<i32>} : memref<256xf32, #tpu.memory_space<vmem>>, vector<16xf32>,
    %mul3A_403 = arith.mulf %add3A_398, %get3A_34 : vector<16xf32>
    %sub3A_404 = arith.subf %mul3A_403, %get3A_37 : vector<16xf32>
    %get3A_405 = arith.constant 208 : index
    %get3A_406 = tpu.vector_load %arg16[%get3A_405] {strides = array<i32>} : memref<256xf32, #tpu.memory_space<vmem>>, vector<16xf32>,
    %get3A_407 = vector.shape_cast %get3A_406 : vector<16xf32> to vector<16xf32>
    %div3A_408 = arith.divf %sub3A_404, %get3A_407 : vector<16xf32>
    %swap3A_409 = arith.constant 208 : index
    %swap3A_410 = tpu.vector_load %arg17[%swap3A_409] {strides = array<i32>} : memref<256xf32, #tpu.memory_space<vmem>>, vector<16xf32>,
    %swap3A_411 = vector.shape_cast %swap3A_410 : vector<16xf32> to vector<16xf32>
    %swap3A_412 = vector.shape_cast %div3A_408 : vector<16xf32> to vector<16xf32>
    tpu.vector_store %arg17[%swap3A_409], %swap3A_412 {strides = array<i32>} : memref<256xf32, #tpu.memory_space<vmem>>, vector<16xf32>,
    %get3A_413 = arith.constant 224 : index
    %get3A_414 = tpu.vector_load %arg13[%get3A_413] {strides = array<i32>} : memref<256xf32, #tpu.memory_space<vmem>>, vector<16xf32>,
    %get3A_415 = vector.shape_cast %get3A_414 : vector<16xf32> to vector<16xf32>
    %mul3A_416 = arith.constant 0.899999976 : f32
    %mul3A_417 = vector.broadcast %mul3A_416 : f32 to vector<16xf32>
    %mul3A_418 = arith.mulf %get3A_415, %mul3A_417 : vector<16xf32>
    %get3A_419 = arith.constant 224 : index
    %get3A_420 = tpu.vector_load %arg15[%get3A_419] {strides = array<i32>} : memref<256xf32, #tpu.memory_space<vmem>>, vector<16xf32>,
    %get3A_421 = vector.shape_cast %get3A_420 : vector<16xf32> to vector<16xf32>
    %mul3A_422 = arith.constant 1.000000e-01 : f32
    %mul3A_423 = vector.broadcast %mul3A_422 : f32 to vector<16xf32>
    %mul3A_424 = arith.mulf %get3A_421, %mul3A_423 : vector<16xf32>
    %add3A_425 = arith.addf %mul3A_418, %mul3A_424 : vector<16xf32>
    %swap3A_426 = arith.constant 224 : index
    %swap3A_427 = tpu.vector_load %arg14[%swap3A_426] {strides = array<i32>} : memref<256xf32, #tpu.memory_space<vmem>>, vector<16xf32>,
    %swap3A_428 = vector.shape_cast %swap3A_427 : vector<16xf32> to vector<16xf32>
    %swap3A_429 = vector.shape_cast %add3A_425 : vector<16xf32> to vector<16xf32>
    tpu.vector_store %arg14[%swap3A_426], %swap3A_429 {strides = array<i32>} : memref<256xf32, #tpu.memory_space<vmem>>, vector<16xf32>,
    %mul3A_430 = arith.mulf %add3A_425, %get3A_34 : vector<16xf32>
    %sub3A_431 = arith.subf %mul3A_430, %get3A_37 : vector<16xf32>
    %get3A_432 = arith.constant 224 : index
    %get3A_433 = tpu.vector_load %arg16[%get3A_432] {strides = array<i32>} : memref<256xf32, #tpu.memory_space<vmem>>, vector<16xf32>,
    %get3A_434 = vector.shape_cast %get3A_433 : vector<16xf32> to vector<16xf32>
    %div3A_435 = arith.divf %sub3A_431, %get3A_434 : vector<16xf32>
    %swap3A_436 = arith.constant 224 : index
    %swap3A_437 = tpu.vector_load %arg17[%swap3A_436] {strides = array<i32>} : memref<256xf32, #tpu.memory_space<vmem>>, vector<16xf32>,
    %swap3A_438 = vector.shape_cast %swap3A_437 : vector<16xf32> to vector<16xf32>
    %swap3A_439 = vector.shape_cast %div3A_435 : vector<16xf32> to vector<16xf32>
    tpu.vector_store %arg17[%swap3A_436], %swap3A_439 {strides = array<i32>} : memref<256xf32, #tpu.memory_space<vmem>>, vector<16xf32>,
    %get3A_440 = arith.constant 240 : index
    %get3A_441 = tpu.vector_load %arg13[%get3A_440] {strides = array<i32>} : memref<256xf32, #tpu.memory_space<vmem>>, vector<16xf32>,
    %get3A_442 = vector.shape_cast %get3A_441 : vector<16xf32> to vector<16xf32>
    %mul3A_443 = arith.constant 0.899999976 : f32
    %mul3A_444 = vector.broadcast %mul3A_443 : f32 to vector<16xf32>
    %mul3A_445 = arith.mulf %get3A_442, %mul3A_444 : vector<16xf32>
    %get3A_446 = arith.constant 240 : index
    %get3A_447 = tpu.vector_load %arg15[%get3A_446] {strides = array<i32>} : memref<256xf32, #tpu.memory_space<vmem>>, vector<16xf32>,
    %get3A_448 = vector.shape_cast %get3A_447 : vector<16xf32> to vector<16xf32>
    %mul3A_449 = arith.constant 1.000000e-01 : f32
    %mul3A_450 = vector.broadcast %mul3A_449 : f32 to vector<16xf32>
    %mul3A_451 = arith.mulf %get3A_448, %mul3A_450 : vector<16xf32>
    %add3A_452 = arith.addf %mul3A_445, %mul3A_451 : vector<16xf32>
    %swap3A_453 = arith.constant 240 : index
    %swap3A_454 = tpu.vector_load %arg14[%swap3A_453] {strides = array<i32>} : memref<256xf32, #tpu.memory_space<vmem>>, vector<16xf32>,
    %swap3A_455 = vector.shape_cast %swap3A_454 : vector<16xf32> to vector<16xf32>
    %swap3A_456 = vector.shape_cast %add3A_452 : vector<16xf32> to vector<16xf32>
    tpu.vector_store %arg14[%swap3A_453], %swap3A_456 {strides = array<i32>} : memref<256xf32, #tpu.memory_space<vmem>>, vector<16xf32>,
    %mul3A_457 = arith.mulf %add3A_452, %get3A_34 : vector<16xf32>
    %sub3A_458 = arith.subf %mul3A_457, %get3A_37 : vector<16xf32>
    %get3A_459 = arith.constant 240 : index
    %get3A_460 = tpu.vector_load %arg16[%get3A_459] {strides = array<i32>} : memref<256xf32, #tpu.memory_space<vmem>>, vector<16xf32>,
    %get3A_461 = vector.shape_cast %get3A_460 : vector<16xf32> to vector<16xf32>
    %div3A_462 = arith.divf %sub3A_458, %get3A_461 : vector<16xf32>
    %swap3A_463 = arith.constant 240 : index
    %swap3A_464 = tpu.vector_load %arg17[%swap3A_463] {strides = array<i32>} : memref<256xf32, #tpu.memory_space<vmem>>, vector<16xf32>,
    %swap3A_465 = vector.shape_cast %swap3A_464 : vector<16xf32> to vector<16xf32>
    %swap3A_466 = vector.shape_cast %div3A_462 : vector<16xf32> to vector<16xf32>
    tpu.vector_store %arg17[%swap3A_463], %swap3A_466 {strides = array<i32>} : memref<256xf32, #tpu.memory_space<vmem>>, vector<16xf32>,
    %dma_start3A_467 = arith.constant 0 : i32
    %dma_start3A_468 = arith.constant 0 : i32
    %dma_start3A_469 = tpu.memref_slice %arg14[%dma_start3A_468] : memref<256xf32, #tpu.memory_space<vmem>> -> memref<128xf32, #tpu.memory_space<vmem>>
    %dma_start3A_470 = arith.constant 0 : i32
    %dma_start3A_471 = tpu.memref_slice %arg12[%dma_start3A_467, %dma_start3A_470] : memref<2x128xi32, #tpu.memory_space<vmem>> -> memref<1x128xi32, #tpu.memory_space<vmem>>
    %dma_start3A_472 = tpu.memref_squeeze %dma_start3A_471 : memref<1x128xi32, #tpu.memory_space<vmem>> -> memref<128xi32, #tpu.memory_space<vmem>>
    %dma_start3A_473 = arith.constant 0 : i32
    %dma_start3A_474 = tpu.memref_slice %arg8[%dma_start3A_473] : memref<1000000xf32, #tpu.memory_space<hbm>> -> memref<1000000xf32, #tpu.memory_space<hbm>>
    tpu.enqueue_indirect_dma source(%dma_start3A_469 : memref<128xf32, #tpu.memory_space<vmem>>) target(%dma_start3A_474 : memref<1000000xf32, #tpu.memory_space<hbm>>) offsets(%dma_start3A_472 : memref<128xi32, #tpu.memory_space<vmem>>) semaphore(%arg20 : memref<!tpu.dma_semaphore, #tpu.memory_space<semaphore_mem>>)
    %dma_start3A_475 = arith.constant 1 : i32
    %dma_start3A_476 = arith.constant 128 : i32
    %dma_start3A_477 = tpu.memref_slice %arg14[%dma_start3A_476] : memref<256xf32, #tpu.memory_space<vmem>> -> memref<128xf32, #tpu.memory_space<vmem>>
    %dma_start3A_478 = arith.constant 0 : i32
    %dma_start3A_479 = tpu.memref_slice %arg12[%dma_start3A_475, %dma_start3A_478] : memref<2x128xi32, #tpu.memory_space<vmem>> -> memref<1x128xi32, #tpu.memory_space<vmem>>
    %dma_start3A_480 = tpu.memref_squeeze %dma_start3A_479 : memref<1x128xi32, #tpu.memory_space<vmem>> -> memref<128xi32, #tpu.memory_space<vmem>>
    %dma_start3A_481 = arith.constant 0 : i32
    %dma_start3A_482 = tpu.memref_slice %arg8[%dma_start3A_481] : memref<1000000xf32, #tpu.memory_space<hbm>> -> memref<1000000xf32, #tpu.memory_space<hbm>>
    tpu.enqueue_indirect_dma source(%dma_start3A_477 : memref<128xf32, #tpu.memory_space<vmem>>) target(%dma_start3A_482 : memref<1000000xf32, #tpu.memory_space<hbm>>) offsets(%dma_start3A_480 : memref<128xi32, #tpu.memory_space<vmem>>) semaphore(%arg20 : memref<!tpu.dma_semaphore, #tpu.memory_space<semaphore_mem>>)
    %dma_wait3A_483 = arith.constant 0 : i32
    %dma_wait3A_484 = arith.constant 0 : i32
    %dma_wait3A_485 = tpu.memref_slice %arg14[%dma_wait3A_484] : memref<256xf32, #tpu.memory_space<vmem>> -> memref<128xf32, #tpu.memory_space<vmem>>
    %dma_wait3A_486 = arith.constant 0 : i32
    %dma_wait3A_487 = tpu.memref_slice %arg12[%dma_wait3A_483, %dma_wait3A_486] : memref<2x128xi32, #tpu.memory_space<vmem>> -> memref<1x128xi32, #tpu.memory_space<vmem>>
    %dma_wait3A_488 = tpu.memref_squeeze %dma_wait3A_487 : memref<1x128xi32, #tpu.memory_space<vmem>> -> memref<128xi32, #tpu.memory_space<vmem>>
    %dma_wait3A_489 = arith.constant 0 : i32
    %dma_wait3A_490 = tpu.memref_slice %arg8[%dma_wait3A_489] : memref<1000000xf32, #tpu.memory_space<hbm>> -> memref<1000000xf32, #tpu.memory_space<hbm>>
    tpu.wait_indirect_dma semaphore(%arg20 : memref<!tpu.dma_semaphore, #tpu.memory_space<semaphore_mem>>) src(%dma_wait3A_485 : memref<128xf32, #tpu.memory_space<vmem>>) dst(%dma_wait3A_490 : memref<1000000xf32, #tpu.memory_space<hbm>>)
    %dma_wait3A_491 = arith.constant 1 : i32
    %dma_wait3A_492 = arith.constant 128 : i32
    %dma_wait3A_493 = tpu.memref_slice %arg14[%dma_wait3A_492] : memref<256xf32, #tpu.memory_space<vmem>> -> memref<128xf32, #tpu.memory_space<vmem>>
    %dma_wait3A_494 = arith.constant 0 : i32
    %dma_wait3A_495 = tpu.memref_slice %arg12[%dma_wait3A_491, %dma_wait3A_494] : memref<2x128xi32, #tpu.memory_space<vmem>> -> memref<1x128xi32, #tpu.memory_space<vmem>>
    %dma_wait3A_496 = tpu.memref_squeeze %dma_wait3A_495 : memref<1x128xi32, #tpu.memory_space<vmem>> -> memref<128xi32, #tpu.memory_space<vmem>>
    %dma_wait3A_497 = arith.constant 0 : i32
    %dma_wait3A_498 = tpu.memref_slice %arg8[%dma_wait3A_497] : memref<1000000xf32, #tpu.memory_space<hbm>> -> memref<1000000xf32, #tpu.memory_space<hbm>>
    tpu.wait_indirect_dma semaphore(%arg20 : memref<!tpu.dma_semaphore, #tpu.memory_space<semaphore_mem>>) src(%dma_wait3A_493 : memref<128xf32, #tpu.memory_space<vmem>>) dst(%dma_wait3A_498 : memref<1000000xf32, #tpu.memory_space<hbm>>)
    "tpu.region"() ({
      %run_scoped3A = tpu.sem_alloc : memref<!tpu.dma_semaphore, #tpu.memory_space<semaphore_mem>>
      %dma_start3A_499 = tpu.memref_slice %arg9[%add3A_4] : memref<16384xf32, #tpu.memory_space<hbm>> -> memref<256xf32, #tpu.memory_space<hbm>>
      %dma_start3A_500 = tpu.memref_slice %arg9[%add3A_4] : memref<16384xf32, #tpu.memory_space<hbm>> -> memref<256xf32, #tpu.memory_space<hbm>>
      tpu.enqueue_dma source(%arg17 : memref<256xf32, #tpu.memory_space<vmem>>) target(%dma_start3A_500 : memref<256xf32, #tpu.memory_space<hbm>>) target_semaphore(%run_scoped3A : memref<!tpu.dma_semaphore, #tpu.memory_space<semaphore_mem>>)
      %dma_wait3A_501 = tpu.memref_slice %arg9[%add3A_4] : memref<16384xf32, #tpu.memory_space<hbm>> -> memref<256xf32, #tpu.memory_space<hbm>>
      %dma_wait3A_502 = tpu.memref_slice %arg9[%add3A_4] : memref<16384xf32, #tpu.memory_space<hbm>> -> memref<256xf32, #tpu.memory_space<hbm>>
      tpu.wait_dma2 semaphore(%run_scoped3A : memref<!tpu.dma_semaphore, #tpu.memory_space<semaphore_mem>>) src(%arg17 : memref<256xf32, #tpu.memory_space<vmem>>) dst(%dma_wait3A_502 : memref<256xf32, #tpu.memory_space<hbm>>)
      tpu.yield
    }) : () -> ()
    return
  }
}

module attributes {stable_mosaic.version = 14 : i64} {
  func.func @_ce_body(%arg0: i32, %arg1: memref<1000x1024xf32, #tpu.memory_space<vmem>>, %arg2: memref<1x1x1024xi32, #tpu.memory_space<vmem>>, %arg3: memref<1x1x1024xf32, #tpu.memory_space<vmem>>) attributes {dimension_semantics = [#tpu.dimension_semantics<parallel>], iteration_bounds = array<i64: 8>, scalar_prefetch = 0 : i64, scratch_operands = 0 : i64, tpu.core_type = #tpu.core_type<tc>, window_params = [{transform_indices = @transform_0, window_bounds = array<i64: 1000, 1024>}, {transform_indices = @transform_1, window_bounds = array<i64: 1, 1, 1024>}, {transform_indices = @transform_2, window_bounds = array<i64: 1, 1, 1024>}]} {
    %get3A = arith.constant 0 : index
    %get3A_0 = arith.constant 0 : index
    %get3A_1 = vector.load %arg1[%get3A, %get3A_0] : memref<1000x1024xf32, #tpu.memory_space<vmem>>, vector<1000x1024xf32>
    %get3A_2 = arith.constant 0 : index
    %get3A_3 = arith.constant 0 : index
    %get3A_4 = arith.constant 0 : index
    %get3A_5 = vector.load %arg2[%get3A_2, %get3A_3, %get3A_4] : memref<1x1x1024xi32, #tpu.memory_space<vmem>>, vector<1x1x1024xi32>
    %get3A_6 = vector.shape_cast %get3A_5 : vector<1x1x1024xi32> to vector<1024xi32>
    %reduce_max3A = arith.constant dense<0xFF800000> : vector<1024xf32>
    %reduce_max3A_7 = vector.multi_reduction <maximumf>, %get3A_1, %reduce_max3A [0] : vector<1000x1024xf32> to vector<1024xf32>
    %is_finite3A = tpu.weird %reduce_max3A_7 : vector<1024xf32> -> vector<1024xi1>
    %is_finite3A_8 = arith.constant dense<true> : vector<1024xi1>
    %is_finite3A_9 = arith.xori %is_finite3A, %is_finite3A_8 : vector<1024xi1>
    %jit3A = arith.constant 0.000000e+00 : f32
    %broadcast_in_dim3A = vector.broadcast %jit3A : f32 to vector<1024xf32>
    %select_n3A = arith.select %is_finite3A_9, %reduce_max3A_7, %broadcast_in_dim3A : vector<1024xi1>, vector<1024xf32>
    %broadcast_in_dim3A_10 = vector.shape_cast %select_n3A : vector<1024xf32> to vector<1x1024xf32>
    %sub3A = vector.broadcast %broadcast_in_dim3A_10 : vector<1x1024xf32> to vector<1000x1024xf32>
    %sub3A_11 = arith.subf %get3A_1, %sub3A : vector<1000x1024xf32>
    %exp3A = math.exp %sub3A_11 : vector<1000x1024xf32>
    %reduce_sum3A = arith.constant dense<0.000000e+00> : vector<1024xf32>
    %reduce_sum3A_12 = vector.multi_reduction <add>, %exp3A, %reduce_sum3A [0] : vector<1000x1024xf32> to vector<1024xf32>
    %log3A = math.log %reduce_sum3A_12 : vector<1024xf32>
    %add3A = arith.addf %select_n3A, %log3A : vector<1024xf32>
    %iota3A = tpu.iota {dimensions = array<i32: 0>} : vector<1000x1024xi32>
    %broadcast_in_dim3A_13 = vector.shape_cast %get3A_6 : vector<1024xi32> to vector<1x1024xi32>
    %eq3A = vector.broadcast %broadcast_in_dim3A_13 : vector<1x1024xi32> to vector<1000x1024xi32>
    %eq3A_14 = arith.cmpi eq, %iota3A, %eq3A : vector<1000x1024xi32>
    %jit3A_15 = arith.constant 0.000000e+00 : f32
    %broadcast_in_dim3A_16 = vector.broadcast %jit3A_15 : f32 to vector<1000x1024xf32>
    %select_n3A_17 = arith.select %eq3A_14, %get3A_1, %broadcast_in_dim3A_16 : vector<1000x1024xi1>, vector<1000x1024xf32>
    %reduce_sum3A_18 = arith.constant dense<0.000000e+00> : vector<1024xf32>
    %reduce_sum3A_19 = vector.multi_reduction <add>, %select_n3A_17, %reduce_sum3A_18 [0] : vector<1000x1024xf32> to vector<1024xf32>
    %sub3A_20 = arith.subf %add3A, %reduce_sum3A_19 : vector<1024xf32>
    %swap3A = arith.constant 0 : index
    %swap3A_21 = arith.constant 0 : index
    %swap3A_22 = arith.constant 0 : index
    %swap3A_23 = vector.load %arg3[%swap3A, %swap3A_21, %swap3A_22] : memref<1x1x1024xf32, #tpu.memory_space<vmem>>, vector<1x1x1024xf32>
    %swap3A_24 = vector.shape_cast %swap3A_23 : vector<1x1x1024xf32> to vector<1024xf32>
    %swap3A_25 = vector.shape_cast %sub3A_20 : vector<1024xf32> to vector<1x1x1024xf32>
    tpu.vector_store %arg3[%swap3A, %swap3A_21, %swap3A_22], %swap3A_25 {strides = array<i32>} : memref<1x1x1024xf32, #tpu.memory_space<vmem>>, vector<1x1x1024xf32>,
    return
  }
  func.func @transform_0(%arg0: i32) -> (i32, i32) {
    %add3A = arith.constant 0 : i32
    %add3A_0 = arith.addi %add3A, %arg0 : i32
    %c0_i32 = arith.constant 0 : i32
    %c0_i32_1 = arith.constant 0 : i32
    return %c0_i32, %add3A_0 : i32, i32
  }
  func.func @transform_1(%arg0: i32) -> (i32, i32, i32) {
    %add3A = arith.constant 0 : i32
    %add3A_0 = arith.addi %add3A, %arg0 : i32
    %c0_i32 = arith.constant 0 : i32
    %c0_i32_1 = arith.constant 0 : i32
    %c0_i32_2 = arith.constant 0 : i32
    return %add3A_0, %c0_i32, %c0_i32_1 : i32, i32, i32
  }
  func.func @transform_2(%arg0: i32) -> (i32, i32, i32) {
    %c0_i32 = arith.constant 0 : i32
    %c0_i32_0 = arith.constant 0 : i32
    %c0_i32_1 = arith.constant 0 : i32
    return %arg0, %c0_i32, %c0_i32_0 : i32, i32, i32
  }
}

module attributes {stable_mosaic.version = 14 : i64} {
  func.func @_ce_body(%arg0: i32, %arg1: memref<1000x1024xf32, #tpu.memory_space<vmem>>, %arg2: memref<1x1x1024xi32, #tpu.memory_space<vmem>>, %arg3: memref<1x1x1024xf32, #tpu.memory_space<vmem>>) attributes {dimension_semantics = [#tpu.dimension_semantics<parallel>], iteration_bounds = array<i64: 8>, scalar_prefetch = 0 : i64, scratch_operands = 0 : i64, tpu.core_type = #tpu.core_type<tc>, window_params = [{transform_indices = @transform_0, window_bounds = array<i64: 1000, 1024>}, {transform_indices = @transform_1, window_bounds = array<i64: 1, 1, 1024>}, {transform_indices = @transform_2, window_bounds = array<i64: 1, 1, 1024>}]} {
    %get3A = arith.constant 0 : index
    %get3A_0 = arith.constant 0 : index
    %get3A_1 = vector.load %arg1[%get3A, %get3A_0] : memref<1000x1024xf32, #tpu.memory_space<vmem>>, vector<1000x1024xf32>
    %get3A_2 = arith.constant 0 : index
    %get3A_3 = arith.constant 0 : index
    %get3A_4 = arith.constant 0 : index
    %get3A_5 = vector.load %arg2[%get3A_2, %get3A_3, %get3A_4] : memref<1x1x1024xi32, #tpu.memory_space<vmem>>, vector<1x1x1024xi32>
    %get3A_6 = vector.shape_cast %get3A_5 : vector<1x1x1024xi32> to vector<1024xi32>
    %reduce_max3A = arith.constant dense<0xFF800000> : vector<1024xf32>
    %reduce_max3A_7 = vector.multi_reduction <maximumf>, %get3A_1, %reduce_max3A [0] : vector<1000x1024xf32> to vector<1024xf32>
    %is_finite3A = tpu.weird %reduce_max3A_7 : vector<1024xf32> -> vector<1024xi1>
    %is_finite3A_8 = arith.constant dense<true> : vector<1024xi1>
    %is_finite3A_9 = arith.xori %is_finite3A, %is_finite3A_8 : vector<1024xi1>
    %jit3A = arith.constant 0.000000e+00 : f32
    %broadcast_in_dim3A = vector.broadcast %jit3A : f32 to vector<1024xf32>
    %select_n3A = arith.select %is_finite3A_9, %reduce_max3A_7, %broadcast_in_dim3A : vector<1024xi1>, vector<1024xf32>
    %broadcast_in_dim3A_10 = vector.shape_cast %select_n3A : vector<1024xf32> to vector<1x1024xf32>
    %sub3A = vector.broadcast %broadcast_in_dim3A_10 : vector<1x1024xf32> to vector<1000x1024xf32>
    %sub3A_11 = arith.subf %get3A_1, %sub3A : vector<1000x1024xf32>
    %exp3A = math.exp %sub3A_11 : vector<1000x1024xf32>
    %reduce_sum3A = arith.constant dense<0.000000e+00> : vector<1024xf32>
    %reduce_sum3A_12 = vector.multi_reduction <add>, %exp3A, %reduce_sum3A [0] : vector<1000x1024xf32> to vector<1024xf32>
    %log3A = math.log %reduce_sum3A_12 : vector<1024xf32>
    %add3A = arith.addf %select_n3A, %log3A : vector<1024xf32>
    %iota3A = tpu.iota {dimensions = array<i32: 0>} : vector<1000x1024xi32>
    %broadcast_in_dim3A_13 = vector.shape_cast %get3A_6 : vector<1024xi32> to vector<1x1024xi32>
    %eq3A = vector.broadcast %broadcast_in_dim3A_13 : vector<1x1024xi32> to vector<1000x1024xi32>
    %eq3A_14 = arith.cmpi eq, %iota3A, %eq3A : vector<1000x1024xi32>
    %jit3A_15 = arith.constant 0.000000e+00 : f32
    %broadcast_in_dim3A_16 = vector.broadcast %jit3A_15 : f32 to vector<1000x1024xf32>
    %select_n3A_17 = arith.select %eq3A_14, %get3A_1, %broadcast_in_dim3A_16 : vector<1000x1024xi1>, vector<1000x1024xf32>
    %reduce_sum3A_18 = arith.constant dense<0.000000e+00> : vector<1024xf32>
    %reduce_sum3A_19 = vector.multi_reduction <add>, %select_n3A_17, %reduce_sum3A_18 [0] : vector<1000x1024xf32> to vector<1024xf32>
    %sub3A_20 = arith.subf %add3A, %reduce_sum3A_19 : vector<1024xf32>
    %swap3A = arith.constant 0 : index
    %swap3A_21 = arith.constant 0 : index
    %swap3A_22 = arith.constant 0 : index
    %swap3A_23 = vector.load %arg3[%swap3A, %swap3A_21, %swap3A_22] : memref<1x1x1024xf32, #tpu.memory_space<vmem>>, vector<1x1x1024xf32>
    %swap3A_24 = vector.shape_cast %swap3A_23 : vector<1x1x1024xf32> to vector<1024xf32>
    %swap3A_25 = vector.shape_cast %sub3A_20 : vector<1024xf32> to vector<1x1x1024xf32>
    tpu.vector_store %arg3[%swap3A, %swap3A_21, %swap3A_22], %swap3A_25 {strides = array<i32>} : memref<1x1x1024xf32, #tpu.memory_space<vmem>>, vector<1x1x1024xf32>,
    return
  }
  func.func @transform_0(%arg0: i32) -> (i32, i32) {
    %add3A = arith.constant 8 : i32
    %add3A_0 = arith.addi %add3A, %arg0 : i32
    %c0_i32 = arith.constant 0 : i32
    %c0_i32_1 = arith.constant 0 : i32
    return %c0_i32, %add3A_0 : i32, i32
  }
  func.func @transform_1(%arg0: i32) -> (i32, i32, i32) {
    %add3A = arith.constant 8 : i32
    %add3A_0 = arith.addi %add3A, %arg0 : i32
    %c0_i32 = arith.constant 0 : i32
    %c0_i32_1 = arith.constant 0 : i32
    %c0_i32_2 = arith.constant 0 : i32
    return %add3A_0, %c0_i32, %c0_i32_1 : i32, i32, i32
  }
  func.func @transform_2(%arg0: i32) -> (i32, i32, i32) {
    %c0_i32 = arith.constant 0 : i32
    %c0_i32_0 = arith.constant 0 : i32
    %c0_i32_1 = arith.constant 0 : i32
    return %arg0, %c0_i32, %c0_i32_0 : i32, i32, i32
  }
}

</mosaic_0001>

<sc_bundles>
// kernel: kernel.10.cloned.1.call-start
scs
__scs_entry_jumppad:
0x0: {  	(pc) =	sbr.rel $0x88, $3  }
0x1: {  	(tag) =	ssettag $0x0;
	lr =	simm.s32 $0x1  }
0x2: {  	[smem:$0x3F9B] =	sst lr;
	_ =	strace $0xD0000000  }
0x3: {  	_ = 	snop  }
0x4: {  	_ = 	snop  }
0x5: {  	_ = 	snop  }
0x6: {  	_ = 	snop  }
0x7: {  	_ = 	snop  }
__scs_overlays_trampoline_lowered:
0x8: {  	[smem:$0x3FAA] =	sst s0  }
0x9: {  	[smem:$0x3FAB] =	sst s1  }
0xa: {  	[smem:$0x3FAC] =	sst s2  }
0xb: {  	[smem:$0x3FAD] =	sst s3  }
0xc: {  	[smem:$0x3FAE] =	sst s4  }
0xd: {  	[smem:$0x3FAF] =	sst s5  }
0xe: {  	[smem:$0x3FB0] =	sst s6  }
0xf: {  	[smem:$0x3FB1] =	sst s7  }
0x10: {  	[smem:$0x3FB2] =	sst s8  }
0x11: {  	[smem:$0x3FB3] =	sst s9;
	s0 =	simm.s32 @!p0 $0x0  }
0x12: {  	s1 =	sld [smem:$0x3F99];
	s0 =	simm.s32 @p0 $0x1  }
0x13: {  	[smem:$0x3FB4] =	sst s0;
	s0 =	simm.s32 @!p1 $0x0  }
0x14: {  	s2 =	sld [smem:$0x3F98];
	s0 =	simm.s32 @p1 $0x1  }
0x15: {  	[smem:$0x3FB5] =	sst s0;
	s0 =	simm.s32 @!p2 $0x0  }
0x16: {  	s3 =	sld [smem:$0x3FDB];
	s0 =	simm.s32 @p2 $0x1  }
0x17: {  	s4 =	simm.s32 $0x1BF5;
	[smem:$0x3FB7] =	sst s0  }
0x18: {  	s0 =	sld [smem:$0x3F9A];
	_ =	swait.ge [sflag:s4], $0x0  }
0x19: {  	s7 =	sld [smem:$0x3F9B]  }
0x1a: {  	s8 =	sadd.s32 $0xFFFFE003, lr  }
0x1b: {  	s9 =	sadd.s32 $0xFFFFFEF7, lr;
	s5 =	simm.s32 $0xFFFFFFFF;
	p2 =	slt.u32 s8, $0xFFFFF086  }
0x1c: {  	p1 =	slt.u32 s9, $0xF7A;
	s5 =	simm.s32 @!p2 $0x0  }
0x1d: {  	s5 =	simm.s32 @p1 $0x1;
	p0 =	seq.s32 s7, s2  }
0x1e: {  	s7 =	smul.u32 @!p0 $0xF7A, s2;
	p2 =	seq.s32 @!p0 s5, $0x0  }
0x1f: {  	s9 =	smul.u32 $0xF7A, s1;
	s8 =	simm.s32 @!p0 $0x1BF5;
	p2 =	por !p2, p0  }
0x20: {  	[sflag:s8] =	ssyncset.s32 @!p0 $0xFFFFF086;
	s6 =	sadd.s32 @!p0 s3, s7;
	s7 =	simm.s32 @!p0 $0x108  }
0x21: {  	s3 =	sadd.s32 s3, s9;
	s6 =	sadd.s32 @!p0 $0x88, s6;
	s7 =	simm.s32 @p2 $0x1082  }
0x22: {  	[simem:s7], [sflag:s8] =	dma.local @!p0 [hbm:s6], $0xF7A  }
0x23: {  	s9 =	sor.u32 $0xD0000000, s2;
	s6 =	simm.s32 $0x108;
	_ =	swait.ge @!p0 [sflag:s8], $0x0  }
0x24: {  	s3 =	sadd.s32 $0x88, s3;
	s6 =	simm.s32 @!p1 $0x1082;
	[sflag:s4] =	ssyncset.s32 $0xFFFFF086  }
0x25: {  	[simem:s6], [sflag:s4] =	dma.local [hbm:s3], $0xF7A  }
0x26: {  	[smem:$0x3F9B] =	sst s1;
	(tag) =	ssettag s2;
	_ =	strace s9  }
0x27: {  	s1 =	sld [smem:$0x3FAB]  }
0x28: {  	s2 =	sld [smem:$0x3FAC]  }
0x29: {  	s4 =	sld [smem:$0x3FAE]  }
0x2a: {  	p0 =	seq.s32 s5, $0x0;
	s5 =	sld [smem:$0x3FAF]  }
0x2b: {  	s6 =	sld [smem:$0x3FB0]  }
0x2c: {  	s7 =	sld [smem:$0x3FB1]  }
0x2d: {  	s3 =	simm.s32 $0x108;
	s8 =	sld [smem:$0x3FB2]  }
0x2e: {  	s3 =	simm.s32 @!p0 $0x1082;
	s9 =	sld [smem:$0x3FB3]  }
0x2f: {  	lr =	sadd.s32 s0, s3;
	s0 =	sld [smem:$0x3FAA]  }
0x30: {  	s3 =	sld [smem:$0x3FAD]  }
0x31: {  	[smem:$0x3FB6] =	sst s10  }
0x32: {  	s10 =	sld [smem:$0x3FB4];
	_ =	sdelay $0x3  }
0x33: {  	p0 =	seq.s32 s10, $0x1;
	s10 =	sld [smem:$0x3FB6];
	_ =	sdelay $0x3  }
0x34: {  	[smem:$0x3FB6] =	sst s10  }
0x35: {  	s10 =	sld [smem:$0x3FB5];
	_ =	sdelay $0x3  }
0x36: {  	p1 =	seq.s32 s10, $0x1;
	s10 =	sld [smem:$0x3FB6];
	_ =	sdelay $0x3  }
0x37: {  	[smem:$0x3FB6] =	sst s10  }
0x38: {  	s10 =	sld [smem:$0x3FB7]  }
0x39: {  	_ = 	snop;
	(pc) =	sbr.ind lr, $3  }
0x3a: {  	_ = 	snop  }
0x3b: {  	_ = 	snop  }
0x3c: {  	p2 =	seq.s32 s10, $0x1;
	s10 =	sld [smem:$0x3FB6]  }
0x3d: {  	_ =	shalt  }
0x3e: {  	_ =	shalt  }
0x3f: {  	_ =	shalt  }
0x40: {  	_ =	shalt  }
0x41: {  	_ =	shalt  }
0x42: {  	_ =	shalt  }
0x43: {  	_ =	shalt  }
0x44: {  	_ =	shalt  }
0x45: {  	_ =	shalt  }
0x46: {  	_ =	shalt  }
0x47: {  	_ =	shalt  }
0x48: {  	_ =	shalt  }
0x49: {  	_ =	shalt  }
0x4a: {  	_ =	shalt  }
0x4b: {  	_ =	shalt  }
0x4c: {  	_ =	shalt  }
0x4d: {  	_ =	shalt  }
0x4e: {  	_ =	shalt  }
0x4f: {  	_ =	shalt  }
0x50: {  	_ =	shalt  }
0x51: {  	_ =	shalt  }
0x52: {  	_ =	shalt  }
0x53: {  	_ =	shalt  }
0x54: {  	_ =	shalt  }
0x55: {  	_ =	shalt  }
0x56: {  	_ =	shalt  }
0x57: {  	_ =	shalt  }
0x58: {  	_ =	shalt  }
0x59: {  	_ =	shalt  }
0x5a: {  	_ =	shalt  }
0x5b: {  	_ =	shalt  }
0x5c: {  	_ =	shalt  }
0x5d: {  	_ =	shalt  }
0x5e: {  	_ =	shalt  }
0x5f: {  	_ =	shalt  }
0x60: {  	_ =	shalt  }
0x61: {  	_ =	shalt  }
0x62: {  	_ =	shalt  }
0x63: {  	_ =	shalt  }
0x64: {  	_ =	shalt  }
0x65: {  	_ =	shalt  }
0x66: {  	_ =	shalt  }
0x67: {  	_ =	shalt  }
0x68: {  	_ =	shalt  }
0x69: {  	_ =	shalt  }
0x6a: {  	_ =	shalt  }
0x6b: {  	_ =	shalt  }
0x6c: {  	_ =	shalt  }
0x6d: {  	_ =	shalt  }
0x6e: {  	_ =	shalt  }
0x6f: {  	_ =	shalt  }
0x70: {  	_ =	shalt  }
0x71: {  	_ =	shalt  }
0x72: {  	_ =	shalt  }
0x73: {  	_ =	shalt  }
0x74: {  	_ =	shalt  }
0x75: {  	_ =	shalt  }
0x76: {  	_ =	shalt  }
0x77: {  	_ =	shalt  }
0x78: {  	_ =	shalt  }
0x79: {  	_ =	shalt  }
0x7a: {  	_ =	shalt  }
0x7b: {  	_ =	shalt  }
0x7c: {  	_ =	shalt  }
0x7d: {  	_ =	shalt  }
0x7e: {  	_ =	shalt  }
0x7f: {  	_ =	shalt  }
0x80: {  	_ =	shalt  }
0x81: {  	_ =	shalt  }
0x82: {  	_ =	shalt  }
0x83: {  	_ =	shalt  }
0x84: {  	_ =	shalt  }
0x85: {  	_ =	shalt  }
0x86: {  	_ =	shalt  }
0x87: {  	_ =	shalt  }
.Lfunc_end0:
.L_simem_size_0:
called_computation.1_lowered:
.L_overlay_start_0:
0x88: {  	s2 =	sld [smem:$0x3FD9]  }
0x89: {  	s3 =	sld [smem:$0x3FFE];
	_ =	sdelay $0x1  }
0x8a: {  	s1 =	srdreg.scid  }
0x8b: {  	s0 =	sand.u32 $0x1, s1  }
0x8c: {  	s14 =	sshll.u32 s0, $0xA;
	s2 =	sadd.s32 s3, s2  }
0x8d: {  	s2 =	sadd.s32 s2, s14  }
0x8e: {  	[smem:$0x3FC2] =	sst s2  }
0x8f: {  	_ = 	snop  }
0x90: {  	s2 =	sld [smem:$0x3FD0];
	_ =	sdelay $0x2  }
0x91: {  	s4 =	simm.s32 $0xA;
	s5 =	simm.s32 $0x10;
	s15 =	sld [smem:$0x3FC7]  }
0x92: {  	[smem:s5], [sflag:s4] =	dma.local [hbm:s2], $0x1  }
0x93: {  	_ =	swait.eq [sflag:s4], $0x1  }
0x94: {  	[sflag:s4] =	ssyncset.done $0x0  }
0x95: {  	s16 =	sld [smem:$0x10];
	[sflag:s4] =	ssyncadd.s32 $0xFFFFFFFF  }
0x96: {  	s17 =	sld [smem:$0x11];
	(tm) =	ssettm $0x1  }
0x97: {  	s18 =	sld [smem:$0x3FFB];
	_ =	sdelay $0x3  }
0x98: {  	_ =	strace s18  }
0x99: {  	s5 =	sld [smem:$0x3FFC];
	_ =	sdelay $0x3  }
0x9a: {  	_ =	strace s5  }
0x9b: {  	s5 =	sld [smem:$0x3FFD];
	_ =	sdelay $0x3  }
0x9c: {  	_ =	strace s5  }
0x9d: {  	_ =	strace $0x8FFFFFFF  }
0x9e: {  	s19 =	sld [smem:$0x3FDB];
	_ =	sdelay $0x1  }
0x9f: {  	s6 =	simm.s32 $_scs_section_size  }
0xa0: {  	s7 =	simm.s32 $_size__tile_overlayer_lowered;
	s8 =	simm.s32 $_tile_overlayer_lowered  }
0xa1: {  	s22 =	simm.s32 $0x1BFF;
	s21 =	sshll.u32 s8, $0x1;
	s5 =	sadd.s32 s6, s19  }
0xa2: {  	s9 =	simm.s32 $0x0;
	s20 =	sshll.u32 s7, $0x1;
	s7 =	sadd.s32 s21, s5  }
0xa3: {  	[timem:s9], [sflag:s22] =	dma.local [hbm:s7], s20  }
0xa4: {  	_ =	swait.ge [sflag:s22], s20  }
0xa5: {  	s6 =	ssub.s32 $0x0, s20;
	[sflag:s22] =	ssyncset.done $0x0  }
0xa6: {  	[sflag:s22] =	ssyncadd.s32 s6;
	_ =	sdelay $0x1  }
0xa7: {  	s23 =	simm.s32 $0x1B8B  }
0xa8: {  	_ =	swait.ge [sflag:s23], $0x1  }
0xa9: {  	[sflag:s23] =	ssyncset.done $0x0  }
0xaa: {  	s25 =	simm.s32 $0x1B8E;
	s24 =	sld [smem:$0x3FFE];
	[sflag:s23] =	ssyncadd.s32 $0xFFFFFFFF  }
0xab: {  	s26 =	simm.s32 $execute0_lowered;
	[smem:$0x3FD2] =	sst s25  }
0xac: {  	s7 =	sshll.u32 s26, $0x1;
	_ =	strace $0x80000049;
	[dreg:$0x1] =	wrdreg $0xFFFFFFFF  }
0xad: {  	s28 =	simm.s32 $_size_execute0_lowered;
	s5 =	sadd.s32 s5, s7;
	[dreg:$0x0] =	wrdreg $0x0  }
0xae: {  	s7 =	sshll.u32 s28, $0x1;
	[dreg:$0x2] =	wrdreg s5  }
0xaf: {  	[dreg:$0x3] =	wrdreg s7  }
0xb0: {  	[dreg:$0x4] =	wrdreg $0xC0  }
0xb1: {  	_ =	task [dreg:s9], $0x5FFFF  }
0xb2: {  	[dreg:$0x1] =	wrdreg $0xFFFFFFFF  }
0xb3: {  	[dreg:$0x0] =	wrdreg $0x60  }
0xb4: {  	[dreg:$0x2] =	wrdreg s24  }
0xb5: {  	[dreg:$0x3] =	wrdreg s15  }
0xb6: {  	[dreg:$0x4] =	wrdreg s17  }
0xb7: {  	[dreg:$0x5] =	wrdreg s16  }
0xb8: {  	[dreg:$0x6] =	wrdreg $0x9  }
0xb9: {  	_ =	task.clear_ibuf [dreg:s9], $0x7FFFF;
	_ =	strace $0x90000049  }
0xba: {  	s29 =	simm.s32 $0x9;
	_ =	strace $0x8000004B  }
0xbb: {  	_ =	swait.ge [sflag:s29], $0x1  }
0xbc: {  	[sflag:s29] =	ssyncadd.s32 $0xFFFFFFFF  }
0xbd: {  	_ =	strace $0x9000004B  }
0xbe: {  	_ =	sfence  }
0xbf: {  	s30 =	sld [smem:$0x0];
	_ =	sdelay $0x2  }
0xc0: {  	s31 =	sshll.u32 s1, $0xD;
	s1 =	sshrl.u32 s1, $0x2  }
0xc1: {  	s3 =	sand.u32 $0x4000, s31;
	s1 =	sadd.s32 s1, s30  }
0xc2: {  	s0 =	sor.u32 s3, s0;
	s1 =	sshll.u32 s1, $0x11  }
0xc3: {  	s0 =	sor.u32 s1, s0  }
0xc4: {  	s0 =	sadd.s32 $0x8F2B, s0  }
0xc5: {  	[sflag:s0] =	ssyncadd.remote.s32 $0x1  }
0xc6: {  	_ =	sfence.sel $0xFFFF  }
0xc7: {  	[dreg:$0x0] =	wrdreg $0xFFFFFFFF;
	(pc) =	sbr.abs _section_cstart, $3  }
0xc8: {  	[dreg:$0x1] =	wrdreg $0xFFFFFFFF  }
0xc9: {  	_ =	task.clear_ibuf [dreg:s9], $0x2FFFF;
	_ =	strace $0x9FFFFFFF  }
0xca: {  	(tm) =	ssettm $0x7FFFFFFF  }
0xcb: {  	_ =	shalt  }
tec
execute0_lowered:
.L_overlay_start_1:
0x0: {  	(tag) =	ssettag $0x1  }
0x1: {  	s5 =	rddreg [dreg:$0x0]  }
0x2: {  	s9 =	rddreg [dreg:$0x1]  }
0x3: {  	s2 =	rddreg [dreg:$0x2]  }
0x4: {  	s10 =	rddreg [dreg:$0x3];
	s3 =	srdreg.scid  }
0x5: {  	s0 =	rddreg [dreg:$0x4];
	s1 =	stileid.u32  }
0x6: {  	s13 =	simm.s32 $0x300;
	s14 =	simm.s32 $0x400;
	s15 =	simm.s32 $0x600  }
0x7: {  	s16 =	simm.s32 $0x680;
	s17 =	simm.s32 $0x1;
	s18 =	simm.s32 $0x80  }
0x8: {  	s19 =	simm.s32 $0x200;
	s20 =	simm.s32 $0x280;
	s21 =	simm.s32 $0x500  }
0x9: {  	s22 =	simm.s32 $0x2;
	s4 =	sand.u32 $0x1, s3;
	s3 =	simm.s32 $0x0  }
0xa: {  	s6 =	sshll.u32 s1, $0x6;
	s7 =	sshll.u32 s4, $0x5;
	[smem:$0x7FF] =	sst s3  }
0xb: {  	s30 =	ssub.s32 $0x2, s4;
	s4 =	sadd.s32 $0x3000, s5;
	s11 =	sor.u32 s7, s6  }
0xc: {  	_ =	strace $0x8000004A;
	s31 =	sshrl.u32 s30, $0x1;
	s8 =	sadd.s32 s11, s5  }
0xd: {  	s5 =	sadd.s32 $0x3200, s5;
	s12 =	ssub.s32 s30, s31;
	s9 =	sadd.s32 s9, s11  }
0xe: {  	s10 =	sadd.s32 s10, s11;
	s6 =	sadd.s32 $0x2800, s8;
	s7 =	sadd.s32 $0x2000, s8  }
0xf: {  	s8 =	sadd.s32 $0x2C00, s8;
	s11 =	smax.u32 s12, $0x1;
	s12 =	simm.s32 $0x100  }
.LBB2_1:
0x10: {  	[tilespmem:s3], [sflag:$0x1] =	stream.linear.gather [hbm4b:s6+s3], $0x100, $0x38;
	[tilespmem:$0x700] =	vst v63  }
0x11: {  	_ = 	snop  }
0x12: {  	[tilespmem:s12], [sflag:$0x1] =	stream.linear.gather [hbm4b:s7+s3], $0x100, $0x38;
	[tilespmem:$0x700] =	vst v63  }
0x13: {  	_ = 	snop  }
0x14: {  	[tilespmem:s13], [sflag:$0x1] =	stream.linear.gather [hbm4b:s8+s3], $0x100, $0x38;
	[tilespmem:$0x700] =	vst v63  }
0x15: {  	_ = 	snop  }
0x16: {  	[tilespmem:s14], [sflag:$0x1] =	stream.linear.gather [hbm4b:s9+s3], $0x100, $0x38;
	[tilespmem:$0x700] =	vst v63  }
0x17: {  	_ = 	snop  }
0x18: {  	[tilespmem:s15], [sflag:$0x1] =	stream.linear.gather [hbm4b:s4+s3], $0x80, $0x38;
	[tilespmem:$0x700] =	vst v63  }
0x19: {  	_ = 	snop  }
0x1a: {  	[tilespmem:s16], [sflag:$0x1] =	stream.linear.gather [hbm4b:s5+s3], $0x80, $0x38;
	[tilespmem:$0x700] =	vst v63  }
0x1b: {  	_ =	swait.ge [sflag:s17], $0x100  }
0x1c: {  	[sflag:s17] =	ssyncset.done $0x0  }
0x1d: {  	[sflag:s17] =	ssyncadd.s32 $0xFFFFFF00  }
0x1e: {  	_ =	swait.ge [sflag:s17], $0x100  }
0x1f: {  	[sflag:s17] =	ssyncset.done $0x0  }
0x20: {  	[sflag:s17] =	ssyncadd.s32 $0xFFFFFF00  }
0x21: {  	_ =	swait.ge [sflag:s17], $0x100  }
0x22: {  	[sflag:s17] =	ssyncset.done $0x0  }
0x23: {  	[sflag:s17] =	ssyncadd.s32 $0xFFFFFF00  }
0x24: {  	_ =	swait.ge [sflag:s17], $0x100  }
0x25: {  	[sflag:s17] =	ssyncset.done $0x0  }
0x26: {  	[sflag:s17] =	ssyncadd.s32 $0xFFFFFF00  }
0x27: {  	_ =	swait.ge [sflag:s17], $0x80  }
0x28: {  	[sflag:s17] =	ssyncset.done $0x0  }
0x29: {  	[sflag:s17] =	ssyncadd.s32 $0xFFFFFF80  }
0x2a: {  	_ =	swait.ge [sflag:s17], $0x80  }
0x2b: {  	[sflag:s17] =	ssyncset.done $0x0  }
0x2c: {  	[sflag:s17] =	ssyncadd.s32 $0xFFFFFF80  }
0x2d: {  	v1 =	vld [tilespmem:$0x600]  }
0x2e: {  	v0 =	vld [tilespmem:$0x680]  }
0x2f: {  	v2 =	vld [tilespmem:$0x100]  }
0x30: {  	v3 =	vld [tilespmem:$0x300]  }
0x31: {  	v4 =	vld [tilespmem:$0x400]  }
0x32: {  	v5 =	vld [tilespmem:$0x110]  }
0x33: {  	v6 =	vld [tilespmem:$0x310]  }
0x34: {  	v7 =	vld [tilespmem:$0x410]  }
0x35: {  	v8 =	vld [tilespmem:$0x120]  }
0x36: {  	v9 =	vld [tilespmem:$0x320]  }
0x37: {  	v10 =	vld [tilespmem:$0x420]  }
0x38: {  	v11 =	vld [tilespmem:$0x130]  }
0x39: {  	v55 =	vld [tilespmem:$0x330]  }
0x3a: {  	v56 =	vld [tilespmem:$0x430]  }
0x3b: {  	v12 =	vld [tilespmem:$0x140]  }
0x3c: {  	v13 =	vld [tilespmem:$0x340]  }
0x3d: {  	v58 =	vld [tilespmem:$0x440]  }
0x3e: {  	v59 =	vld [tilespmem:$0x150]  }
0x3f: {  	v16 =	vld [tilespmem:$0x350]  }
0x40: {  	v17 =	vld [tilespmem:$0x450];
	v2 =	vmul.f32 $8.999999760e-01, v2  }
0x41: {  	v18 =	vld [tilespmem:$0x160];
	(erf) = vrcp.f32 v4;
	v3 =	vmul.f32 $1.000000010e-01, v3  }
0x42: {  	v26 =	vld [tilespmem:$0x170];
	v5 =	vmul.f32 $8.999999760e-01, v5;
	v6 =	vmul.f32 $1.000000010e-01, v6  }
0x43: {  	v31 =	vld [tilespmem:$0x180];
	v8 =	vmul.f32 $8.999999760e-01, v8;
	(erf) = vrcp.f32 v7  }
0x44: {  	v46 =	vld [tilespmem:$0x1B0];
	v9 =	vmul.f32 $1.000000010e-01, v9;
	v11 =	vmul.f32 $8.999999760e-01, v11  }
0x45: {  	v48 =	vld [tilespmem:$0x3B0];
	v4 =	vmul.f32 $1.000000010e-01, v55;
	v12 =	vmul.f32 $8.999999760e-01, v12  }
0x46: {  	v60 =	vld [tilespmem:$0x360];
	v13 =	vmul.f32 $1.000000010e-01, v13;
	v30 =	vmul.f32 $8.999999760e-01, v59  }
0x47: {  	v61 =	vld [tilespmem:$0x460];
	v16 =	vmul.f32 $1.000000010e-01, v16;
	v18 =	vmul.f32 $8.999999760e-01, v18  }
0x48: {  	v29 =	vld [tilespmem:$0x370];
	v33 =	vmul.f32 $8.999999760e-01, v26;
	v45 =	vmul.f32 $8.999999760e-01, v31;
	v2 =	vadd.f32 v3, v2  }
0x49: {  	v21 =	vld [tilespmem:$0x470];
	v57 =	vadd.f32 v6, v5;
	v8 =	vadd.f32 v9, v8;
	v6 =	vmul.f32 $8.999999760e-01, v46  }
0x4a: {  	v32 =	vld [tilespmem:$0x380];
	v12 =	vadd.f32 v13, v12;
	v13 =	vmul.f32 $1.000000010e-01, v48;
	v14 =	vmul.f32 v2, v1  }
0x4b: {  	v22 =	vld [tilespmem:$0x480];
	v4 =	vadd.f32 v4, v11;
	v15 =	vmul.f32 v57, v1;
	v19 =	vpop (erf);
	(erf) = vrcp.f32 v10  }
0x4c: {  	v34 =	vld [tilespmem:$0x190];
	v27 =	vmul.f32 v8, v1;
	v20 =	vpop (erf);
	(erf) = vrcp.f32 v56  }
0x4d: {  	v35 =	vld [tilespmem:$0x390];
	v5 =	vadd.f32 v16, v30;
	v28 =	vmul.f32 v4, v1;
	(erf) = vrcp.f32 v58  }
0x4e: {  	v39 =	vld [tilespmem:$0x1A0];
	[tilespmem:$0x200] =	vst v2;
	v40 =	vmul.f32 v12, v1;
	v14 =	vsub.f32 v14, v0;
	(erf) = vrcp.f32 v17  }
0x4f: {  	v42 =	vld [tilespmem:$0x3A0];
	[tilespmem:$0x210] =	vst v57;
	v15 =	vsub.f32 v15, v0;
	v10 =	vmul.f32 $1.000000010e-01, v60;
	(erf) = vrcp.f32 v61  }
0x50: {  	v37 =	vld [tilespmem:$0x490];
	v41 =	vmul.f32 v5, v1;
	[tilespmem:$0x220] =	vst v8;
	v62 =	vmul.f32 v14, v19  }
0x51: {  	v24 =	vld [tilespmem:$0x4A0];
	[tilespmem:$0x230] =	vst v4;
	v63 =	vmul.f32 v15, v20;
	v20 =	vmul.f32 $1.000000010e-01, v29;
	v10 =	vadd.f32 v10, v18  }
0x52: {  	[tilespmem:$0x240] =	vst v12;
	v6 =	vadd.f32 v13, v6;
	v14 =	vmul.f32 $8.999999760e-01, v34;
	v29 =	vld [tilespmem:$0x1E0];
	v17 =	vmul.f32 $1.000000010e-01, v32  }
0x53: {  	v50 =	vld [tilespmem:$0x4B0];
	[tilespmem:$0x500] =	vst v62;
	v62 =	vmul.f32 $8.999999760e-01, v39;
	v7 =	vadd.f32 v20, v33;
	v43 =	vmul.f32 v10, v1  }
0x54: {  	v53 =	vld [tilespmem:$0x1C0];
	[tilespmem:$0x510] =	vst v63;
	v63 =	vmul.f32 $1.000000010e-01, v42;
	v3 =	vadd.f32 v17, v45;
	v23 =	vpop (erf);
	(erf) = vrcp.f32 v21  }
0x55: {  	v57 =	vld [tilespmem:$0x3C0];
	[tilespmem:$0x250] =	vst v5;
	v44 =	vmul.f32 v7, v1;
	v36 =	vpop (erf);
	(erf) = vrcp.f32 v22  }
0x56: {  	[tilespmem:$0x2B0] =	vst v6;
	v15 =	vsub.f32 v27, v0;
	v61 =	vld [tilespmem:$0x1D0];
	v59 =	vmul.f32 v3, v1;
	v47 =	vpop (erf);
	(erf) = vrcp.f32 v37  }
0x57: {  	v31 =	vld [tilespmem:$0x4E0];
	v19 =	vsub.f32 v28, v0;
	[tilespmem:$0x260] =	vst v10;
	v48 =	vmul.f32 $8.999999760e-01, v29;
	v21 =	vmul.f32 $1.000000010e-01, v35;
	v49 =	vpop (erf)  }
0x58: {  	v58 =	vld [tilespmem:$0x4C0];
	[tilespmem:$0x270] =	vst v7;
	v15 =	vmul.f32 v15, v23;
	v51 =	vpop (erf);
	(erf) = vrcp.f32 v24  }
0x59: {  	v2 =	vsub.f32 v40, v0;
	[tilespmem:$0x280] =	vst v3;
	v35 =	vmul.f32 $8.999999760e-01, v53;
	v38 =	vmul.f32 v19, v36;
	v37 =	vld [tilespmem:$0x3E0]  }
0x5a: {  	v27 =	vld [tilespmem:$0x4D0];
	v19 =	vsub.f32 v41, v0;
	v56 =	vadd.f32 v21, v14;
	v36 =	vmul.f32 $1.000000010e-01, v57;
	[tilespmem:$0x520] =	vst v15  }
0x5b: {  	v9 =	vsub.f32 v43, v0;
	v41 =	vmul.f32 $8.999999760e-01, v61;
	v2 =	vmul.f32 v2, v47;
	[tilespmem:$0x530] =	vst v38;
	v24 =	vld [tilespmem:$0x3D0]  }
0x5c: {  	v34 =	vld [tilespmem:$0x4F0];
	v52 =	vsub.f32 v44, v0;
	v8 =	vmul.f32 v19, v49;
	v60 =	vmul.f32 v56, v1;
	[tilespmem:$0x290] =	vst v56  }
0x5d: {  	v39 =	vld [tilespmem:$0x1F0];
	v7 =	vadd.f32 v36, v35;
	v54 =	vmul.f32 v9, v51;
	[tilespmem:$0x540] =	vst v2;
	(erf) = vrcp.f32 v50;
	v55 =	vpop (erf)  }
0x5e: {  	v43 =	vld [tilespmem:$0x3F0];
	v25 =	vsub.f32 v59, v0;
	[tilespmem:$0x550] =	vst v8;
	v49 =	vmul.f32 $1.000000010e-01, v37;
	v28 =	vpop (erf);
	(erf) = vrcp.f32 v58  }
0x5f: {  	v38 =	vmul.f32 v6, v1;
	v2 =	vadd.f32 v63, v62;
	[tilespmem:$0x2C0] =	vst v7;
	v30 =	vpop (erf);
	(erf) = vrcp.f32 v27  }
0x60: {  	[tilespmem:$0x560] =	vst v54;
	v42 =	vmul.f32 $1.000000010e-01, v24;
	v54 =	vadd.f32 v49, v48;
	(erf) = vrcp.f32 v31  }
0x61: {  	[tilespmem:$0x2A0] =	vst v2;
	v9 =	vmul.f32 v52, v55;
	v40 =	vpop (erf);
	(erf) = vrcp.f32 v34  }
0x62: {  	v26 =	vsub.f32 v60, v0;
	v33 =	vmul.f32 v2, v1;
	v5 =	vmul.f32 v25, v28;
	[tilespmem:$0x2E0] =	vst v54  }
0x63: {  	v56 =	vmul.f32 $1.000000010e-01, v43;
	v55 =	vmul.f32 $8.999999760e-01, v39;
	v45 =	vadd.f32 v42, v41;
	[tilespmem:$0x570] =	vst v9  }
0x64: {  	v46 =	vmul.f32 v7, v1;
	v8 =	vsub.f32 v33, v0;
	v32 =	vmul.f32 v26, v30;
	[tilespmem:$0x580] =	vst v5  }
0x65: {  	v44 =	vsub.f32 v38, v0;
	v4 =	vadd.f32 v56, v55;
	v52 =	vmul.f32 v45, v1;
	[tilespmem:$0x2D0] =	vst v45  }
0x66: {  	v51 =	vsub.f32 v46, v0;
	v58 =	vmul.f32 v54, v1;
	v3 =	vmul.f32 v8, v40;
	v47 =	vpop (erf);
	[tilespmem:$0x590] =	vst v32  }
0x67: {  	v1 =	vmul.f32 v4, v1;
	[tilespmem:$0x2F0] =	vst v4;
	v50 =	vmul.f32 v44, v47;
	v57 =	vsub.f32 v52, v0;
	v53 =	vpop (erf)  }
0x68: {  	v60 =	vsub.f32 v58, v0;
	[tilespmem:$0x5A0] =	vst v3;
	v5 =	vmul.f32 v51, v53;
	v59 =	vpop (erf)  }
0x69: {  	v0 =	vsub.f32 v1, v0;
	[tilespmem:$0x5B0] =	vst v50;
	v2 =	vmul.f32 v57, v59;
	v61 =	vpop (erf)  }
0x6a: {  	[tilespmem:$0x5C0] =	vst v5;
	v62 =	vmul.f32 v60, v61;
	v63 =	vpop (erf)  }
0x6b: {  	[tilespmem:$0x5D0] =	vst v2;
	v0 =	vmul.f32 v0, v63  }
0x6c: {  	[tilespmem:$0x5E0] =	vst v62  }
0x6d: {  	[tilespmem:$0x5F0] =	vst v0  }
0x6e: {  	[hbm4b:s2+s18] =	stream.indirect.scatter [tilespmem:s19], [sflag:$0x1], $0x1, s3, s18, $0xb8;
	[tilespmem:$0x700] =	vst v63  }
0x6f: {  	_ = 	snop  }
0x70: {  	[hbm4b:s2+s18] =	stream.indirect.scatter [tilespmem:s20], [sflag:$0x1], $0x1, s18, s18, $0xb8;
	[tilespmem:$0x700] =	vst v63  }
0x71: {  	_ =	swait.ge [sflag:s17], $0x80  }
0x72: {  	[sflag:s17] =	ssyncset.done $0x0  }
0x73: {  	[sflag:s17] =	ssyncadd.s32 $0xFFFFFF80  }
0x74: {  	_ =	swait.ge [sflag:s17], $0x80  }
0x75: {  	p0 =	sne.s32 s11, $0x1;
	[sflag:s17] =	ssyncset.done $0x0  }
.Ltmp0:
0x76: {  	[sflag:s17] =	ssyncadd.s32 $0xFFFFFF80;
	(pc) =	sbr.rel @p0 .LBB2_1-.Ltmp0, $4  }
0x77: {  	[hbm4b:s10+s3] =	stream.linear.scatter [tilespmem:s21], [sflag:$0x2], $0x100, $0x38;
	[tilespmem:$0x700] =	vst v63  }
0x78: {  	_ =	swait.ge [sflag:s22], $0x100  }
0x79: {  	[sflag:s22] =	ssyncset.done $0x0  }
0x7a: {  	s11 =	sadd.s32 $0xFFFFFFFF, s11;
	[sflag:s22] =	ssyncadd.s32 $0xFFFFFF00  }
0x7b: {  	_ =	sfence.sel $0x180000  }
0x7c: {  	[bflag:$0x0] =	sbarrier.arrive $0xFFFF  }
0x7d: {  	p0 =	sne.s32 s1, $0x0;
	_ =	strace $0x9000004A  }
0x7e: {  	s0 =	sadd.s32 @!p0 $0x100000, s0;
	[bflag:$0x2] =	sbarrier.arrive $0xFFFF  }
0x7f: {  	[sflag:s0] =	ssyncadd.tile.s32 @!p0 $0x1;
	_ =	shalt  }
.Lfunc_end2:
_tile_overlayer_lowered:
.L_overlay_start_2:
0x80: {  	(tag) =	ssettag $0x2  }
0x81: {  	s0 =	rddreg [dreg:$0x0];
	s2 =	stileid.u32  }
0x82: {  	s1 =	rddreg [dreg:$0x1];
	p0 =	sne.s32 s2, $0x0  }
0x83: {  	s3 =	rddreg [dreg:$0x2];
	[bflag:$0x3] =	sbarrier.arrive $0xFFFF;
	s2 =	simm.s32 @!p0 $0x1C02  }
0x84: {  	[timem:s3], [sflag:s2] =	dma.local @!p0 [hbm:s0], s1  }
0x85: {  	s0 =	simm.s32 @!p0 $0x2  }
0x86: {  	_ =	swait.ge @!p0 [sflag:s0], s1  }
0x87: {  	s1 =	ssub.s32 @!p0 $0x0, s1;
	[sflag:s0] =	ssyncset.done @!p0 $0x0  }
0x88: {  	[sflag:s0] =	ssyncadd.s32 @!p0 s1  }
0x89: {  	[bflag:$0x3] =	sbarrier.arrive $0xFFFF  }
0x8a: {  	_ =	shalt  }

// kernel: kernel.13.cloned.1.call-start
scs
__scs_entry_jumppad:
0x0: {  	(pc) =	sbr.rel $0x88, $3  }
0x1: {  	(tag) =	ssettag $0x0;
	lr =	simm.s32 $0x1  }
0x2: {  	[smem:$0x3F9B] =	sst lr;
	_ =	strace $0xD0000000  }
0x3: {  	_ = 	snop  }
0x4: {  	_ = 	snop  }
0x5: {  	_ = 	snop  }
0x6: {  	_ = 	snop  }
0x7: {  	_ = 	snop  }
__scs_overlays_trampoline_lowered:
0x8: {  	[smem:$0x3FAA] =	sst s0  }
0x9: {  	[smem:$0x3FAB] =	sst s1  }
0xa: {  	[smem:$0x3FAC] =	sst s2  }
0xb: {  	[smem:$0x3FAD] =	sst s3  }
0xc: {  	[smem:$0x3FAE] =	sst s4  }
0xd: {  	[smem:$0x3FAF] =	sst s5  }
0xe: {  	[smem:$0x3FB0] =	sst s6  }
0xf: {  	[smem:$0x3FB1] =	sst s7  }
0x10: {  	[smem:$0x3FB2] =	sst s8  }
0x11: {  	[smem:$0x3FB3] =	sst s9;
	s0 =	simm.s32 @!p0 $0x0  }
0x12: {  	s1 =	sld [smem:$0x3F99];
	s0 =	simm.s32 @p0 $0x1  }
0x13: {  	[smem:$0x3FB4] =	sst s0;
	s0 =	simm.s32 @!p1 $0x0  }
0x14: {  	s2 =	sld [smem:$0x3F98];
	s0 =	simm.s32 @p1 $0x1  }
0x15: {  	[smem:$0x3FB5] =	sst s0;
	s0 =	simm.s32 @!p2 $0x0  }
0x16: {  	s3 =	sld [smem:$0x3FDB];
	s0 =	simm.s32 @p2 $0x1  }
0x17: {  	s4 =	simm.s32 $0x1BF5;
	[smem:$0x3FB7] =	sst s0  }
0x18: {  	s0 =	sld [smem:$0x3F9A];
	_ =	swait.ge [sflag:s4], $0x0  }
0x19: {  	s7 =	sld [smem:$0x3F9B]  }
0x1a: {  	s8 =	sadd.s32 $0xFFFFE003, lr  }
0x1b: {  	s9 =	sadd.s32 $0xFFFFFEF7, lr;
	s5 =	simm.s32 $0xFFFFFFFF;
	p2 =	slt.u32 s8, $0xFFFFF086  }
0x1c: {  	p1 =	slt.u32 s9, $0xF7A;
	s5 =	simm.s32 @!p2 $0x0  }
0x1d: {  	s5 =	simm.s32 @p1 $0x1;
	p0 =	seq.s32 s7, s2  }
0x1e: {  	s7 =	smul.u32 @!p0 $0xF7A, s2;
	p2 =	seq.s32 @!p0 s5, $0x0  }
0x1f: {  	s9 =	smul.u32 $0xF7A, s1;
	s8 =	simm.s32 @!p0 $0x1BF5;
	p2 =	por !p2, p0  }
0x20: {  	[sflag:s8] =	ssyncset.s32 @!p0 $0xFFFFF086;
	s6 =	sadd.s32 @!p0 s3, s7;
	s7 =	simm.s32 @!p0 $0x108  }
0x21: {  	s3 =	sadd.s32 s3, s9;
	s6 =	sadd.s32 @!p0 $0x88, s6;
	s7 =	simm.s32 @p2 $0x1082  }
0x22: {  	[simem:s7], [sflag:s8] =	dma.local @!p0 [hbm:s6], $0xF7A  }
0x23: {  	s9 =	sor.u32 $0xD0000000, s2;
	s6 =	simm.s32 $0x108;
	_ =	swait.ge @!p0 [sflag:s8], $0x0  }
0x24: {  	s3 =	sadd.s32 $0x88, s3;
	s6 =	simm.s32 @!p1 $0x1082;
	[sflag:s4] =	ssyncset.s32 $0xFFFFF086  }
0x25: {  	[simem:s6], [sflag:s4] =	dma.local [hbm:s3], $0xF7A  }
0x26: {  	[smem:$0x3F9B] =	sst s1;
	(tag) =	ssettag s2;
	_ =	strace s9  }
0x27: {  	s1 =	sld [smem:$0x3FAB]  }
0x28: {  	s2 =	sld [smem:$0x3FAC]  }
0x29: {  	s4 =	sld [smem:$0x3FAE]  }
0x2a: {  	p0 =	seq.s32 s5, $0x0;
	s5 =	sld [smem:$0x3FAF]  }
0x2b: {  	s6 =	sld [smem:$0x3FB0]  }
0x2c: {  	s7 =	sld [smem:$0x3FB1]  }
0x2d: {  	s3 =	simm.s32 $0x108;
	s8 =	sld [smem:$0x3FB2]  }
0x2e: {  	s3 =	simm.s32 @!p0 $0x1082;
	s9 =	sld [smem:$0x3FB3]  }
0x2f: {  	lr =	sadd.s32 s0, s3;
	s0 =	sld [smem:$0x3FAA]  }
0x30: {  	s3 =	sld [smem:$0x3FAD]  }
0x31: {  	[smem:$0x3FB6] =	sst s10  }
0x32: {  	s10 =	sld [smem:$0x3FB4];
	_ =	sdelay $0x3  }
0x33: {  	p0 =	seq.s32 s10, $0x1;
	s10 =	sld [smem:$0x3FB6];
	_ =	sdelay $0x3  }
0x34: {  	[smem:$0x3FB6] =	sst s10  }
0x35: {  	s10 =	sld [smem:$0x3FB5];
	_ =	sdelay $0x3  }
0x36: {  	p1 =	seq.s32 s10, $0x1;
	s10 =	sld [smem:$0x3FB6];
	_ =	sdelay $0x3  }
0x37: {  	[smem:$0x3FB6] =	sst s10  }
0x38: {  	s10 =	sld [smem:$0x3FB7]  }
0x39: {  	_ = 	snop;
	(pc) =	sbr.ind lr, $3  }
0x3a: {  	_ = 	snop  }
0x3b: {  	_ = 	snop  }
0x3c: {  	p2 =	seq.s32 s10, $0x1;
	s10 =	sld [smem:$0x3FB6]  }
0x3d: {  	_ =	shalt  }
0x3e: {  	_ =	shalt  }
0x3f: {  	_ =	shalt  }
0x40: {  	_ =	shalt  }
0x41: {  	_ =	shalt  }
0x42: {  	_ =	shalt  }
0x43: {  	_ =	shalt  }
0x44: {  	_ =	shalt  }
0x45: {  	_ =	shalt  }
0x46: {  	_ =	shalt  }
0x47: {  	_ =	shalt  }
0x48: {  	_ =	shalt  }
0x49: {  	_ =	shalt  }
0x4a: {  	_ =	shalt  }
0x4b: {  	_ =	shalt  }
0x4c: {  	_ =	shalt  }
0x4d: {  	_ =	shalt  }
0x4e: {  	_ =	shalt  }
0x4f: {  	_ =	shalt  }
0x50: {  	_ =	shalt  }
0x51: {  	_ =	shalt  }
0x52: {  	_ =	shalt  }
0x53: {  	_ =	shalt  }
0x54: {  	_ =	shalt  }
0x55: {  	_ =	shalt  }
0x56: {  	_ =	shalt  }
0x57: {  	_ =	shalt  }
0x58: {  	_ =	shalt  }
0x59: {  	_ =	shalt  }
0x5a: {  	_ =	shalt  }
0x5b: {  	_ =	shalt  }
0x5c: {  	_ =	shalt  }
0x5d: {  	_ =	shalt  }
0x5e: {  	_ =	shalt  }
0x5f: {  	_ =	shalt  }
0x60: {  	_ =	shalt  }
0x61: {  	_ =	shalt  }
0x62: {  	_ =	shalt  }
0x63: {  	_ =	shalt  }
0x64: {  	_ =	shalt  }
0x65: {  	_ =	shalt  }
0x66: {  	_ =	shalt  }
0x67: {  	_ =	shalt  }
0x68: {  	_ =	shalt  }
0x69: {  	_ =	shalt  }
0x6a: {  	_ =	shalt  }
0x6b: {  	_ =	shalt  }
0x6c: {  	_ =	shalt  }
0x6d: {  	_ =	shalt  }
0x6e: {  	_ =	shalt  }
0x6f: {  	_ =	shalt  }
0x70: {  	_ =	shalt  }
0x71: {  	_ =	shalt  }
0x72: {  	_ =	shalt  }
0x73: {  	_ =	shalt  }
0x74: {  	_ =	shalt  }
0x75: {  	_ =	shalt  }
0x76: {  	_ =	shalt  }
0x77: {  	_ =	shalt  }
0x78: {  	_ =	shalt  }
0x79: {  	_ =	shalt  }
0x7a: {  	_ =	shalt  }
0x7b: {  	_ =	shalt  }
0x7c: {  	_ =	shalt  }
0x7d: {  	_ =	shalt  }
0x7e: {  	_ =	shalt  }
0x7f: {  	_ =	shalt  }
0x80: {  	_ =	shalt  }
0x81: {  	_ =	shalt  }
0x82: {  	_ =	shalt  }
0x83: {  	_ =	shalt  }
0x84: {  	_ =	shalt  }
0x85: {  	_ =	shalt  }
0x86: {  	_ =	shalt  }
0x87: {  	_ =	shalt  }
.Lfunc_end0:
.L_simem_size_0:
called_computation.2_lowered:
.L_overlay_start_0:
0x88: {  	s2 =	sld [smem:$0x3FD9]  }
0x89: {  	s3 =	sld [smem:$0x3FFE];
	_ =	sdelay $0x1  }
0x8a: {  	s1 =	srdreg.scid  }
0x8b: {  	s0 =	sand.u32 $0x1, s1  }
0x8c: {  	s14 =	sshll.u32 s0, $0xA;
	s2 =	sadd.s32 s3, s2  }
0x8d: {  	s2 =	sadd.s32 s2, s14  }
0x8e: {  	[smem:$0x3FC2] =	sst s2  }
0x8f: {  	_ = 	snop  }
0x90: {  	s2 =	sld [smem:$0x3FD0];
	_ =	sdelay $0x2  }
0x91: {  	s4 =	simm.s32 $0xA;
	s5 =	simm.s32 $0x10;
	s15 =	sld [smem:$0x3FC7]  }
0x92: {  	[smem:s5], [sflag:s4] =	dma.local [hbm:s2], $0x1  }
0x93: {  	_ =	swait.eq [sflag:s4], $0x1  }
0x94: {  	[sflag:s4] =	ssyncset.done $0x0  }
0x95: {  	s16 =	sld [smem:$0x10];
	[sflag:s4] =	ssyncadd.s32 $0xFFFFFFFF  }
0x96: {  	s17 =	sld [smem:$0x11];
	(tm) =	ssettm $0x1  }
0x97: {  	s18 =	sld [smem:$0x3FFB];
	_ =	sdelay $0x3  }
0x98: {  	_ =	strace s18  }
0x99: {  	s5 =	sld [smem:$0x3FFC];
	_ =	sdelay $0x3  }
0x9a: {  	_ =	strace s5  }
0x9b: {  	s5 =	sld [smem:$0x3FFD];
	_ =	sdelay $0x3  }
0x9c: {  	_ =	strace s5  }
0x9d: {  	_ =	strace $0x8FFFFFFF  }
0x9e: {  	s19 =	sld [smem:$0x3FDB];
	_ =	sdelay $0x1  }
0x9f: {  	s6 =	simm.s32 $_scs_section_size  }
0xa0: {  	s7 =	simm.s32 $_size__tile_overlayer_lowered;
	s8 =	simm.s32 $_tile_overlayer_lowered  }
0xa1: {  	s22 =	simm.s32 $0x1BFF;
	s21 =	sshll.u32 s8, $0x1;
	s5 =	sadd.s32 s6, s19  }
0xa2: {  	s9 =	simm.s32 $0x0;
	s20 =	sshll.u32 s7, $0x1;
	s7 =	sadd.s32 s21, s5  }
0xa3: {  	[timem:s9], [sflag:s22] =	dma.local [hbm:s7], s20  }
0xa4: {  	_ =	swait.ge [sflag:s22], s20  }
0xa5: {  	s6 =	ssub.s32 $0x0, s20;
	[sflag:s22] =	ssyncset.done $0x0  }
0xa6: {  	[sflag:s22] =	ssyncadd.s32 s6;
	_ =	sdelay $0x1  }
0xa7: {  	s23 =	simm.s32 $0x1B8B  }
0xa8: {  	_ =	swait.ge [sflag:s23], $0x1  }
0xa9: {  	[sflag:s23] =	ssyncset.done $0x0  }
0xaa: {  	s25 =	simm.s32 $0x1B8E;
	s24 =	sld [smem:$0x3FFE];
	[sflag:s23] =	ssyncadd.s32 $0xFFFFFFFF  }
0xab: {  	s26 =	simm.s32 $execute0_lowered;
	[smem:$0x3FD2] =	sst s25  }
0xac: {  	s7 =	sshll.u32 s26, $0x1;
	_ =	strace $0x8000004C;
	[dreg:$0x1] =	wrdreg $0xFFFFFFFF  }
0xad: {  	s28 =	simm.s32 $_size_execute0_lowered;
	s5 =	sadd.s32 s5, s7;
	[dreg:$0x0] =	wrdreg $0x0  }
0xae: {  	s7 =	sshll.u32 s28, $0x1;
	[dreg:$0x2] =	wrdreg s5  }
0xaf: {  	[dreg:$0x3] =	wrdreg s7  }
0xb0: {  	[dreg:$0x4] =	wrdreg $0xC0  }
0xb1: {  	_ =	task [dreg:s9], $0x5FFFF  }
0xb2: {  	[dreg:$0x1] =	wrdreg $0xFFFFFFFF  }
0xb3: {  	[dreg:$0x0] =	wrdreg $0x60  }
0xb4: {  	[dreg:$0x2] =	wrdreg s24  }
0xb5: {  	[dreg:$0x3] =	wrdreg s15  }
0xb6: {  	[dreg:$0x4] =	wrdreg s17  }
0xb7: {  	[dreg:$0x5] =	wrdreg s16  }
0xb8: {  	[dreg:$0x6] =	wrdreg $0x9  }
0xb9: {  	_ =	task.clear_ibuf [dreg:s9], $0x7FFFF;
	_ =	strace $0x9000004C  }
0xba: {  	s29 =	simm.s32 $0x9;
	_ =	strace $0x8000004E  }
0xbb: {  	_ =	swait.ge [sflag:s29], $0x1  }
0xbc: {  	[sflag:s29] =	ssyncadd.s32 $0xFFFFFFFF  }
0xbd: {  	_ =	strace $0x9000004E  }
0xbe: {  	_ =	sfence  }
0xbf: {  	s30 =	sld [smem:$0x0];
	_ =	sdelay $0x2  }
0xc0: {  	s31 =	sshll.u32 s1, $0xD;
	s1 =	sshrl.u32 s1, $0x2  }
0xc1: {  	s3 =	sand.u32 $0x4000, s31;
	s1 =	sadd.s32 s1, s30  }
0xc2: {  	s0 =	sor.u32 s3, s0;
	s1 =	sshll.u32 s1, $0x11  }
0xc3: {  	s0 =	sor.u32 s1, s0  }
0xc4: {  	s0 =	sadd.s32 $0x8F2B, s0  }
0xc5: {  	[sflag:s0] =	ssyncadd.remote.s32 $0x1  }
0xc6: {  	_ =	sfence.sel $0xFFFF  }
0xc7: {  	[dreg:$0x0] =	wrdreg $0xFFFFFFFF;
	(pc) =	sbr.abs _section_cstart, $3  }
0xc8: {  	[dreg:$0x1] =	wrdreg $0xFFFFFFFF  }
0xc9: {  	_ =	task.clear_ibuf [dreg:s9], $0x2FFFF;
	_ =	strace $0x9FFFFFFF  }
0xca: {  	(tm) =	ssettm $0x7FFFFFFF  }
0xcb: {  	_ =	shalt  }
tec
execute0_lowered:
.L_overlay_start_1:
0x0: {  	(tag) =	ssettag $0x1  }
0x1: {  	s5 =	rddreg [dreg:$0x0]  }
0x2: {  	s9 =	rddreg [dreg:$0x1]  }
0x3: {  	s2 =	rddreg [dreg:$0x2]  }
0x4: {  	s10 =	rddreg [dreg:$0x3]  }
0x5: {  	s3 =	srdreg.scid;
	s0 =	rddreg [dreg:$0x4]  }
0x6: {  	s1 =	stileid.u32;
	s13 =	simm.s32 $0x300;
	s14 =	simm.s32 $0x400  }
0x7: {  	s15 =	simm.s32 $0x600;
	s16 =	simm.s32 $0x680;
	s17 =	simm.s32 $0x1  }
0x8: {  	s18 =	simm.s32 $0x80;
	s19 =	simm.s32 $0x200;
	s20 =	simm.s32 $0x280  }
0x9: {  	s21 =	simm.s32 $0x500;
	s22 =	simm.s32 $0x2;
	s4 =	sand.u32 $0x1, s3  }
0xa: {  	s3 =	simm.s32 $0x0;
	s6 =	sshll.u32 s1, $0x6;
	s7 =	sshll.u32 s4, $0x5  }
0xb: {  	[smem:$0x7FF] =	sst s3;
	s31 =	ssub.s32 $0x2, s4;
	s4 =	sadd.s32 $0x3000, s5  }
0xc: {  	s6 =	sor.u32 s7, s6;
	_ =	strace $0x8000004D;
	s12 =	sshrl.u32 s31, $0x1  }
0xd: {  	s11 =	sor.u32 $0x400, s6;
	s8 =	sadd.s32 s6, s5;
	s12 =	ssub.s32 s31, s12  }
0xe: {  	s30 =	sadd.s32 s11, s5;
	s5 =	sadd.s32 $0x3200, s5;
	s6 =	sadd.s32 $0x3800, s8  }
0xf: {  	s8 =	sadd.s32 $0x3400, s8;
	s9 =	sadd.s32 s9, s11;
	s10 =	sadd.s32 s10, s11  }
0x10: {  	s11 =	smax.u32 s12, $0x1;
	s12 =	simm.s32 $0x100;
	s7 =	sadd.s32 $0x2000, s30  }
.LBB2_1:
0x11: {  	[tilespmem:s3], [sflag:$0x1] =	stream.linear.gather [hbm4b:s6+s3], $0x100, $0x38;
	[tilespmem:$0x700] =	vst v63  }
0x12: {  	_ = 	snop  }
0x13: {  	[tilespmem:s12], [sflag:$0x1] =	stream.linear.gather [hbm4b:s7+s3], $0x100, $0x38;
	[tilespmem:$0x700] =	vst v63  }
0x14: {  	_ = 	snop  }
0x15: {  	[tilespmem:s13], [sflag:$0x1] =	stream.linear.gather [hbm4b:s8+s3], $0x100, $0x38;
	[tilespmem:$0x700] =	vst v63  }
0x16: {  	_ = 	snop  }
0x17: {  	[tilespmem:s14], [sflag:$0x1] =	stream.linear.gather [hbm4b:s9+s3], $0x100, $0x38;
	[tilespmem:$0x700] =	vst v63  }
0x18: {  	_ = 	snop  }
0x19: {  	[tilespmem:s15], [sflag:$0x1] =	stream.linear.gather [hbm4b:s4+s3], $0x80, $0x38;
	[tilespmem:$0x700] =	vst v63  }
0x1a: {  	_ = 	snop  }
0x1b: {  	[tilespmem:s16], [sflag:$0x1] =	stream.linear.gather [hbm4b:s5+s3], $0x80, $0x38;
	[tilespmem:$0x700] =	vst v63  }
0x1c: {  	_ =	swait.ge [sflag:s17], $0x100  }
0x1d: {  	[sflag:s17] =	ssyncset.done $0x0  }
0x1e: {  	[sflag:s17] =	ssyncadd.s32 $0xFFFFFF00  }
0x1f: {  	_ =	swait.ge [sflag:s17], $0x100  }
0x20: {  	[sflag:s17] =	ssyncset.done $0x0  }
0x21: {  	[sflag:s17] =	ssyncadd.s32 $0xFFFFFF00  }
0x22: {  	_ =	swait.ge [sflag:s17], $0x100  }
0x23: {  	[sflag:s17] =	ssyncset.done $0x0  }
0x24: {  	[sflag:s17] =	ssyncadd.s32 $0xFFFFFF00  }
0x25: {  	_ =	swait.ge [sflag:s17], $0x100  }
0x26: {  	[sflag:s17] =	ssyncset.done $0x0  }
0x27: {  	[sflag:s17] =	ssyncadd.s32 $0xFFFFFF00  }
0x28: {  	_ =	swait.ge [sflag:s17], $0x80  }
0x29: {  	[sflag:s17] =	ssyncset.done $0x0  }
0x2a: {  	[sflag:s17] =	ssyncadd.s32 $0xFFFFFF80  }
0x2b: {  	_ =	swait.ge [sflag:s17], $0x80  }
0x2c: {  	[sflag:s17] =	ssyncset.done $0x0  }
0x2d: {  	[sflag:s17] =	ssyncadd.s32 $0xFFFFFF80  }
0x2e: {  	v1 =	vld [tilespmem:$0x600]  }
0x2f: {  	v0 =	vld [tilespmem:$0x680]  }
0x30: {  	v2 =	vld [tilespmem:$0x100]  }
0x31: {  	v3 =	vld [tilespmem:$0x300]  }
0x32: {  	v4 =	vld [tilespmem:$0x400]  }
0x33: {  	v5 =	vld [tilespmem:$0x110]  }
0x34: {  	v6 =	vld [tilespmem:$0x310]  }
0x35: {  	v7 =	vld [tilespmem:$0x410]  }
0x36: {  	v8 =	vld [tilespmem:$0x120]  }
0x37: {  	v9 =	vld [tilespmem:$0x320]  }
0x38: {  	v10 =	vld [tilespmem:$0x420]  }
0x39: {  	v11 =	vld [tilespmem:$0x130]  }
0x3a: {  	v55 =	vld [tilespmem:$0x330]  }
0x3b: {  	v56 =	vld [tilespmem:$0x430]  }
0x3c: {  	v12 =	vld [tilespmem:$0x140]  }
0x3d: {  	v13 =	vld [tilespmem:$0x340]  }
0x3e: {  	v58 =	vld [tilespmem:$0x440]  }
0x3f: {  	v59 =	vld [tilespmem:$0x150]  }
0x40: {  	v16 =	vld [tilespmem:$0x350]  }
0x41: {  	v17 =	vld [tilespmem:$0x450];
	v2 =	vmul.f32 $8.999999760e-01, v2  }
0x42: {  	v18 =	vld [tilespmem:$0x160];
	(erf) = vrcp.f32 v4;
	v3 =	vmul.f32 $1.000000010e-01, v3  }
0x43: {  	v26 =	vld [tilespmem:$0x170];
	v5 =	vmul.f32 $8.999999760e-01, v5;
	v6 =	vmul.f32 $1.000000010e-01, v6  }
0x44: {  	v31 =	vld [tilespmem:$0x180];
	v8 =	vmul.f32 $8.999999760e-01, v8;
	(erf) = vrcp.f32 v7  }
0x45: {  	v46 =	vld [tilespmem:$0x1B0];
	v9 =	vmul.f32 $1.000000010e-01, v9;
	v11 =	vmul.f32 $8.999999760e-01, v11  }
0x46: {  	v48 =	vld [tilespmem:$0x3B0];
	v4 =	vmul.f32 $1.000000010e-01, v55;
	v12 =	vmul.f32 $8.999999760e-01, v12  }
0x47: {  	v60 =	vld [tilespmem:$0x360];
	v13 =	vmul.f32 $1.000000010e-01, v13;
	v30 =	vmul.f32 $8.999999760e-01, v59  }
0x48: {  	v61 =	vld [tilespmem:$0x460];
	v16 =	vmul.f32 $1.000000010e-01, v16;
	v18 =	vmul.f32 $8.999999760e-01, v18  }
0x49: {  	v29 =	vld [tilespmem:$0x370];
	v33 =	vmul.f32 $8.999999760e-01, v26;
	v45 =	vmul.f32 $8.999999760e-01, v31;
	v2 =	vadd.f32 v3, v2  }
0x4a: {  	v21 =	vld [tilespmem:$0x470];
	v57 =	vadd.f32 v6, v5;
	v8 =	vadd.f32 v9, v8;
	v6 =	vmul.f32 $8.999999760e-01, v46  }
0x4b: {  	v32 =	vld [tilespmem:$0x380];
	v12 =	vadd.f32 v13, v12;
	v13 =	vmul.f32 $1.000000010e-01, v48;
	v14 =	vmul.f32 v2, v1  }
0x4c: {  	v22 =	vld [tilespmem:$0x480];
	v4 =	vadd.f32 v4, v11;
	v15 =	vmul.f32 v57, v1;
	v19 =	vpop (erf);
	(erf) = vrcp.f32 v10  }
0x4d: {  	v34 =	vld [tilespmem:$0x190];
	v27 =	vmul.f32 v8, v1;
	v20 =	vpop (erf);
	(erf) = vrcp.f32 v56  }
0x4e: {  	v35 =	vld [tilespmem:$0x390];
	v5 =	vadd.f32 v16, v30;
	v28 =	vmul.f32 v4, v1;
	(erf) = vrcp.f32 v58  }
0x4f: {  	v39 =	vld [tilespmem:$0x1A0];
	[tilespmem:$0x200] =	vst v2;
	v40 =	vmul.f32 v12, v1;
	v14 =	vsub.f32 v14, v0;
	(erf) = vrcp.f32 v17  }
0x50: {  	v42 =	vld [tilespmem:$0x3A0];
	[tilespmem:$0x210] =	vst v57;
	v15 =	vsub.f32 v15, v0;
	v10 =	vmul.f32 $1.000000010e-01, v60;
	(erf) = vrcp.f32 v61  }
0x51: {  	v37 =	vld [tilespmem:$0x490];
	v41 =	vmul.f32 v5, v1;
	[tilespmem:$0x220] =	vst v8;
	v62 =	vmul.f32 v14, v19  }
0x52: {  	v24 =	vld [tilespmem:$0x4A0];
	[tilespmem:$0x230] =	vst v4;
	v63 =	vmul.f32 v15, v20;
	v20 =	vmul.f32 $1.000000010e-01, v29;
	v10 =	vadd.f32 v10, v18  }
0x53: {  	[tilespmem:$0x240] =	vst v12;
	v6 =	vadd.f32 v13, v6;
	v14 =	vmul.f32 $8.999999760e-01, v34;
	v29 =	vld [tilespmem:$0x1E0];
	v17 =	vmul.f32 $1.000000010e-01, v32  }
0x54: {  	v50 =	vld [tilespmem:$0x4B0];
	[tilespmem:$0x500] =	vst v62;
	v62 =	vmul.f32 $8.999999760e-01, v39;
	v7 =	vadd.f32 v20, v33;
	v43 =	vmul.f32 v10, v1  }
0x55: {  	v53 =	vld [tilespmem:$0x1C0];
	[tilespmem:$0x510] =	vst v63;
	v63 =	vmul.f32 $1.000000010e-01, v42;
	v3 =	vadd.f32 v17, v45;
	v23 =	vpop (erf);
	(erf) = vrcp.f32 v21  }
0x56: {  	v57 =	vld [tilespmem:$0x3C0];
	[tilespmem:$0x250] =	vst v5;
	v44 =	vmul.f32 v7, v1;
	v36 =	vpop (erf);
	(erf) = vrcp.f32 v22  }
0x57: {  	[tilespmem:$0x2B0] =	vst v6;
	v15 =	vsub.f32 v27, v0;
	v61 =	vld [tilespmem:$0x1D0];
	v59 =	vmul.f32 v3, v1;
	v47 =	vpop (erf);
	(erf) = vrcp.f32 v37  }
0x58: {  	v31 =	vld [tilespmem:$0x4E0];
	v19 =	vsub.f32 v28, v0;
	[tilespmem:$0x260] =	vst v10;
	v48 =	vmul.f32 $8.999999760e-01, v29;
	v21 =	vmul.f32 $1.000000010e-01, v35;
	v49 =	vpop (erf)  }
0x59: {  	v58 =	vld [tilespmem:$0x4C0];
	[tilespmem:$0x270] =	vst v7;
	v15 =	vmul.f32 v15, v23;
	v51 =	vpop (erf);
	(erf) = vrcp.f32 v24  }
0x5a: {  	v2 =	vsub.f32 v40, v0;
	[tilespmem:$0x280] =	vst v3;
	v35 =	vmul.f32 $8.999999760e-01, v53;
	v38 =	vmul.f32 v19, v36;
	v37 =	vld [tilespmem:$0x3E0]  }
0x5b: {  	v27 =	vld [tilespmem:$0x4D0];
	v19 =	vsub.f32 v41, v0;
	v56 =	vadd.f32 v21, v14;
	v36 =	vmul.f32 $1.000000010e-01, v57;
	[tilespmem:$0x520] =	vst v15  }
0x5c: {  	v9 =	vsub.f32 v43, v0;
	v41 =	vmul.f32 $8.999999760e-01, v61;
	v2 =	vmul.f32 v2, v47;
	[tilespmem:$0x530] =	vst v38;
	v24 =	vld [tilespmem:$0x3D0]  }
0x5d: {  	v34 =	vld [tilespmem:$0x4F0];
	v52 =	vsub.f32 v44, v0;
	v8 =	vmul.f32 v19, v49;
	v60 =	vmul.f32 v56, v1;
	[tilespmem:$0x290] =	vst v56  }
0x5e: {  	v39 =	vld [tilespmem:$0x1F0];
	v7 =	vadd.f32 v36, v35;
	v54 =	vmul.f32 v9, v51;
	[tilespmem:$0x540] =	vst v2;
	(erf) = vrcp.f32 v50;
	v55 =	vpop (erf)  }
0x5f: {  	v43 =	vld [tilespmem:$0x3F0];
	v25 =	vsub.f32 v59, v0;
	[tilespmem:$0x550] =	vst v8;
	v49 =	vmul.f32 $1.000000010e-01, v37;
	v28 =	vpop (erf);
	(erf) = vrcp.f32 v58  }
0x60: {  	v38 =	vmul.f32 v6, v1;
	v2 =	vadd.f32 v63, v62;
	[tilespmem:$0x2C0] =	vst v7;
	v30 =	vpop (erf);
	(erf) = vrcp.f32 v27  }
0x61: {  	[tilespmem:$0x560] =	vst v54;
	v42 =	vmul.f32 $1.000000010e-01, v24;
	v54 =	vadd.f32 v49, v48;
	(erf) = vrcp.f32 v31  }
0x62: {  	[tilespmem:$0x2A0] =	vst v2;
	v9 =	vmul.f32 v52, v55;
	v40 =	vpop (erf);
	(erf) = vrcp.f32 v34  }
0x63: {  	v26 =	vsub.f32 v60, v0;
	v33 =	vmul.f32 v2, v1;
	v5 =	vmul.f32 v25, v28;
	[tilespmem:$0x2E0] =	vst v54  }
0x64: {  	v56 =	vmul.f32 $1.000000010e-01, v43;
	v55 =	vmul.f32 $8.999999760e-01, v39;
	v45 =	vadd.f32 v42, v41;
	[tilespmem:$0x570] =	vst v9  }
0x65: {  	v46 =	vmul.f32 v7, v1;
	v8 =	vsub.f32 v33, v0;
	v32 =	vmul.f32 v26, v30;
	[tilespmem:$0x580] =	vst v5  }
0x66: {  	v44 =	vsub.f32 v38, v0;
	v4 =	vadd.f32 v56, v55;
	v52 =	vmul.f32 v45, v1;
	[tilespmem:$0x2D0] =	vst v45  }
0x67: {  	v51 =	vsub.f32 v46, v0;
	v58 =	vmul.f32 v54, v1;
	v3 =	vmul.f32 v8, v40;
	v47 =	vpop (erf);
	[tilespmem:$0x590] =	vst v32  }
0x68: {  	v1 =	vmul.f32 v4, v1;
	[tilespmem:$0x2F0] =	vst v4;
	v50 =	vmul.f32 v44, v47;
	v57 =	vsub.f32 v52, v0;
	v53 =	vpop (erf)  }
0x69: {  	v60 =	vsub.f32 v58, v0;
	[tilespmem:$0x5A0] =	vst v3;
	v5 =	vmul.f32 v51, v53;
	v59 =	vpop (erf)  }
0x6a: {  	v0 =	vsub.f32 v1, v0;
	[tilespmem:$0x5B0] =	vst v50;
	v2 =	vmul.f32 v57, v59;
	v61 =	vpop (erf)  }
0x6b: {  	[tilespmem:$0x5C0] =	vst v5;
	v62 =	vmul.f32 v60, v61;
	v63 =	vpop (erf)  }
0x6c: {  	[tilespmem:$0x5D0] =	vst v2;
	v0 =	vmul.f32 v0, v63  }
0x6d: {  	[tilespmem:$0x5E0] =	vst v62  }
0x6e: {  	[tilespmem:$0x5F0] =	vst v0  }
0x6f: {  	[hbm4b:s2+s18] =	stream.indirect.scatter [tilespmem:s19], [sflag:$0x1], $0x1, s3, s18, $0xb8;
	[tilespmem:$0x700] =	vst v63  }
0x70: {  	_ = 	snop  }
0x71: {  	[hbm4b:s2+s18] =	stream.indirect.scatter [tilespmem:s20], [sflag:$0x1], $0x1, s18, s18, $0xb8;
	[tilespmem:$0x700] =	vst v63  }
0x72: {  	_ =	swait.ge [sflag:s17], $0x80  }
0x73: {  	[sflag:s17] =	ssyncset.done $0x0  }
0x74: {  	[sflag:s17] =	ssyncadd.s32 $0xFFFFFF80  }
0x75: {  	_ =	swait.ge [sflag:s17], $0x80  }
0x76: {  	p0 =	sne.s32 s11, $0x1;
	[sflag:s17] =	ssyncset.done $0x0  }
.Ltmp0:
0x77: {  	[sflag:s17] =	ssyncadd.s32 $0xFFFFFF80;
	(pc) =	sbr.rel @p0 .LBB2_1-.Ltmp0, $4  }
0x78: {  	[hbm4b:s10+s3] =	stream.linear.scatter [tilespmem:s21], [sflag:$0x2], $0x100, $0x38;
	[tilespmem:$0x700] =	vst v63  }
0x79: {  	_ =	swait.ge [sflag:s22], $0x100  }
0x7a: {  	[sflag:s22] =	ssyncset.done $0x0  }
0x7b: {  	s11 =	sadd.s32 $0xFFFFFFFF, s11;
	[sflag:s22] =	ssyncadd.s32 $0xFFFFFF00  }
0x7c: {  	_ =	sfence.sel $0x180000  }
0x7d: {  	[bflag:$0x0] =	sbarrier.arrive $0xFFFF  }
0x7e: {  	p0 =	sne.s32 s1, $0x0;
	_ =	strace $0x9000004D  }
0x7f: {  	s0 =	sadd.s32 @!p0 $0x100000, s0;
	[bflag:$0x2] =	sbarrier.arrive $0xFFFF  }
0x80: {  	[sflag:s0] =	ssyncadd.tile.s32 @!p0 $0x1;
	_ =	shalt  }
.Lfunc_end2:
_tile_overlayer_lowered:
.L_overlay_start_2:
0x81: {  	(tag) =	ssettag $0x2  }
0x82: {  	s0 =	rddreg [dreg:$0x0];
	s2 =	stileid.u32  }
0x83: {  	s1 =	rddreg [dreg:$0x1];
	p0 =	sne.s32 s2, $0x0  }
0x84: {  	s3 =	rddreg [dreg:$0x2];
	[bflag:$0x3] =	sbarrier.arrive $0xFFFF;
	s2 =	simm.s32 @!p0 $0x1C02  }
0x85: {  	[timem:s3], [sflag:s2] =	dma.local @!p0 [hbm:s0], s1  }
0x86: {  	s0 =	simm.s32 @!p0 $0x2  }
0x87: {  	_ =	swait.ge @!p0 [sflag:s0], s1  }
0x88: {  	s1 =	ssub.s32 @!p0 $0x0, s1;
	[sflag:s0] =	ssyncset.done @!p0 $0x0  }
0x89: {  	[sflag:s0] =	ssyncadd.s32 @!p0 s1  }
0x8a: {  	[bflag:$0x3] =	sbarrier.arrive $0xFFFF  }
0x8b: {  	_ =	shalt  }

// kernel: kernel.7.cloned.1.call-start
scs
__scs_entry_jumppad:
0x0: {  	(pc) =	sbr.rel $0x88, $3  }
0x1: {  	(tag) =	ssettag $0x0;
	lr =	simm.s32 $0x1  }
0x2: {  	[smem:$0x3F9B] =	sst lr;
	_ =	strace $0xD0000000  }
0x3: {  	_ = 	snop  }
0x4: {  	_ = 	snop  }
0x5: {  	_ = 	snop  }
0x6: {  	_ = 	snop  }
0x7: {  	_ = 	snop  }
__scs_overlays_trampoline_lowered:
0x8: {  	[smem:$0x3FAA] =	sst s0  }
0x9: {  	[smem:$0x3FAB] =	sst s1  }
0xa: {  	[smem:$0x3FAC] =	sst s2  }
0xb: {  	[smem:$0x3FAD] =	sst s3  }
0xc: {  	[smem:$0x3FAE] =	sst s4  }
0xd: {  	[smem:$0x3FAF] =	sst s5  }
0xe: {  	[smem:$0x3FB0] =	sst s6  }
0xf: {  	[smem:$0x3FB1] =	sst s7  }
0x10: {  	[smem:$0x3FB2] =	sst s8  }
0x11: {  	[smem:$0x3FB3] =	sst s9;
	s0 =	simm.s32 @!p0 $0x0  }
0x12: {  	s1 =	sld [smem:$0x3F99];
	s0 =	simm.s32 @p0 $0x1  }
0x13: {  	[smem:$0x3FB4] =	sst s0;
	s0 =	simm.s32 @!p1 $0x0  }
0x14: {  	s2 =	sld [smem:$0x3F98];
	s0 =	simm.s32 @p1 $0x1  }
0x15: {  	[smem:$0x3FB5] =	sst s0;
	s0 =	simm.s32 @!p2 $0x0  }
0x16: {  	s3 =	sld [smem:$0x3FDB];
	s0 =	simm.s32 @p2 $0x1  }
0x17: {  	s4 =	simm.s32 $0x1BF5;
	[smem:$0x3FB7] =	sst s0  }
0x18: {  	s0 =	sld [smem:$0x3F9A];
	_ =	swait.ge [sflag:s4], $0x0  }
0x19: {  	s7 =	sld [smem:$0x3F9B]  }
0x1a: {  	s8 =	sadd.s32 $0xFFFFE003, lr  }
0x1b: {  	s9 =	sadd.s32 $0xFFFFFEF7, lr;
	s5 =	simm.s32 $0xFFFFFFFF;
	p2 =	slt.u32 s8, $0xFFFFF086  }
0x1c: {  	p1 =	slt.u32 s9, $0xF7A;
	s5 =	simm.s32 @!p2 $0x0  }
0x1d: {  	s5 =	simm.s32 @p1 $0x1;
	p0 =	seq.s32 s7, s2  }
0x1e: {  	s7 =	smul.u32 @!p0 $0xF7A, s2;
	p2 =	seq.s32 @!p0 s5, $0x0  }
0x1f: {  	s9 =	smul.u32 $0xF7A, s1;
	s8 =	simm.s32 @!p0 $0x1BF5;
	p2 =	por !p2, p0  }
0x20: {  	[sflag:s8] =	ssyncset.s32 @!p0 $0xFFFFF086;
	s6 =	sadd.s32 @!p0 s3, s7;
	s7 =	simm.s32 @!p0 $0x108  }
0x21: {  	s3 =	sadd.s32 s3, s9;
	s6 =	sadd.s32 @!p0 $0x88, s6;
	s7 =	simm.s32 @p2 $0x1082  }
0x22: {  	[simem:s7], [sflag:s8] =	dma.local @!p0 [hbm:s6], $0xF7A  }
0x23: {  	s9 =	sor.u32 $0xD0000000, s2;
	s6 =	simm.s32 $0x108;
	_ =	swait.ge @!p0 [sflag:s8], $0x0  }
0x24: {  	s3 =	sadd.s32 $0x88, s3;
	s6 =	simm.s32 @!p1 $0x1082;
	[sflag:s4] =	ssyncset.s32 $0xFFFFF086  }
0x25: {  	[simem:s6], [sflag:s4] =	dma.local [hbm:s3], $0xF7A  }
0x26: {  	[smem:$0x3F9B] =	sst s1;
	(tag) =	ssettag s2;
	_ =	strace s9  }
0x27: {  	s1 =	sld [smem:$0x3FAB]  }
0x28: {  	s2 =	sld [smem:$0x3FAC]  }
0x29: {  	s4 =	sld [smem:$0x3FAE]  }
0x2a: {  	p0 =	seq.s32 s5, $0x0;
	s5 =	sld [smem:$0x3FAF]  }
0x2b: {  	s6 =	sld [smem:$0x3FB0]  }
0x2c: {  	s7 =	sld [smem:$0x3FB1]  }
0x2d: {  	s3 =	simm.s32 $0x108;
	s8 =	sld [smem:$0x3FB2]  }
0x2e: {  	s3 =	simm.s32 @!p0 $0x1082;
	s9 =	sld [smem:$0x3FB3]  }
0x2f: {  	lr =	sadd.s32 s0, s3;
	s0 =	sld [smem:$0x3FAA]  }
0x30: {  	s3 =	sld [smem:$0x3FAD]  }
0x31: {  	[smem:$0x3FB6] =	sst s10  }
0x32: {  	s10 =	sld [smem:$0x3FB4];
	_ =	sdelay $0x3  }
0x33: {  	p0 =	seq.s32 s10, $0x1;
	s10 =	sld [smem:$0x3FB6];
	_ =	sdelay $0x3  }
0x34: {  	[smem:$0x3FB6] =	sst s10  }
0x35: {  	s10 =	sld [smem:$0x3FB5];
	_ =	sdelay $0x3  }
0x36: {  	p1 =	seq.s32 s10, $0x1;
	s10 =	sld [smem:$0x3FB6];
	_ =	sdelay $0x3  }
0x37: {  	[smem:$0x3FB6] =	sst s10  }
0x38: {  	s10 =	sld [smem:$0x3FB7]  }
0x39: {  	_ = 	snop;
	(pc) =	sbr.ind lr, $3  }
0x3a: {  	_ = 	snop  }
0x3b: {  	_ = 	snop  }
0x3c: {  	p2 =	seq.s32 s10, $0x1;
	s10 =	sld [smem:$0x3FB6]  }
0x3d: {  	_ =	shalt  }
0x3e: {  	_ =	shalt  }
0x3f: {  	_ =	shalt  }
0x40: {  	_ =	shalt  }
0x41: {  	_ =	shalt  }
0x42: {  	_ =	shalt  }
0x43: {  	_ =	shalt  }
0x44: {  	_ =	shalt  }
0x45: {  	_ =	shalt  }
0x46: {  	_ =	shalt  }
0x47: {  	_ =	shalt  }
0x48: {  	_ =	shalt  }
0x49: {  	_ =	shalt  }
0x4a: {  	_ =	shalt  }
0x4b: {  	_ =	shalt  }
0x4c: {  	_ =	shalt  }
0x4d: {  	_ =	shalt  }
0x4e: {  	_ =	shalt  }
0x4f: {  	_ =	shalt  }
0x50: {  	_ =	shalt  }
0x51: {  	_ =	shalt  }
0x52: {  	_ =	shalt  }
0x53: {  	_ =	shalt  }
0x54: {  	_ =	shalt  }
0x55: {  	_ =	shalt  }
0x56: {  	_ =	shalt  }
0x57: {  	_ =	shalt  }
0x58: {  	_ =	shalt  }
0x59: {  	_ =	shalt  }
0x5a: {  	_ =	shalt  }
0x5b: {  	_ =	shalt  }
0x5c: {  	_ =	shalt  }
0x5d: {  	_ =	shalt  }
0x5e: {  	_ =	shalt  }
0x5f: {  	_ =	shalt  }
0x60: {  	_ =	shalt  }
0x61: {  	_ =	shalt  }
0x62: {  	_ =	shalt  }
0x63: {  	_ =	shalt  }
0x64: {  	_ =	shalt  }
0x65: {  	_ =	shalt  }
0x66: {  	_ =	shalt  }
0x67: {  	_ =	shalt  }
0x68: {  	_ =	shalt  }
0x69: {  	_ =	shalt  }
0x6a: {  	_ =	shalt  }
0x6b: {  	_ =	shalt  }
0x6c: {  	_ =	shalt  }
0x6d: {  	_ =	shalt  }
0x6e: {  	_ =	shalt  }
0x6f: {  	_ =	shalt  }
0x70: {  	_ =	shalt  }
0x71: {  	_ =	shalt  }
0x72: {  	_ =	shalt  }
0x73: {  	_ =	shalt  }
0x74: {  	_ =	shalt  }
0x75: {  	_ =	shalt  }
0x76: {  	_ =	shalt  }
0x77: {  	_ =	shalt  }
0x78: {  	_ =	shalt  }
0x79: {  	_ =	shalt  }
0x7a: {  	_ =	shalt  }
0x7b: {  	_ =	shalt  }
0x7c: {  	_ =	shalt  }
0x7d: {  	_ =	shalt  }
0x7e: {  	_ =	shalt  }
0x7f: {  	_ =	shalt  }
0x80: {  	_ =	shalt  }
0x81: {  	_ =	shalt  }
0x82: {  	_ =	shalt  }
0x83: {  	_ =	shalt  }
0x84: {  	_ =	shalt  }
0x85: {  	_ =	shalt  }
0x86: {  	_ =	shalt  }
0x87: {  	_ =	shalt  }
.Lfunc_end0:
.L_simem_size_0:
called_computation_lowered:
.L_overlay_start_0:
0x88: {  	s2 =	sld [smem:$0x3FD9]  }
0x89: {  	s3 =	sld [smem:$0x3FFE];
	_ =	sdelay $0x1  }
0x8a: {  	s1 =	srdreg.scid  }
0x8b: {  	s0 =	sand.u32 $0x1, s1  }
0x8c: {  	s14 =	sshll.u32 s0, $0xA;
	s2 =	sadd.s32 s3, s2  }
0x8d: {  	s2 =	sadd.s32 s2, s14  }
0x8e: {  	[smem:$0x3FC2] =	sst s2  }
0x8f: {  	_ = 	snop  }
0x90: {  	s2 =	sld [smem:$0x3FD0];
	_ =	sdelay $0x1  }
0x91: {  	s15 =	sld [smem:$0x3FC6]  }
0x92: {  	s5 =	simm.s32 $0xA;
	s6 =	simm.s32 $0x10;
	s4 =	sld [smem:$0x3FC5]  }
0x93: {  	[smem:s6], [sflag:s5] =	dma.local [hbm:s2], $0x1  }
0x94: {  	_ =	swait.eq [sflag:s5], $0x1  }
0x95: {  	[sflag:s5] =	ssyncset.done $0x0  }
0x96: {  	[sflag:s5] =	ssyncadd.s32 $0xFFFFFFFF  }
0x97: {  	s16 =	sld [smem:$0x11];
	(tm) =	ssettm $0x1  }
0x98: {  	s17 =	sld [smem:$0x3FFB];
	_ =	sdelay $0x3  }
0x99: {  	_ =	strace s17  }
0x9a: {  	s5 =	sld [smem:$0x3FFC];
	_ =	sdelay $0x3  }
0x9b: {  	_ =	strace s5  }
0x9c: {  	s5 =	sld [smem:$0x3FFD];
	_ =	sdelay $0x3  }
0x9d: {  	_ =	strace s5  }
0x9e: {  	_ =	strace $0x8FFFFFFF  }
0x9f: {  	s18 =	sld [smem:$0x3FDB];
	_ =	sdelay $0x1  }
0xa0: {  	s19 =	simm.s32 $_scs_section_size  }
0xa1: {  	s7 =	simm.s32 $_size__tile_overlayer_lowered;
	s8 =	simm.s32 $_tile_overlayer_lowered  }
0xa2: {  	s22 =	simm.s32 $0x1BFF;
	s21 =	sshll.u32 s8, $0x1;
	s5 =	sadd.s32 s19, s18  }
0xa3: {  	s9 =	simm.s32 $0x0;
	s20 =	sshll.u32 s7, $0x1;
	s7 =	sadd.s32 s21, s5  }
0xa4: {  	[timem:s9], [sflag:s22] =	dma.local [hbm:s7], s20  }
0xa5: {  	_ =	swait.ge [sflag:s22], s20  }
0xa6: {  	s6 =	ssub.s32 $0x0, s20;
	[sflag:s22] =	ssyncset.done $0x0  }
0xa7: {  	[sflag:s22] =	ssyncadd.s32 s6;
	_ =	sdelay $0x1  }
0xa8: {  	s23 =	simm.s32 $0x1B8B  }
0xa9: {  	_ =	swait.ge [sflag:s23], $0x1  }
0xaa: {  	[sflag:s23] =	ssyncset.done $0x0  }
0xab: {  	s25 =	simm.s32 $0x1B8E;
	s24 =	sld [smem:$0x3FFE];
	[sflag:s23] =	ssyncadd.s32 $0xFFFFFFFF  }
0xac: {  	s26 =	simm.s32 $execute0_lowered;
	[smem:$0x3FD2] =	sst s25  }
0xad: {  	s7 =	sshll.u32 s26, $0x1;
	_ =	strace $0x80000046;
	[dreg:$0x1] =	wrdreg $0xFFFFFFFF  }
0xae: {  	s28 =	simm.s32 $_size_execute0_lowered;
	s5 =	sadd.s32 s5, s7;
	[dreg:$0x0] =	wrdreg $0x0  }
0xaf: {  	s7 =	sshll.u32 s28, $0x1;
	[dreg:$0x2] =	wrdreg s5  }
0xb0: {  	[dreg:$0x3] =	wrdreg s7  }
0xb1: {  	[dreg:$0x4] =	wrdreg $0xC0  }
0xb2: {  	_ =	task [dreg:s9], $0x5FFFF  }
0xb3: {  	[dreg:$0x1] =	wrdreg $0xFFFFFFFF  }
0xb4: {  	[dreg:$0x0] =	wrdreg $0x60  }
0xb5: {  	[dreg:$0x2] =	wrdreg s15  }
0xb6: {  	[dreg:$0x3] =	wrdreg s4  }
0xb7: {  	[dreg:$0x4] =	wrdreg s16  }
0xb8: {  	[dreg:$0x5] =	wrdreg s24  }
0xb9: {  	[dreg:$0x6] =	wrdreg $0x9  }
0xba: {  	_ =	task.clear_ibuf [dreg:s9], $0x7FFFF;
	_ =	strace $0x90000046  }
0xbb: {  	s29 =	simm.s32 $0x9;
	_ =	strace $0x80000048  }
0xbc: {  	_ =	swait.ge [sflag:s29], $0x1  }
0xbd: {  	[sflag:s29] =	ssyncadd.s32 $0xFFFFFFFF  }
0xbe: {  	_ =	strace $0x90000048  }
0xbf: {  	_ =	sfence  }
0xc0: {  	s30 =	sld [smem:$0x0];
	_ =	sdelay $0x2  }
0xc1: {  	s31 =	sshll.u32 s1, $0xD;
	s1 =	sshrl.u32 s1, $0x2  }
0xc2: {  	s3 =	sand.u32 $0x4000, s31;
	s1 =	sadd.s32 s1, s30  }
0xc3: {  	s0 =	sor.u32 s3, s0;
	s1 =	sshll.u32 s1, $0x11  }
0xc4: {  	s0 =	sor.u32 s1, s0  }
0xc5: {  	s0 =	sadd.s32 $0x8F2B, s0  }
0xc6: {  	[sflag:s0] =	ssyncadd.remote.s32 $0x1  }
0xc7: {  	_ =	sfence.sel $0xFFFF  }
0xc8: {  	[dreg:$0x0] =	wrdreg $0xFFFFFFFF;
	(pc) =	sbr.abs _section_cstart, $3  }
0xc9: {  	[dreg:$0x1] =	wrdreg $0xFFFFFFFF  }
0xca: {  	_ =	task.clear_ibuf [dreg:s9], $0x2FFFF;
	_ =	strace $0x9FFFFFFF  }
0xcb: {  	(tm) =	ssettm $0x7FFFFFFF  }
tec
execute0_lowered:
.L_overlay_start_1:
0x0: {  	(tag) =	ssettag $0x1  }
0x1: {  	s1 =	rddreg [dreg:$0x0]  }
0x2: {  	s4 =	rddreg [dreg:$0x1]  }
0x3: {  	s25 =	rddreg [dreg:$0x2]  }
0x4: {  	s2 =	srdreg.scid;
	s0 =	stileid.u32  }
0x5: {  	s28 =	rddreg [dreg:$0x3];
	s29 =	sand.u32 $0x1, s2;
	s5 =	sshll.u32 s0, $0x1  }
0x6: {  	s3 =	simm.s32 $0x0;
	s2 =	rddreg [dreg:$0x4];
	s21 =	sor.u32 s29, s5  }
0x7: {  	[smem:$0x7FF] =	sst s3;
	s30 =	sshll.u32 s21, $0x6  }
0x8: {  	_ =	strace $0x80000047;
	s5 =	sadd.s32 s4, s30;
	s4 =	simm.s32 $0x4  }
0x9: {  	[tilespmem:s3], [sflag:$0x4] =	stream.linear.gather [hbm4b:s5+s3], $0x200, $0x38;
	[tilespmem:$0x7F00] =	vst v63  }
0xa: {  	_ =	swait.ge [sflag:s4], $0x200  }
0xb: {  	[sflag:s4] =	ssyncset.done $0x0  }
0xc: {  	s6 =	simm.s32 $0x80;
	s7 =	simm.s32 $0x200;
	[sflag:s4] =	ssyncadd.s32 $0xFFFFFE00  }
0xd: {  	[tilespmem:s7], [sflag:$0x3] =	stream.indirect.gather [hbm4b:s1+s6], $0x1, s3, s6, $0xb8;
	[tilespmem:$0x7F00] =	vst v63  }
0xe: {  	s8 =	simm.s32 $0x280;
	s9 =	simm.s32 $0x100  }
0xf: {  	[tilespmem:s8], [sflag:$0x3] =	stream.indirect.gather [hbm4b:s1+s6], $0x1, s6, s6, $0xb8;
	[tilespmem:$0x7F00] =	vst v63  }
0x10: {  	s10 =	simm.s32 $0x300;
	s12 =	simm.s32 $0x380;
	s11 =	smul.u32 $0x7A10, s21  }
0x11: {  	[tilespmem:s10], [sflag:$0x3] =	stream.indirect.gather [hbm4b:s1+s6], $0x1, s9, s6, $0xb8;
	[tilespmem:$0x7F00] =	vst v63  }
0x12: {  	s18 =	sshrl.u32 s11, $0x3;
	s14 =	sadd.s32 $0x3D08, s11;
	s11 =	simm.s32 $0x180  }
0x13: {  	[tilespmem:s12], [sflag:$0x3] =	stream.indirect.gather [hbm4b:s1+s6], $0x1, s11, s6, $0xb8;
	[tilespmem:$0x7F00] =	vst v63  }
0x14: {  	s13 =	sadd.s32 s1, s18;
	s19 =	sshrl.u32 s14, $0x3;
	s14 =	simm.s32 $0x400  }
0x15: {  	[tilespmem:s14], [sflag:$0x1] =	stream.linear.gather [hbm4b:s13+s3], $0x3D08, $0x38;
	[tilespmem:$0x7F00] =	vst v63  }
0x16: {  	s16 =	simm.s32 $0x4180;
	s17 =	simm.s32 $0x1;
	s15 =	sadd.s32 s1, s19  }
0x17: {  	[tilespmem:s16], [sflag:$0x1] =	stream.linear.gather [hbm4b:s15+s3], $0x3D08, $0x38;
	[tilespmem:$0x7F00] =	vst v63  }
0x18: {  	_ =	swait.ge [sflag:s17], $0x3D08  }
0x19: {  	[sflag:s17] =	ssyncset.done $0x0  }
0x1a: {  	s18 =	sadd.s32 s25, s18;
	[sflag:s17] =	ssyncadd.s32 $0xFFFFC2F8  }
0x1b: {  	[hbm4b:s18+s3] =	stream.linear.scatter [tilespmem:s14], [sflag:$0x2], $0x3D08, $0x38;
	[tilespmem:$0x7F00] =	vst v63  }
0x1c: {  	_ =	swait.ge [sflag:s17], $0x3D08  }
0x1d: {  	[sflag:s17] =	ssyncset.done $0x0  }
0x1e: {  	s20 =	simm.s32 $0x2;
	s19 =	sadd.s32 s25, s19;
	[sflag:s17] =	ssyncadd.s32 $0xFFFFC2F8  }
0x1f: {  	[hbm4b:s19+s3] =	stream.linear.scatter [tilespmem:s16], [sflag:$0x2], $0x3D08, $0x38;
	[tilespmem:$0x7F00] =	vst v63  }
0x20: {  	_ =	swait.ge [sflag:s20], $0x3D08  }
0x21: {  	[sflag:s20] =	ssyncset.done $0x0  }
0x22: {  	[sflag:s20] =	ssyncadd.s32 $0xFFFFC2F8  }
0x23: {  	p0 =	sne.s32 s21, $0x0;
	_ =	swait.ge [sflag:s20], $0x3D08  }
0x24: {  	s21 =	sadd.s32 $0x1E840, s1;
	s22 =	simm.s32 @!p0 $0x0;
	[sflag:s20] =	ssyncset.done $0x0  }
0x25: {  	s23 =	simm.s32 @!p0 $0x400;
	s24 =	simm.s32 @!p0 $0x4;
	[sflag:s20] =	ssyncadd.s32 $0xFFFFC2F8  }
0x26: {  	[tilespmem:s23], [sflag:$0x4] =	stream.linear.gather @!p0 [hbm4b:s21+s22], $0x40, $0x38;
	[tilespmem:$0x7F00] =	vst v63  }
0x27: {  	_ =	swait.ge @!p0 [sflag:s24], $0x40  }
0x28: {  	[sflag:s24] =	ssyncset.done @!p0 $0x0  }
0x29: {  	s25 =	sadd.s32 $0x1E840, s25;
	[sflag:s24] =	ssyncadd.s32 @!p0 $0xFFFFFFC0  }
0x2a: {  	[hbm4b:s25+s22] =	stream.linear.scatter @!p0 [tilespmem:s23], [sflag:$0x4], $0x40, $0x38;
	[tilespmem:$0x7F00] =	vst v63  }
0x2b: {  	_ =	swait.ge @!p0 [sflag:s24], $0x40  }
0x2c: {  	[sflag:s24] =	ssyncset.done @!p0 $0x0  }
0x2d: {  	s26 =	simm.s32 $0x3;
	[sflag:s24] =	ssyncadd.s32 @!p0 $0xFFFFFFC0  }
0x2e: {  	_ =	swait.ge [sflag:s26], $0x80  }
0x2f: {  	[sflag:s26] =	ssyncset.done $0x0  }
0x30: {  	[sflag:s26] =	ssyncadd.s32 $0xFFFFFF80  }
0x31: {  	_ =	swait.ge [sflag:s26], $0x80  }
0x32: {  	s29 =	ssub.s32 $0x2, s29;
	[sflag:s26] =	ssyncset.done $0x0  }
0x33: {  	s31 =	sshrl.u32 s29, $0x1;
	[sflag:s26] =	ssyncadd.s32 $0xFFFFFF80  }
0x34: {  	s29 =	ssub.s32 s29, s31;
	_ =	swait.ge [sflag:s26], $0x80  }
0x35: {  	s29 =	smax.u32 s29, $0x1;
	[sflag:s26] =	ssyncset.done $0x0  }
0x36: {  	s29 =	sadd.s32 $0xFFFFFFFF, s29;
	[sflag:s26] =	ssyncadd.s32 $0xFFFFFF80  }
0x37: {  	p1 =	sne.s32 s29, $0x0;
	_ =	swait.ge [sflag:s26], $0x80  }
.Ltmp0:
0x38: {  	s28 =	sadd.s32 s30, s28;
	[sflag:s26] =	ssyncset.done $0x0;
	(pc) =	sbr.rel @!p1 .LBB2_2-.Ltmp0, $4  }
0x39: {  	s28 =	sadd.s32 $0x2000, s28;
	[sflag:s26] =	ssyncadd.s32 $0xFFFFFF80  }
0x3a: {  	[hbm4b:s28+s3] =	stream.linear.scatter [tilespmem:s7], [sflag:$0x4], $0x200, $0x38;
	[tilespmem:$0x7F00] =	vst v63  }
0x3b: {  	_ =	swait.ge [sflag:s4], $0x200  }
0x3c: {  	[sflag:s4] =	ssyncset.done $0x0  }
.LBB2_1:
0x3d: {  	s29 =	sadd.s32 $0xFFFFFFFF, s29;
	[sflag:s4] =	ssyncadd.s32 $0xFFFFFE00  }
0x3e: {  	[tilespmem:s3], [sflag:$0x4] =	stream.linear.gather [hbm4b:s5+s3], $0x200, $0x38;
	[tilespmem:$0x7F00] =	vst v63  }
0x3f: {  	p1 =	sne.s32 s29, $0x0;
	_ =	swait.ge [sflag:s4], $0x200  }
0x40: {  	[sflag:s4] =	ssyncset.done $0x0  }
0x41: {  	[sflag:s4] =	ssyncadd.s32 $0xFFFFFE00  }
0x42: {  	[tilespmem:s7], [sflag:$0x3] =	stream.indirect.gather [hbm4b:s1+s6], $0x1, s3, s6, $0xb8;
	[tilespmem:$0x7F00] =	vst v63  }
0x43: {  	_ = 	snop  }
0x44: {  	[tilespmem:s8], [sflag:$0x3] =	stream.indirect.gather [hbm4b:s1+s6], $0x1, s6, s6, $0xb8;
	[tilespmem:$0x7F00] =	vst v63  }
0x45: {  	_ = 	snop  }
0x46: {  	[tilespmem:s10], [sflag:$0x3] =	stream.indirect.gather [hbm4b:s1+s6], $0x1, s9, s6, $0xb8;
	[tilespmem:$0x7F00] =	vst v63  }
0x47: {  	_ = 	snop  }
0x48: {  	[tilespmem:s12], [sflag:$0x3] =	stream.indirect.gather [hbm4b:s1+s6], $0x1, s11, s6, $0xb8;
	[tilespmem:$0x7F00] =	vst v63  }
0x49: {  	_ = 	snop  }
0x4a: {  	[tilespmem:s14], [sflag:$0x1] =	stream.linear.gather [hbm4b:s13+s3], $0x3D08, $0x38;
	[tilespmem:$0x7F00] =	vst v63  }
0x4b: {  	_ = 	snop  }
0x4c: {  	[tilespmem:s16], [sflag:$0x1] =	stream.linear.gather [hbm4b:s15+s3], $0x3D08, $0x38;
	[tilespmem:$0x7F00] =	vst v63  }
0x4d: {  	_ =	swait.ge [sflag:s17], $0x3D08  }
0x4e: {  	[sflag:s17] =	ssyncset.done $0x0  }
0x4f: {  	[sflag:s17] =	ssyncadd.s32 $0xFFFFC2F8  }
0x50: {  	[hbm4b:s18+s3] =	stream.linear.scatter [tilespmem:s14], [sflag:$0x2], $0x3D08, $0x38;
	[tilespmem:$0x7F00] =	vst v63  }
0x51: {  	_ =	swait.ge [sflag:s17], $0x3D08  }
0x52: {  	[sflag:s17] =	ssyncset.done $0x0  }
0x53: {  	[sflag:s17] =	ssyncadd.s32 $0xFFFFC2F8  }
0x54: {  	[hbm4b:s19+s3] =	stream.linear.scatter [tilespmem:s16], [sflag:$0x2], $0x3D08, $0x38;
	[tilespmem:$0x7F00] =	vst v63  }
0x55: {  	_ =	swait.ge [sflag:s20], $0x3D08  }
0x56: {  	[sflag:s20] =	ssyncset.done $0x0  }
0x57: {  	[sflag:s20] =	ssyncadd.s32 $0xFFFFC2F8  }
0x58: {  	_ =	swait.ge [sflag:s20], $0x3D08  }
0x59: {  	[sflag:s20] =	ssyncset.done $0x0  }
0x5a: {  	[sflag:s20] =	ssyncadd.s32 $0xFFFFC2F8  }
0x5b: {  	[tilespmem:s23], [sflag:$0x4] =	stream.linear.gather @!p0 [hbm4b:s21+s22], $0x40, $0x38;
	[tilespmem:$0x7F00] =	vst v63  }
0x5c: {  	_ =	swait.ge @!p0 [sflag:s24], $0x40  }
0x5d: {  	[sflag:s24] =	ssyncset.done @!p0 $0x0  }
0x5e: {  	[sflag:s24] =	ssyncadd.s32 @!p0 $0xFFFFFFC0  }
0x5f: {  	[hbm4b:s25+s22] =	stream.linear.scatter @!p0 [tilespmem:s23], [sflag:$0x4], $0x40, $0x38;
	[tilespmem:$0x7F00] =	vst v63  }
0x60: {  	_ =	swait.ge @!p0 [sflag:s24], $0x40  }
0x61: {  	[sflag:s24] =	ssyncset.done @!p0 $0x0  }
0x62: {  	[sflag:s24] =	ssyncadd.s32 @!p0 $0xFFFFFFC0  }
0x63: {  	_ =	swait.ge [sflag:s26], $0x80  }
0x64: {  	[sflag:s26] =	ssyncset.done $0x0  }
0x65: {  	[sflag:s26] =	ssyncadd.s32 $0xFFFFFF80  }
0x66: {  	_ =	swait.ge [sflag:s26], $0x80  }
0x67: {  	[sflag:s26] =	ssyncset.done $0x0  }
0x68: {  	[sflag:s26] =	ssyncadd.s32 $0xFFFFFF80  }
0x69: {  	_ =	swait.ge [sflag:s26], $0x80  }
0x6a: {  	[sflag:s26] =	ssyncset.done $0x0  }
0x6b: {  	[sflag:s26] =	ssyncadd.s32 $0xFFFFFF80  }
0x6c: {  	_ =	swait.ge [sflag:s26], $0x80  }
.Ltmp1:
0x6d: {  	[sflag:s26] =	ssyncset.done $0x0;
	(pc) =	sbr.rel @p1 .LBB2_1-.Ltmp1, $4  }
0x6e: {  	[sflag:s26] =	ssyncadd.s32 $0xFFFFFF80  }
0x6f: {  	[hbm4b:s28+s3] =	stream.linear.scatter [tilespmem:s7], [sflag:$0x4], $0x200, $0x38;
	[tilespmem:$0x7F00] =	vst v63  }
0x70: {  	_ =	swait.ge [sflag:s4], $0x200  }
0x71: {  	[sflag:s4] =	ssyncset.done $0x0  }
.LBB2_2:
0x72: {  	[sflag:s4] =	ssyncadd.s32 $0xFFFFFE00  }
0x73: {  	_ =	sfence.sel $0x180000  }
0x74: {  	[bflag:$0x0] =	sbarrier.arrive $0xFFFF  }
0x75: {  	p0 =	sne.s32 s0, $0x0;
	_ =	strace $0x90000047  }
0x76: {  	s0 =	sadd.s32 @!p0 $0x100000, s2;
	[bflag:$0x2] =	sbarrier.arrive $0xFFFF  }
0x77: {  	[sflag:s0] =	ssyncadd.tile.s32 @!p0 $0x1;
	_ =	shalt  }
.Lfunc_end2:
_tile_overlayer_lowered:
.L_overlay_start_2:
0x78: {  	(tag) =	ssettag $0x2  }
0x79: {  	s0 =	rddreg [dreg:$0x0];
	s2 =	stileid.u32  }
0x7a: {  	s1 =	rddreg [dreg:$0x1];
	p0 =	sne.s32 s2, $0x0  }
0x7b: {  	s3 =	rddreg [dreg:$0x2];
	[bflag:$0x3] =	sbarrier.arrive $0xFFFF;
	s2 =	simm.s32 @!p0 $0x1C04  }
0x7c: {  	[timem:s3], [sflag:s2] =	dma.local @!p0 [hbm:s0], s1  }
0x7d: {  	s0 =	simm.s32 @!p0 $0x4  }
0x7e: {  	_ =	swait.ge @!p0 [sflag:s0], s1  }
0x7f: {  	s1 =	ssub.s32 @!p0 $0x0, s1;
	[sflag:s0] =	ssyncset.done @!p0 $0x0  }
0x80: {  	[sflag:s0] =	ssyncadd.s32 @!p0 s1  }
0x81: {  	[bflag:$0x3] =	sbarrier.arrive $0xFFFF  }
0x82: {  	_ =	shalt  }

</sc_bundles>
